<compile_context>
chip_gen: v7x
topology: tpu7x:2x2x1
jax: 0.10.2.dev20260603
libtpu: 0.0.44.dev20260713+nightly
codegen_flags: <defaults>
</compile_context>

<pallas_src>
import functools

import jax
import jax.numpy as jnp
from jax import lax
from jax.experimental import pallas as pl
from jax.experimental.pallas import tpu as pltpu
from jax.experimental.pallas import tpu_sc as plsc

NUM_CLASSES_ = 1000
N_ = 16384
NC_ = 2
NS_ = 16
L_ = 16
NW_ = NC_ * NS_
RPW_ = N_ // NW_
SUB_ = 16
FB_ = SUB_ * NUM_CLASSES_
NB_ = 4
ITERS_ = RPW_ // SUB_


def _sc_onehot(idx_hbm, zeros_hbm, out_hbm, idx_v, bufs, zsem, sems):
    wid = lax.axis_index("s") * NC_ + lax.axis_index("c")
    base = wid * RPW_
    pltpu.sync_copy(idx_hbm.at[pl.ds(base, RPW_)], idx_v)
    pltpu.make_async_copy(zeros_hbm, bufs, zsem).start()

    zeros16 = jnp.zeros((L_,), jnp.int32)
    ones16 = jnp.ones((L_,), jnp.int32)
    rows16 = lax.iota(jnp.int32, L_)

    def copies(b, t):
        return [
            pltpu.make_async_copy(
                bufs.at[b],
                out_hbm.at[pl.ds(base + t * SUB_, SUB_), :],
                sems.at[b],
            )
        ]

    pltpu.make_async_copy(zeros_hbm, bufs, zsem).wait()

    for t in range(ITERS_):
        b = t % NB_
        if t >= NB_:
            for cp in copies(b, t - NB_):
                cp.wait()
            for k in range(SUB_ // L_):
                col16 = idx_v[pl.ds((t - NB_) * SUB_ + k * L_, L_)]
                plsc.store_scatter(bufs.at[b], [rows16 + k * L_, col16], zeros16)
        for k in range(SUB_ // L_):
            col16 = idx_v[pl.ds(t * SUB_ + k * L_, L_)]
            plsc.store_scatter(bufs.at[b], [rows16 + k * L_, col16], ones16)
        for cp in copies(b, t):
            cp.start()

    for t in range(ITERS_ - NB_, ITERS_):
        for cp in copies(t % NB_, t):
            cp.wait()


def kernel(input):
    mesh = plsc.VectorSubcoreMesh(core_axis_name="c", subcore_axis_name="s")
    f = functools.partial(
        pl.kernel,
        out_type=jax.ShapeDtypeStruct((N_, NUM_CLASSES_), jnp.int32),
        mesh=mesh,
        compiler_params=pltpu.CompilerParams(use_tc_tiling_on_sc=False, needs_layout_passes=False),
        scratch_types=[
            pltpu.VMEM((RPW_,), jnp.int32),
            pltpu.VMEM((NB_, SUB_, NUM_CLASSES_), jnp.int32),
            pltpu.SemaphoreType.DMA,
            pltpu.SemaphoreType.DMA((NB_,)),
        ],
    )(_sc_onehot)
    zeros = jnp.zeros((NB_, SUB_, NUM_CLASSES_), jnp.int32)
    return f(input.astype(jnp.int32), zeros)

# --- scband reference (transcript-rebuilt; emitter-appended) ---
"""Pipeline reference for scband-one-hot-56229711839380 (READ-ONLY COPY).

The authoritative reference and input builder live on the scoring server;
editing this copy changes nothing except your own understanding.
"""

import jax, jax.numpy as jnp
import numpy as np

NUM_CLASSES = 1000

def setup_inputs(seed: int = 0) -> dict:
    key = jax.random.key(seed)
    input = jax.random.randint(key, (16384,), 0, NUM_CLASSES, dtype=jnp.int64)
    return {"input": input}

def reference(input):
    # Faithful translation of torch.nn.functional.one_hot(input, num_classes):
    # produces an integer one-hot tensor of shape input.shape + (num_classes,).
    classes = jnp.arange(NUM_CLASSES, dtype=input.dtype)
    out = (input[..., None] == classes).astype(jnp.int64)
    return out

if __name__ == "__main__":
    import jax
    _d = setup_inputs()
    print(jax.jit(kernel)(*tuple(_d.values())))

</pallas_src>

<mosaic_0001>
#map = affine_map<(d0, d1) -> (0)>
#map1 = affine_map<(d0, d1) -> (0, 0, 0)>
#map2 = affine_map<(d0, d1) -> (0, 0)>
module attributes {stable_mosaic.version = 14 : i64} {
  func.func @_sc_onehot(%arg0: i32, %arg1: i32, %arg2: memref<16384xi32, #tpu.memory_space<hbm>>, %arg3: memref<4x16x1000xi32, #tpu.memory_space<hbm>>, %arg4: memref<16384x1000xi32, #tpu.memory_space<hbm>>, %arg5: memref<512xi32, #tpu.memory_space<vmem>>, %arg6: memref<4x16x1000xi32, #tpu.memory_space<vmem>>, %arg7: memref<!tpu.dma_semaphore, #tpu.memory_space<semaphore_mem>>, %arg8: memref<4x!tpu.dma_semaphore, #tpu.memory_space<semaphore_mem>>) attributes {dimension_semantics = [#tpu.dimension_semantics<core_parallel>, #tpu.dimension_semantics<subcore_parallel>], iteration_bounds = array<i64: 2, 16>, scalar_prefetch = 0 : i64, scratch_operands = 4 : i64, tpu.core_type = #tpu.core_type<sc_vector_subcore>, window_params = [{transform_indices = #map}, {transform_indices = #map1}, {transform_indices = #map2}]} {
    %mul3A = arith.constant 2 : i32
    %mul3A_0 = arith.muli %arg1, %mul3A : i32
    %add3A = arith.addi %mul3A_0, %arg0 : i32
    %mul3A_1 = arith.constant 512 : i32
    %mul3A_2 = arith.muli %add3A, %mul3A_1 : i32
    "tpu.region"() ({
      %run_scoped3A = tpu.sem_alloc : memref<!tpu.dma_semaphore, #tpu.memory_space<semaphore_mem>>
      %dma_start3A_1754 = tpu.memref_slice %arg2[%mul3A_2] : memref<16384xi32, #tpu.memory_space<hbm>> -> memref<512xi32, #tpu.memory_space<hbm>>
      %dma_start3A_1755 = tpu.memref_slice %arg2[%mul3A_2] : memref<16384xi32, #tpu.memory_space<hbm>> -> memref<512xi32, #tpu.memory_space<hbm>>
      tpu.enqueue_dma source(%dma_start3A_1755 : memref<512xi32, #tpu.memory_space<hbm>>) target(%arg5 : memref<512xi32, #tpu.memory_space<vmem>>) target_semaphore(%run_scoped3A : memref<!tpu.dma_semaphore, #tpu.memory_space<semaphore_mem>>)
      %dma_wait3A_1756 = tpu.memref_slice %arg2[%mul3A_2] : memref<16384xi32, #tpu.memory_space<hbm>> -> memref<512xi32, #tpu.memory_space<hbm>>
      %dma_wait3A_1757 = tpu.memref_slice %arg2[%mul3A_2] : memref<16384xi32, #tpu.memory_space<hbm>> -> memref<512xi32, #tpu.memory_space<hbm>>
      tpu.wait_dma2 semaphore(%run_scoped3A : memref<!tpu.dma_semaphore, #tpu.memory_space<semaphore_mem>>) src(%dma_wait3A_1757 : memref<512xi32, #tpu.memory_space<hbm>>) dst(%arg5 : memref<512xi32, #tpu.memory_space<vmem>>)
      tpu.yield
    }) : () -> ()
    tpu.enqueue_dma source(%arg3 : memref<4x16x1000xi32, #tpu.memory_space<hbm>>) target(%arg6 : memref<4x16x1000xi32, #tpu.memory_space<vmem>>) target_semaphore(%arg7 : memref<!tpu.dma_semaphore, #tpu.memory_space<semaphore_mem>>)
    %broadcast_in_dim3A = arith.constant 0 : i32
    %broadcast_in_dim3A_3 = vector.broadcast %broadcast_in_dim3A : i32 to vector<16xi32>
    %broadcast_in_dim3A_4 = arith.constant 1 : i32
    %broadcast_in_dim3A_5 = vector.broadcast %broadcast_in_dim3A_4 : i32 to vector<16xi32>
    %iota3A = tpu.iota {dimensions = array<i32: 0>} : vector<16xi32>
    tpu.wait_dma2 semaphore(%arg7 : memref<!tpu.dma_semaphore, #tpu.memory_space<semaphore_mem>>) src(%arg3 : memref<4x16x1000xi32, #tpu.memory_space<hbm>>) dst(%arg6 : memref<4x16x1000xi32, #tpu.memory_space<vmem>>)
    %get3A = arith.constant 0 : index
    %get3A_6 = tpu.vector_load %arg5[%get3A] {strides = array<i32>} : memref<512xi32, #tpu.memory_space<vmem>>, vector<16xi32>,
    %add3A_7 = arith.constant 0 : i32
    %add3A_8 = vector.broadcast %add3A_7 : i32 to vector<16xi32>
    %add3A_9 = arith.addi %iota3A, %add3A_8 : vector<16xi32>
    %scatter3A = arith.constant 0 : i32
    %scatter3A_10 = arith.constant 0 : i32
    %scatter3A_11 = arith.constant 0 : i32
    %scatter3A_12 = tpu.memref_slice %arg6[%scatter3A, %scatter3A_10, %scatter3A_11] : memref<4x16x1000xi32, #tpu.memory_space<vmem>> -> memref<1x16x1000xi32, #tpu.memory_space<vmem>>
    %scatter3A_13 = tpu.memref_squeeze %scatter3A_12 : memref<1x16x1000xi32, #tpu.memory_space<vmem>> -> memref<16x1000xi32, #tpu.memory_space<vmem>>
    tpu.vector_store_idx %scatter3A_13[%add3A_9, %get3A_6], %broadcast_in_dim3A_5 : memref<16x1000xi32, #tpu.memory_space<vmem>>[vector<16xi32>, vector<16xi32>], vector<16xi32>,
    %add3A_14 = arith.constant 0 : i32
    %add3A_15 = arith.addi %mul3A_2, %add3A_14 : i32
    %dma_start3A = arith.constant 0 : i32
    %dma_start3A_16 = arith.constant 0 : i32
    %dma_start3A_17 = arith.constant 0 : i32
    %dma_start3A_18 = arith.constant 0 : i32
    %dma_start3A_19 = tpu.memref_slice %arg6[%dma_start3A, %dma_start3A_17, %dma_start3A_18] : memref<4x16x1000xi32, #tpu.memory_space<vmem>> -> memref<1x16x1000xi32, #tpu.memory_space<vmem>>
    %dma_start3A_20 = tpu.memref_squeeze %dma_start3A_19 : memref<1x16x1000xi32, #tpu.memory_space<vmem>> -> memref<16x1000xi32, #tpu.memory_space<vmem>>
    %dma_start3A_21 = arith.constant 0 : i32
    %dma_start3A_22 = tpu.memref_slice %arg4[%add3A_15, %dma_start3A_21] : memref<16384x1000xi32, #tpu.memory_space<hbm>> -> memref<16x1000xi32, #tpu.memory_space<hbm>>
    %dma_start3A_23 = tpu.memref_slice %arg8[%dma_start3A_16] : memref<4x!tpu.dma_semaphore, #tpu.memory_space<semaphore_mem>> -> memref<1x!tpu.dma_semaphore, #tpu.memory_space<semaphore_mem>>
    %dma_start3A_24 = tpu.memref_squeeze %dma_start3A_23 : memref<1x!tpu.dma_semaphore, #tpu.memory_space<semaphore_mem>> -> memref<!tpu.dma_semaphore, #tpu.memory_space<semaphore_mem>>
    %dma_start3A_25 = arith.constant 0 : i32
    %dma_start3A_26 = tpu.memref_slice %arg4[%add3A_15, %dma_start3A_25] : memref<16384x1000xi32, #tpu.memory_space<hbm>> -> memref<16x1000xi32, #tpu.memory_space<hbm>>
    %dma_start3A_27 = arith.constant 0 : i32
    %dma_start3A_28 = arith.constant 0 : i32
    %dma_start3A_29 = tpu.memref_slice %arg6[%dma_start3A, %dma_start3A_27, %dma_start3A_28] : memref<4x16x1000xi32, #tpu.memory_space<vmem>> -> memref<1x16x1000xi32, #tpu.memory_space<vmem>>
    %dma_start3A_30 = tpu.memref_squeeze %dma_start3A_29 : memref<1x16x1000xi32, #tpu.memory_space<vmem>> -> memref<16x1000xi32, #tpu.memory_space<vmem>>
    tpu.enqueue_dma source(%dma_start3A_30 : memref<16x1000xi32, #tpu.memory_space<vmem>>) target(%dma_start3A_26 : memref<16x1000xi32, #tpu.memory_space<hbm>>) target_semaphore(%dma_start3A_24 : memref<!tpu.dma_semaphore, #tpu.memory_space<semaphore_mem>>)
    %get3A_31 = arith.constant 16 : index
    %get3A_32 = tpu.vector_load %arg5[%get3A_31] {strides = array<i32>} : memref<512xi32, #tpu.memory_space<vmem>>, vector<16xi32>,
    %add3A_33 = arith.constant 0 : i32
    %add3A_34 = vector.broadcast %add3A_33 : i32 to vector<16xi32>
    %add3A_35 = arith.addi %iota3A, %add3A_34 : vector<16xi32>
    %scatter3A_36 = arith.constant 1 : i32
    %scatter3A_37 = arith.constant 0 : i32
    %scatter3A_38 = arith.constant 0 : i32
    %scatter3A_39 = tpu.memref_slice %arg6[%scatter3A_36, %scatter3A_37, %scatter3A_38] : memref<4x16x1000xi32, #tpu.memory_space<vmem>> -> memref<1x16x1000xi32, #tpu.memory_space<vmem>>
    %scatter3A_40 = tpu.memref_squeeze %scatter3A_39 : memref<1x16x1000xi32, #tpu.memory_space<vmem>> -> memref<16x1000xi32, #tpu.memory_space<vmem>>
    tpu.vector_store_idx %scatter3A_40[%add3A_35, %get3A_32], %broadcast_in_dim3A_5 : memref<16x1000xi32, #tpu.memory_space<vmem>>[vector<16xi32>, vector<16xi32>], vector<16xi32>,
    %add3A_41 = arith.constant 16 : i32
    %add3A_42 = arith.addi %mul3A_2, %add3A_41 : i32
    %dma_start3A_43 = arith.constant 1 : i32
    %dma_start3A_44 = arith.constant 1 : i32
    %dma_start3A_45 = arith.constant 0 : i32
    %dma_start3A_46 = arith.constant 0 : i32
    %dma_start3A_47 = tpu.memref_slice %arg6[%dma_start3A_43, %dma_start3A_45, %dma_start3A_46] : memref<4x16x1000xi32, #tpu.memory_space<vmem>> -> memref<1x16x1000xi32, #tpu.memory_space<vmem>>
    %dma_start3A_48 = tpu.memref_squeeze %dma_start3A_47 : memref<1x16x1000xi32, #tpu.memory_space<vmem>> -> memref<16x1000xi32, #tpu.memory_space<vmem>>
    %dma_start3A_49 = arith.constant 0 : i32
    %dma_start3A_50 = tpu.memref_slice %arg4[%add3A_42, %dma_start3A_49] : memref<16384x1000xi32, #tpu.memory_space<hbm>> -> memref<16x1000xi32, #tpu.memory_space<hbm>>
    %dma_start3A_51 = tpu.memref_slice %arg8[%dma_start3A_44] : memref<4x!tpu.dma_semaphore, #tpu.memory_space<semaphore_mem>> -> memref<1x!tpu.dma_semaphore, #tpu.memory_space<semaphore_mem>>
    %dma_start3A_52 = tpu.memref_squeeze %dma_start3A_51 : memref<1x!tpu.dma_semaphore, #tpu.memory_space<semaphore_mem>> -> memref<!tpu.dma_semaphore, #tpu.memory_space<semaphore_mem>>
    %dma_start3A_53 = arith.constant 0 : i32
    %dma_start3A_54 = tpu.memref_slice %arg4[%add3A_42, %dma_start3A_53] : memref<16384x1000xi32, #tpu.memory_space<hbm>> -> memref<16x1000xi32, #tpu.memory_space<hbm>>
    %dma_start3A_55 = arith.constant 0 : i32
    %dma_start3A_56 = arith.constant 0 : i32
    %dma_start3A_57 = tpu.memref_slice %arg6[%dma_start3A_43, %dma_start3A_55, %dma_start3A_56] : memref<4x16x1000xi32, #tpu.memory_space<vmem>> -> memref<1x16x1000xi32, #tpu.memory_space<vmem>>
    %dma_start3A_58 = tpu.memref_squeeze %dma_start3A_57 : memref<1x16x1000xi32, #tpu.memory_space<vmem>> -> memref<16x1000xi32, #tpu.memory_space<vmem>>
    tpu.enqueue_dma source(%dma_start3A_58 : memref<16x1000xi32, #tpu.memory_space<vmem>>) target(%dma_start3A_54 : memref<16x1000xi32, #tpu.memory_space<hbm>>) target_semaphore(%dma_start3A_52 : memref<!tpu.dma_semaphore, #tpu.memory_space<semaphore_mem>>)
    %get3A_59 = arith.constant 32 : index
    %get3A_60 = tpu.vector_load %arg5[%get3A_59] {strides = array<i32>} : memref<512xi32, #tpu.memory_space<vmem>>, vector<16xi32>,
    %add3A_61 = arith.constant 0 : i32
    %add3A_62 = vector.broadcast %add3A_61 : i32 to vector<16xi32>
    %add3A_63 = arith.addi %iota3A, %add3A_62 : vector<16xi32>
    %scatter3A_64 = arith.constant 2 : i32
    %scatter3A_65 = arith.constant 0 : i32
    %scatter3A_66 = arith.constant 0 : i32
    %scatter3A_67 = tpu.memref_slice %arg6[%scatter3A_64, %scatter3A_65, %scatter3A_66] : memref<4x16x1000xi32, #tpu.memory_space<vmem>> -> memref<1x16x1000xi32, #tpu.memory_space<vmem>>
    %scatter3A_68 = tpu.memref_squeeze %scatter3A_67 : memref<1x16x1000xi32, #tpu.memory_space<vmem>> -> memref<16x1000xi32, #tpu.memory_space<vmem>>
    tpu.vector_store_idx %scatter3A_68[%add3A_63, %get3A_60], %broadcast_in_dim3A_5 : memref<16x1000xi32, #tpu.memory_space<vmem>>[vector<16xi32>, vector<16xi32>], vector<16xi32>,
    %add3A_69 = arith.constant 32 : i32
    %add3A_70 = arith.addi %mul3A_2, %add3A_69 : i32
    %dma_start3A_71 = arith.constant 2 : i32
    %dma_start3A_72 = arith.constant 2 : i32
    %dma_start3A_73 = arith.constant 0 : i32
    %dma_start3A_74 = arith.constant 0 : i32
    %dma_start3A_75 = tpu.memref_slice %arg6[%dma_start3A_71, %dma_start3A_73, %dma_start3A_74] : memref<4x16x1000xi32, #tpu.memory_space<vmem>> -> memref<1x16x1000xi32, #tpu.memory_space<vmem>>
    %dma_start3A_76 = tpu.memref_squeeze %dma_start3A_75 : memref<1x16x1000xi32, #tpu.memory_space<vmem>> -> memref<16x1000xi32, #tpu.memory_space<vmem>>
    %dma_start3A_77 = arith.constant 0 : i32
    %dma_start3A_78 = tpu.memref_slice %arg4[%add3A_70, %dma_start3A_77] : memref<16384x1000xi32, #tpu.memory_space<hbm>> -> memref<16x1000xi32, #tpu.memory_space<hbm>>
    %dma_start3A_79 = tpu.memref_slice %arg8[%dma_start3A_72] : memref<4x!tpu.dma_semaphore, #tpu.memory_space<semaphore_mem>> -> memref<1x!tpu.dma_semaphore, #tpu.memory_space<semaphore_mem>>
    %dma_start3A_80 = tpu.memref_squeeze %dma_start3A_79 : memref<1x!tpu.dma_semaphore, #tpu.memory_space<semaphore_mem>> -> memref<!tpu.dma_semaphore, #tpu.memory_space<semaphore_mem>>
    %dma_start3A_81 = arith.constant 0 : i32
    %dma_start3A_82 = tpu.memref_slice %arg4[%add3A_70, %dma_start3A_81] : memref<16384x1000xi32, #tpu.memory_space<hbm>> -> memref<16x1000xi32, #tpu.memory_space<hbm>>
    %dma_start3A_83 = arith.constant 0 : i32
    %dma_start3A_84 = arith.constant 0 : i32
    %dma_start3A_85 = tpu.memref_slice %arg6[%dma_start3A_71, %dma_start3A_83, %dma_start3A_84] : memref<4x16x1000xi32, #tpu.memory_space<vmem>> -> memref<1x16x1000xi32, #tpu.memory_space<vmem>>
    %dma_start3A_86 = tpu.memref_squeeze %dma_start3A_85 : memref<1x16x1000xi32, #tpu.memory_space<vmem>> -> memref<16x1000xi32, #tpu.memory_space<vmem>>
    tpu.enqueue_dma source(%dma_start3A_86 : memref<16x1000xi32, #tpu.memory_space<vmem>>) target(%dma_start3A_82 : memref<16x1000xi32, #tpu.memory_space<hbm>>) target_semaphore(%dma_start3A_80 : memref<!tpu.dma_semaphore, #tpu.memory_space<semaphore_mem>>)
    %get3A_87 = arith.constant 48 : index
    %get3A_88 = tpu.vector_load %arg5[%get3A_87] {strides = array<i32>} : memref<512xi32, #tpu.memory_space<vmem>>, vector<16xi32>,
    %add3A_89 = arith.constant 0 : i32
    %add3A_90 = vector.broadcast %add3A_89 : i32 to vector<16xi32>
    %add3A_91 = arith.addi %iota3A, %add3A_90 : vector<16xi32>
    %scatter3A_92 = arith.constant 3 : i32
    %scatter3A_93 = arith.constant 0 : i32
    %scatter3A_94 = arith.constant 0 : i32
    %scatter3A_95 = tpu.memref_slice %arg6[%scatter3A_92, %scatter3A_93, %scatter3A_94] : memref<4x16x1000xi32, #tpu.memory_space<vmem>> -> memref<1x16x1000xi32, #tpu.memory_space<vmem>>
    %scatter3A_96 = tpu.memref_squeeze %scatter3A_95 : memref<1x16x1000xi32, #tpu.memory_space<vmem>> -> memref<16x1000xi32, #tpu.memory_space<vmem>>
    tpu.vector_store_idx %scatter3A_96[%add3A_91, %get3A_88], %broadcast_in_dim3A_5 : memref<16x1000xi32, #tpu.memory_space<vmem>>[vector<16xi32>, vector<16xi32>], vector<16xi32>,
    %add3A_97 = arith.constant 48 : i32
    %add3A_98 = arith.addi %mul3A_2, %add3A_97 : i32
    %dma_start3A_99 = arith.constant 3 : i32
    %dma_start3A_100 = arith.constant 3 : i32
    %dma_start3A_101 = arith.constant 0 : i32
    %dma_start3A_102 = arith.constant 0 : i32
    %dma_start3A_103 = tpu.memref_slice %arg6[%dma_start3A_99, %dma_start3A_101, %dma_start3A_102] : memref<4x16x1000xi32, #tpu.memory_space<vmem>> -> memref<1x16x1000xi32, #tpu.memory_space<vmem>>
    %dma_start3A_104 = tpu.memref_squeeze %dma_start3A_103 : memref<1x16x1000xi32, #tpu.memory_space<vmem>> -> memref<16x1000xi32, #tpu.memory_space<vmem>>
    %dma_start3A_105 = arith.constant 0 : i32
    %dma_start3A_106 = tpu.memref_slice %arg4[%add3A_98, %dma_start3A_105] : memref<16384x1000xi32, #tpu.memory_space<hbm>> -> memref<16x1000xi32, #tpu.memory_space<hbm>>
    %dma_start3A_107 = tpu.memref_slice %arg8[%dma_start3A_100] : memref<4x!tpu.dma_semaphore, #tpu.memory_space<semaphore_mem>> -> memref<1x!tpu.dma_semaphore, #tpu.memory_space<semaphore_mem>>
    %dma_start3A_108 = tpu.memref_squeeze %dma_start3A_107 : memref<1x!tpu.dma_semaphore, #tpu.memory_space<semaphore_mem>> -> memref<!tpu.dma_semaphore, #tpu.memory_space<semaphore_mem>>
    %dma_start3A_109 = arith.constant 0 : i32
    %dma_start3A_110 = tpu.memref_slice %arg4[%add3A_98, %dma_start3A_109] : memref<16384x1000xi32, #tpu.memory_space<hbm>> -> memref<16x1000xi32, #tpu.memory_space<hbm>>
    %dma_start3A_111 = arith.constant 0 : i32
    %dma_start3A_112 = arith.constant 0 : i32
    %dma_start3A_113 = tpu.memref_slice %arg6[%dma_start3A_99, %dma_start3A_111, %dma_start3A_112] : memref<4x16x1000xi32, #tpu.memory_space<vmem>> -> memref<1x16x1000xi32, #tpu.memory_space<vmem>>
    %dma_start3A_114 = tpu.memref_squeeze %dma_start3A_113 : memref<1x16x1000xi32, #tpu.memory_space<vmem>> -> memref<16x1000xi32, #tpu.memory_space<vmem>>
    tpu.enqueue_dma source(%dma_start3A_114 : memref<16x1000xi32, #tpu.memory_space<vmem>>) target(%dma_start3A_110 : memref<16x1000xi32, #tpu.memory_space<hbm>>) target_semaphore(%dma_start3A_108 : memref<!tpu.dma_semaphore, #tpu.memory_space<semaphore_mem>>)
    %add3A_115 = arith.constant 0 : i32
    %add3A_116 = arith.addi %mul3A_2, %add3A_115 : i32
    %dma_wait3A = arith.constant 0 : i32
    %dma_wait3A_117 = arith.constant 0 : i32
    %dma_wait3A_118 = arith.constant 0 : i32
    %dma_wait3A_119 = arith.constant 0 : i32
    %dma_wait3A_120 = tpu.memref_slice %arg6[%dma_wait3A, %dma_wait3A_118, %dma_wait3A_119] : memref<4x16x1000xi32, #tpu.memory_space<vmem>> -> memref<1x16x1000xi32, #tpu.memory_space<vmem>>
    %dma_wait3A_121 = tpu.memref_squeeze %dma_wait3A_120 : memref<1x16x1000xi32, #tpu.memory_space<vmem>> -> memref<16x1000xi32, #tpu.memory_space<vmem>>
    %dma_wait3A_122 = arith.constant 0 : i32
    %dma_wait3A_123 = tpu.memref_slice %arg4[%add3A_116, %dma_wait3A_122] : memref<16384x1000xi32, #tpu.memory_space<hbm>> -> memref<16x1000xi32, #tpu.memory_space<hbm>>
    %dma_wait3A_124 = tpu.memref_slice %arg8[%dma_wait3A_117] : memref<4x!tpu.dma_semaphore, #tpu.memory_space<semaphore_mem>> -> memref<1x!tpu.dma_semaphore, #tpu.memory_space<semaphore_mem>>
    %dma_wait3A_125 = tpu.memref_squeeze %dma_wait3A_124 : memref<1x!tpu.dma_semaphore, #tpu.memory_space<semaphore_mem>> -> memref<!tpu.dma_semaphore, #tpu.memory_space<semaphore_mem>>
    %dma_wait3A_126 = arith.constant 0 : i32
    %dma_wait3A_127 = tpu.memref_slice %arg4[%add3A_116, %dma_wait3A_126] : memref<16384x1000xi32, #tpu.memory_space<hbm>> -> memref<16x1000xi32, #tpu.memory_space<hbm>>
    %dma_wait3A_128 = arith.constant 0 : i32
    %dma_wait3A_129 = arith.constant 0 : i32
    %dma_wait3A_130 = tpu.memref_slice %arg6[%dma_wait3A, %dma_wait3A_128, %dma_wait3A_129] : memref<4x16x1000xi32, #tpu.memory_space<vmem>> -> memref<1x16x1000xi32, #tpu.memory_space<vmem>>
    %dma_wait3A_131 = tpu.memref_squeeze %dma_wait3A_130 : memref<1x16x1000xi32, #tpu.memory_space<vmem>> -> memref<16x1000xi32, #tpu.memory_space<vmem>>
    tpu.wait_dma2 semaphore(%dma_wait3A_125 : memref<!tpu.dma_semaphore, #tpu.memory_space<semaphore_mem>>) src(%dma_wait3A_131 : memref<16x1000xi32, #tpu.memory_space<vmem>>) dst(%dma_wait3A_127 : memref<16x1000xi32, #tpu.memory_space<hbm>>)
    %get3A_132 = arith.constant 0 : index
    %get3A_133 = tpu.vector_load %arg5[%get3A_132] {strides = array<i32>} : memref<512xi32, #tpu.memory_space<vmem>>, vector<16xi32>,
    %add3A_134 = arith.constant 0 : i32
    %add3A_135 = vector.broadcast %add3A_134 : i32 to vector<16xi32>
    %add3A_136 = arith.addi %iota3A, %add3A_135 : vector<16xi32>
    %scatter3A_137 = arith.constant 0 : i32
    %scatter3A_138 = arith.constant 0 : i32
    %scatter3A_139 = arith.constant 0 : i32
    %scatter3A_140 = tpu.memref_slice %arg6[%scatter3A_137, %scatter3A_138, %scatter3A_139] : memref<4x16x1000xi32, #tpu.memory_space<vmem>> -> memref<1x16x1000xi32, #tpu.memory_space<vmem>>
    %scatter3A_141 = tpu.memref_squeeze %scatter3A_140 : memref<1x16x1000xi32, #tpu.memory_space<vmem>> -> memref<16x1000xi32, #tpu.memory_space<vmem>>
    tpu.vector_store_idx %scatter3A_141[%add3A_136, %get3A_133], %broadcast_in_dim3A_3 : memref<16x1000xi32, #tpu.memory_space<vmem>>[vector<16xi32>, vector<16xi32>], vector<16xi32>,
    %get3A_142 = arith.constant 64 : index
    %get3A_143 = tpu.vector_load %arg5[%get3A_142] {strides = array<i32>} : memref<512xi32, #tpu.memory_space<vmem>>, vector<16xi32>,
    %add3A_144 = arith.constant 0 : i32
    %add3A_145 = vector.broadcast %add3A_144 : i32 to vector<16xi32>
    %add3A_146 = arith.addi %iota3A, %add3A_145 : vector<16xi32>
    %scatter3A_147 = arith.constant 0 : i32
    %scatter3A_148 = arith.constant 0 : i32
    %scatter3A_149 = arith.constant 0 : i32
    %scatter3A_150 = tpu.memref_slice %arg6[%scatter3A_147, %scatter3A_148, %scatter3A_149] : memref<4x16x1000xi32, #tpu.memory_space<vmem>> -> memref<1x16x1000xi32, #tpu.memory_space<vmem>>
    %scatter3A_151 = tpu.memref_squeeze %scatter3A_150 : memref<1x16x1000xi32, #tpu.memory_space<vmem>> -> memref<16x1000xi32, #tpu.memory_space<vmem>>
    tpu.vector_store_idx %scatter3A_151[%add3A_146, %get3A_143], %broadcast_in_dim3A_5 : memref<16x1000xi32, #tpu.memory_space<vmem>>[vector<16xi32>, vector<16xi32>], vector<16xi32>,
    %add3A_152 = arith.constant 64 : i32
    %add3A_153 = arith.addi %mul3A_2, %add3A_152 : i32
    %dma_start3A_154 = arith.constant 0 : i32
    %dma_start3A_155 = arith.constant 0 : i32
    %dma_start3A_156 = arith.constant 0 : i32
    %dma_start3A_157 = arith.constant 0 : i32
    %dma_start3A_158 = tpu.memref_slice %arg6[%dma_start3A_154, %dma_start3A_156, %dma_start3A_157] : memref<4x16x1000xi32, #tpu.memory_space<vmem>> -> memref<1x16x1000xi32, #tpu.memory_space<vmem>>
    %dma_start3A_159 = tpu.memref_squeeze %dma_start3A_158 : memref<1x16x1000xi32, #tpu.memory_space<vmem>> -> memref<16x1000xi32, #tpu.memory_space<vmem>>
    %dma_start3A_160 = arith.constant 0 : i32
    %dma_start3A_161 = tpu.memref_slice %arg4[%add3A_153, %dma_start3A_160] : memref<16384x1000xi32, #tpu.memory_space<hbm>> -> memref<16x1000xi32, #tpu.memory_space<hbm>>
    %dma_start3A_162 = tpu.memref_slice %arg8[%dma_start3A_155] : memref<4x!tpu.dma_semaphore, #tpu.memory_space<semaphore_mem>> -> memref<1x!tpu.dma_semaphore, #tpu.memory_space<semaphore_mem>>
    %dma_start3A_163 = tpu.memref_squeeze %dma_start3A_162 : memref<1x!tpu.dma_semaphore, #tpu.memory_space<semaphore_mem>> -> memref<!tpu.dma_semaphore, #tpu.memory_space<semaphore_mem>>
    %dma_start3A_164 = arith.constant 0 : i32
    %dma_start3A_165 = tpu.memref_slice %arg4[%add3A_153, %dma_start3A_164] : memref<16384x1000xi32, #tpu.memory_space<hbm>> -> memref<16x1000xi32, #tpu.memory_space<hbm>>
    %dma_start3A_166 = arith.constant 0 : i32
    %dma_start3A_167 = arith.constant 0 : i32
    %dma_start3A_168 = tpu.memref_slice %arg6[%dma_start3A_154, %dma_start3A_166, %dma_start3A_167] : memref<4x16x1000xi32, #tpu.memory_space<vmem>> -> memref<1x16x1000xi32, #tpu.memory_space<vmem>>
    %dma_start3A_169 = tpu.memref_squeeze %dma_start3A_168 : memref<1x16x1000xi32, #tpu.memory_space<vmem>> -> memref<16x1000xi32, #tpu.memory_space<vmem>>
    tpu.enqueue_dma source(%dma_start3A_169 : memref<16x1000xi32, #tpu.memory_space<vmem>>) target(%dma_start3A_165 : memref<16x1000xi32, #tpu.memory_space<hbm>>) target_semaphore(%dma_start3A_163 : memref<!tpu.dma_semaphore, #tpu.memory_space<semaphore_mem>>)
    %add3A_170 = arith.constant 16 : i32
    %add3A_171 = arith.addi %mul3A_2, %add3A_170 : i32
    %dma_wait3A_172 = arith.constant 1 : i32
    %dma_wait3A_173 = arith.constant 1 : i32
    %dma_wait3A_174 = arith.constant 0 : i32
    %dma_wait3A_175 = arith.constant 0 : i32
    %dma_wait3A_176 = tpu.memref_slice %arg6[%dma_wait3A_172, %dma_wait3A_174, %dma_wait3A_175] : memref<4x16x1000xi32, #tpu.memory_space<vmem>> -> memref<1x16x1000xi32, #tpu.memory_space<vmem>>
    %dma_wait3A_177 = tpu.memref_squeeze %dma_wait3A_176 : memref<1x16x1000xi32, #tpu.memory_space<vmem>> -> memref<16x1000xi32, #tpu.memory_space<vmem>>
    %dma_wait3A_178 = arith.constant 0 : i32
    %dma_wait3A_179 = tpu.memref_slice %arg4[%add3A_171, %dma_wait3A_178] : memref<16384x1000xi32, #tpu.memory_space<hbm>> -> memref<16x1000xi32, #tpu.memory_space<hbm>>
    %dma_wait3A_180 = tpu.memref_slice %arg8[%dma_wait3A_173] : memref<4x!tpu.dma_semaphore, #tpu.memory_space<semaphore_mem>> -> memref<1x!tpu.dma_semaphore, #tpu.memory_space<semaphore_mem>>
    %dma_wait3A_181 = tpu.memref_squeeze %dma_wait3A_180 : memref<1x!tpu.dma_semaphore, #tpu.memory_space<semaphore_mem>> -> memref<!tpu.dma_semaphore, #tpu.memory_space<semaphore_mem>>
    %dma_wait3A_182 = arith.constant 0 : i32
    %dma_wait3A_183 = tpu.memref_slice %arg4[%add3A_171, %dma_wait3A_182] : memref<16384x1000xi32, #tpu.memory_space<hbm>> -> memref<16x1000xi32, #tpu.memory_space<hbm>>
    %dma_wait3A_184 = arith.constant 0 : i32
    %dma_wait3A_185 = arith.constant 0 : i32
    %dma_wait3A_186 = tpu.memref_slice %arg6[%dma_wait3A_172, %dma_wait3A_184, %dma_wait3A_185] : memref<4x16x1000xi32, #tpu.memory_space<vmem>> -> memref<1x16x1000xi32, #tpu.memory_space<vmem>>
    %dma_wait3A_187 = tpu.memref_squeeze %dma_wait3A_186 : memref<1x16x1000xi32, #tpu.memory_space<vmem>> -> memref<16x1000xi32, #tpu.memory_space<vmem>>
    tpu.wait_dma2 semaphore(%dma_wait3A_181 : memref<!tpu.dma_semaphore, #tpu.memory_space<semaphore_mem>>) src(%dma_wait3A_187 : memref<16x1000xi32, #tpu.memory_space<vmem>>) dst(%dma_wait3A_183 : memref<16x1000xi32, #tpu.memory_space<hbm>>)
    %get3A_188 = arith.constant 16 : index
    %get3A_189 = tpu.vector_load %arg5[%get3A_188] {strides = array<i32>} : memref<512xi32, #tpu.memory_space<vmem>>, vector<16xi32>,
    %add3A_190 = arith.constant 0 : i32
    %add3A_191 = vector.broadcast %add3A_190 : i32 to vector<16xi32>
    %add3A_192 = arith.addi %iota3A, %add3A_191 : vector<16xi32>
    %scatter3A_193 = arith.constant 1 : i32
    %scatter3A_194 = arith.constant 0 : i32
    %scatter3A_195 = arith.constant 0 : i32
    %scatter3A_196 = tpu.memref_slice %arg6[%scatter3A_193, %scatter3A_194, %scatter3A_195] : memref<4x16x1000xi32, #tpu.memory_space<vmem>> -> memref<1x16x1000xi32, #tpu.memory_space<vmem>>
    %scatter3A_197 = tpu.memref_squeeze %scatter3A_196 : memref<1x16x1000xi32, #tpu.memory_space<vmem>> -> memref<16x1000xi32, #tpu.memory_space<vmem>>
    tpu.vector_store_idx %scatter3A_197[%add3A_192, %get3A_189], %broadcast_in_dim3A_3 : memref<16x1000xi32, #tpu.memory_space<vmem>>[vector<16xi32>, vector<16xi32>], vector<16xi32>,
    %get3A_198 = arith.constant 80 : index
    %get3A_199 = tpu.vector_load %arg5[%get3A_198] {strides = array<i32>} : memref<512xi32, #tpu.memory_space<vmem>>, vector<16xi32>,
    %add3A_200 = arith.constant 0 : i32
    %add3A_201 = vector.broadcast %add3A_200 : i32 to vector<16xi32>
    %add3A_202 = arith.addi %iota3A, %add3A_201 : vector<16xi32>
    %scatter3A_203 = arith.constant 1 : i32
    %scatter3A_204 = arith.constant 0 : i32
    %scatter3A_205 = arith.constant 0 : i32
    %scatter3A_206 = tpu.memref_slice %arg6[%scatter3A_203, %scatter3A_204, %scatter3A_205] : memref<4x16x1000xi32, #tpu.memory_space<vmem>> -> memref<1x16x1000xi32, #tpu.memory_space<vmem>>
    %scatter3A_207 = tpu.memref_squeeze %scatter3A_206 : memref<1x16x1000xi32, #tpu.memory_space<vmem>> -> memref<16x1000xi32, #tpu.memory_space<vmem>>
    tpu.vector_store_idx %scatter3A_207[%add3A_202, %get3A_199], %broadcast_in_dim3A_5 : memref<16x1000xi32, #tpu.memory_space<vmem>>[vector<16xi32>, vector<16xi32>], vector<16xi32>,
    %add3A_208 = arith.constant 80 : i32
    %add3A_209 = arith.addi %mul3A_2, %add3A_208 : i32
    %dma_start3A_210 = arith.constant 1 : i32
    %dma_start3A_211 = arith.constant 1 : i32
    %dma_start3A_212 = arith.constant 0 : i32
    %dma_start3A_213 = arith.constant 0 : i32
    %dma_start3A_214 = tpu.memref_slice %arg6[%dma_start3A_210, %dma_start3A_212, %dma_start3A_213] : memref<4x16x1000xi32, #tpu.memory_space<vmem>> -> memref<1x16x1000xi32, #tpu.memory_space<vmem>>
    %dma_start3A_215 = tpu.memref_squeeze %dma_start3A_214 : memref<1x16x1000xi32, #tpu.memory_space<vmem>> -> memref<16x1000xi32, #tpu.memory_space<vmem>>
    %dma_start3A_216 = arith.constant 0 : i32
    %dma_start3A_217 = tpu.memref_slice %arg4[%add3A_209, %dma_start3A_216] : memref<16384x1000xi32, #tpu.memory_space<hbm>> -> memref<16x1000xi32, #tpu.memory_space<hbm>>
    %dma_start3A_218 = tpu.memref_slice %arg8[%dma_start3A_211] : memref<4x!tpu.dma_semaphore, #tpu.memory_space<semaphore_mem>> -> memref<1x!tpu.dma_semaphore, #tpu.memory_space<semaphore_mem>>
    %dma_start3A_219 = tpu.memref_squeeze %dma_start3A_218 : memref<1x!tpu.dma_semaphore, #tpu.memory_space<semaphore_mem>> -> memref<!tpu.dma_semaphore, #tpu.memory_space<semaphore_mem>>
    %dma_start3A_220 = arith.constant 0 : i32
    %dma_start3A_221 = tpu.memref_slice %arg4[%add3A_209, %dma_start3A_220] : memref<16384x1000xi32, #tpu.memory_space<hbm>> -> memref<16x1000xi32, #tpu.memory_space<hbm>>
    %dma_start3A_222 = arith.constant 0 : i32
    %dma_start3A_223 = arith.constant 0 : i32
    %dma_start3A_224 = tpu.memref_slice %arg6[%dma_start3A_210, %dma_start3A_222, %dma_start3A_223] : memref<4x16x1000xi32, #tpu.memory_space<vmem>> -> memref<1x16x1000xi32, #tpu.memory_space<vmem>>
    %dma_start3A_225 = tpu.memref_squeeze %dma_start3A_224 : memref<1x16x1000xi32, #tpu.memory_space<vmem>> -> memref<16x1000xi32, #tpu.memory_space<vmem>>
    tpu.enqueue_dma source(%dma_start3A_225 : memref<16x1000xi32, #tpu.memory_space<vmem>>) target(%dma_start3A_221 : memref<16x1000xi32, #tpu.memory_space<hbm>>) target_semaphore(%dma_start3A_219 : memref<!tpu.dma_semaphore, #tpu.memory_space<semaphore_mem>>)
    %add3A_226 = arith.constant 32 : i32
    %add3A_227 = arith.addi %mul3A_2, %add3A_226 : i32
    %dma_wait3A_228 = arith.constant 2 : i32
    %dma_wait3A_229 = arith.constant 2 : i32
    %dma_wait3A_230 = arith.constant 0 : i32
    %dma_wait3A_231 = arith.constant 0 : i32
    %dma_wait3A_232 = tpu.memref_slice %arg6[%dma_wait3A_228, %dma_wait3A_230, %dma_wait3A_231] : memref<4x16x1000xi32, #tpu.memory_space<vmem>> -> memref<1x16x1000xi32, #tpu.memory_space<vmem>>
    %dma_wait3A_233 = tpu.memref_squeeze %dma_wait3A_232 : memref<1x16x1000xi32, #tpu.memory_space<vmem>> -> memref<16x1000xi32, #tpu.memory_space<vmem>>
    %dma_wait3A_234 = arith.constant 0 : i32
    %dma_wait3A_235 = tpu.memref_slice %arg4[%add3A_227, %dma_wait3A_234] : memref<16384x1000xi32, #tpu.memory_space<hbm>> -> memref<16x1000xi32, #tpu.memory_space<hbm>>
    %dma_wait3A_236 = tpu.memref_slice %arg8[%dma_wait3A_229] : memref<4x!tpu.dma_semaphore, #tpu.memory_space<semaphore_mem>> -> memref<1x!tpu.dma_semaphore, #tpu.memory_space<semaphore_mem>>
    %dma_wait3A_237 = tpu.memref_squeeze %dma_wait3A_236 : memref<1x!tpu.dma_semaphore, #tpu.memory_space<semaphore_mem>> -> memref<!tpu.dma_semaphore, #tpu.memory_space<semaphore_mem>>
    %dma_wait3A_238 = arith.constant 0 : i32
    %dma_wait3A_239 = tpu.memref_slice %arg4[%add3A_227, %dma_wait3A_238] : memref<16384x1000xi32, #tpu.memory_space<hbm>> -> memref<16x1000xi32, #tpu.memory_space<hbm>>
    %dma_wait3A_240 = arith.constant 0 : i32
    %dma_wait3A_241 = arith.constant 0 : i32
    %dma_wait3A_242 = tpu.memref_slice %arg6[%dma_wait3A_228, %dma_wait3A_240, %dma_wait3A_241] : memref<4x16x1000xi32, #tpu.memory_space<vmem>> -> memref<1x16x1000xi32, #tpu.memory_space<vmem>>
    %dma_wait3A_243 = tpu.memref_squeeze %dma_wait3A_242 : memref<1x16x1000xi32, #tpu.memory_space<vmem>> -> memref<16x1000xi32, #tpu.memory_space<vmem>>
    tpu.wait_dma2 semaphore(%dma_wait3A_237 : memref<!tpu.dma_semaphore, #tpu.memory_space<semaphore_mem>>) src(%dma_wait3A_243 : memref<16x1000xi32, #tpu.memory_space<vmem>>) dst(%dma_wait3A_239 : memref<16x1000xi32, #tpu.memory_space<hbm>>)
    %get3A_244 = arith.constant 32 : index
    %get3A_245 = tpu.vector_load %arg5[%get3A_244] {strides = array<i32>} : memref<512xi32, #tpu.memory_space<vmem>>, vector<16xi32>,
    %add3A_246 = arith.constant 0 : i32
    %add3A_247 = vector.broadcast %add3A_246 : i32 to vector<16xi32>
    %add3A_248 = arith.addi %iota3A, %add3A_247 : vector<16xi32>
    %scatter3A_249 = arith.constant 2 : i32
    %scatter3A_250 = arith.constant 0 : i32
    %scatter3A_251 = arith.constant 0 : i32
    %scatter3A_252 = tpu.memref_slice %arg6[%scatter3A_249, %scatter3A_250, %scatter3A_251] : memref<4x16x1000xi32, #tpu.memory_space<vmem>> -> memref<1x16x1000xi32, #tpu.memory_space<vmem>>
    %scatter3A_253 = tpu.memref_squeeze %scatter3A_252 : memref<1x16x1000xi32, #tpu.memory_space<vmem>> -> memref<16x1000xi32, #tpu.memory_space<vmem>>
    tpu.vector_store_idx %scatter3A_253[%add3A_248, %get3A_245], %broadcast_in_dim3A_3 : memref<16x1000xi32, #tpu.memory_space<vmem>>[vector<16xi32>, vector<16xi32>], vector<16xi32>,
    %get3A_254 = arith.constant 96 : index
    %get3A_255 = tpu.vector_load %arg5[%get3A_254] {strides = array<i32>} : memref<512xi32, #tpu.memory_space<vmem>>, vector<16xi32>,
    %add3A_256 = arith.constant 0 : i32
    %add3A_257 = vector.broadcast %add3A_256 : i32 to vector<16xi32>
    %add3A_258 = arith.addi %iota3A, %add3A_257 : vector<16xi32>
    %scatter3A_259 = arith.constant 2 : i32
    %scatter3A_260 = arith.constant 0 : i32
    %scatter3A_261 = arith.constant 0 : i32
    %scatter3A_262 = tpu.memref_slice %arg6[%scatter3A_259, %scatter3A_260, %scatter3A_261] : memref<4x16x1000xi32, #tpu.memory_space<vmem>> -> memref<1x16x1000xi32, #tpu.memory_space<vmem>>
    %scatter3A_263 = tpu.memref_squeeze %scatter3A_262 : memref<1x16x1000xi32, #tpu.memory_space<vmem>> -> memref<16x1000xi32, #tpu.memory_space<vmem>>
    tpu.vector_store_idx %scatter3A_263[%add3A_258, %get3A_255], %broadcast_in_dim3A_5 : memref<16x1000xi32, #tpu.memory_space<vmem>>[vector<16xi32>, vector<16xi32>], vector<16xi32>,
    %add3A_264 = arith.constant 96 : i32
    %add3A_265 = arith.addi %mul3A_2, %add3A_264 : i32
    %dma_start3A_266 = arith.constant 2 : i32
    %dma_start3A_267 = arith.constant 2 : i32
    %dma_start3A_268 = arith.constant 0 : i32
    %dma_start3A_269 = arith.constant 0 : i32
    %dma_start3A_270 = tpu.memref_slice %arg6[%dma_start3A_266, %dma_start3A_268, %dma_start3A_269] : memref<4x16x1000xi32, #tpu.memory_space<vmem>> -> memref<1x16x1000xi32, #tpu.memory_space<vmem>>
    %dma_start3A_271 = tpu.memref_squeeze %dma_start3A_270 : memref<1x16x1000xi32, #tpu.memory_space<vmem>> -> memref<16x1000xi32, #tpu.memory_space<vmem>>
    %dma_start3A_272 = arith.constant 0 : i32
    %dma_start3A_273 = tpu.memref_slice %arg4[%add3A_265, %dma_start3A_272] : memref<16384x1000xi32, #tpu.memory_space<hbm>> -> memref<16x1000xi32, #tpu.memory_space<hbm>>
    %dma_start3A_274 = tpu.memref_slice %arg8[%dma_start3A_267] : memref<4x!tpu.dma_semaphore, #tpu.memory_space<semaphore_mem>> -> memref<1x!tpu.dma_semaphore, #tpu.memory_space<semaphore_mem>>
    %dma_start3A_275 = tpu.memref_squeeze %dma_start3A_274 : memref<1x!tpu.dma_semaphore, #tpu.memory_space<semaphore_mem>> -> memref<!tpu.dma_semaphore, #tpu.memory_space<semaphore_mem>>
    %dma_start3A_276 = arith.constant 0 : i32
    %dma_start3A_277 = tpu.memref_slice %arg4[%add3A_265, %dma_start3A_276] : memref<16384x1000xi32, #tpu.memory_space<hbm>> -> memref<16x1000xi32, #tpu.memory_space<hbm>>
    %dma_start3A_278 = arith.constant 0 : i32
    %dma_start3A_279 = arith.constant 0 : i32
    %dma_start3A_280 = tpu.memref_slice %arg6[%dma_start3A_266, %dma_start3A_278, %dma_start3A_279] : memref<4x16x1000xi32, #tpu.memory_space<vmem>> -> memref<1x16x1000xi32, #tpu.memory_space<vmem>>
    %dma_start3A_281 = tpu.memref_squeeze %dma_start3A_280 : memref<1x16x1000xi32, #tpu.memory_space<vmem>> -> memref<16x1000xi32, #tpu.memory_space<vmem>>
    tpu.enqueue_dma source(%dma_start3A_281 : memref<16x1000xi32, #tpu.memory_space<vmem>>) target(%dma_start3A_277 : memref<16x1000xi32, #tpu.memory_space<hbm>>) target_semaphore(%dma_start3A_275 : memref<!tpu.dma_semaphore, #tpu.memory_space<semaphore_mem>>)
    %add3A_282 = arith.constant 48 : i32
    %add3A_283 = arith.addi %mul3A_2, %add3A_282 : i32
    %dma_wait3A_284 = arith.constant 3 : i32
    %dma_wait3A_285 = arith.constant 3 : i32
    %dma_wait3A_286 = arith.constant 0 : i32
    %dma_wait3A_287 = arith.constant 0 : i32
    %dma_wait3A_288 = tpu.memref_slice %arg6[%dma_wait3A_284, %dma_wait3A_286, %dma_wait3A_287] : memref<4x16x1000xi32, #tpu.memory_space<vmem>> -> memref<1x16x1000xi32, #tpu.memory_space<vmem>>
    %dma_wait3A_289 = tpu.memref_squeeze %dma_wait3A_288 : memref<1x16x1000xi32, #tpu.memory_space<vmem>> -> memref<16x1000xi32, #tpu.memory_space<vmem>>
    %dma_wait3A_290 = arith.constant 0 : i32
    %dma_wait3A_291 = tpu.memref_slice %arg4[%add3A_283, %dma_wait3A_290] : memref<16384x1000xi32, #tpu.memory_space<hbm>> -> memref<16x1000xi32, #tpu.memory_space<hbm>>
    %dma_wait3A_292 = tpu.memref_slice %arg8[%dma_wait3A_285] : memref<4x!tpu.dma_semaphore, #tpu.memory_space<semaphore_mem>> -> memref<1x!tpu.dma_semaphore, #tpu.memory_space<semaphore_mem>>
    %dma_wait3A_293 = tpu.memref_squeeze %dma_wait3A_292 : memref<1x!tpu.dma_semaphore, #tpu.memory_space<semaphore_mem>> -> memref<!tpu.dma_semaphore, #tpu.memory_space<semaphore_mem>>
    %dma_wait3A_294 = arith.constant 0 : i32
    %dma_wait3A_295 = tpu.memref_slice %arg4[%add3A_283, %dma_wait3A_294] : memref<16384x1000xi32, #tpu.memory_space<hbm>> -> memref<16x1000xi32, #tpu.memory_space<hbm>>
    %dma_wait3A_296 = arith.constant 0 : i32
    %dma_wait3A_297 = arith.constant 0 : i32
    %dma_wait3A_298 = tpu.memref_slice %arg6[%dma_wait3A_284, %dma_wait3A_296, %dma_wait3A_297] : memref<4x16x1000xi32, #tpu.memory_space<vmem>> -> memref<1x16x1000xi32, #tpu.memory_space<vmem>>
    %dma_wait3A_299 = tpu.memref_squeeze %dma_wait3A_298 : memref<1x16x1000xi32, #tpu.memory_space<vmem>> -> memref<16x1000xi32, #tpu.memory_space<vmem>>
    tpu.wait_dma2 semaphore(%dma_wait3A_293 : memref<!tpu.dma_semaphore, #tpu.memory_space<semaphore_mem>>) src(%dma_wait3A_299 : memref<16x1000xi32, #tpu.memory_space<vmem>>) dst(%dma_wait3A_295 : memref<16x1000xi32, #tpu.memory_space<hbm>>)
    %get3A_300 = arith.constant 48 : index
    %get3A_301 = tpu.vector_load %arg5[%get3A_300] {strides = array<i32>} : memref<512xi32, #tpu.memory_space<vmem>>, vector<16xi32>,
    %add3A_302 = arith.constant 0 : i32
    %add3A_303 = vector.broadcast %add3A_302 : i32 to vector<16xi32>
    %add3A_304 = arith.addi %iota3A, %add3A_303 : vector<16xi32>
    %scatter3A_305 = arith.constant 3 : i32
    %scatter3A_306 = arith.constant 0 : i32
    %scatter3A_307 = arith.constant 0 : i32
    %scatter3A_308 = tpu.memref_slice %arg6[%scatter3A_305, %scatter3A_306, %scatter3A_307] : memref<4x16x1000xi32, #tpu.memory_space<vmem>> -> memref<1x16x1000xi32, #tpu.memory_space<vmem>>
    %scatter3A_309 = tpu.memref_squeeze %scatter3A_308 : memref<1x16x1000xi32, #tpu.memory_space<vmem>> -> memref<16x1000xi32, #tpu.memory_space<vmem>>
    tpu.vector_store_idx %scatter3A_309[%add3A_304, %get3A_301], %broadcast_in_dim3A_3 : memref<16x1000xi32, #tpu.memory_space<vmem>>[vector<16xi32>, vector<16xi32>], vector<16xi32>,
    %get3A_310 = arith.constant 112 : index
    %get3A_311 = tpu.vector_load %arg5[%get3A_310] {strides = array<i32>} : memref<512xi32, #tpu.memory_space<vmem>>, vector<16xi32>,
    %add3A_312 = arith.constant 0 : i32
    %add3A_313 = vector.broadcast %add3A_312 : i32 to vector<16xi32>
    %add3A_314 = arith.addi %iota3A, %add3A_313 : vector<16xi32>
    %scatter3A_315 = arith.constant 3 : i32
    %scatter3A_316 = arith.constant 0 : i32
    %scatter3A_317 = arith.constant 0 : i32
    %scatter3A_318 = tpu.memref_slice %arg6[%scatter3A_315, %scatter3A_316, %scatter3A_317] : memref<4x16x1000xi32, #tpu.memory_space<vmem>> -> memref<1x16x1000xi32, #tpu.memory_space<vmem>>
    %scatter3A_319 = tpu.memref_squeeze %scatter3A_318 : memref<1x16x1000xi32, #tpu.memory_space<vmem>> -> memref<16x1000xi32, #tpu.memory_space<vmem>>
    tpu.vector_store_idx %scatter3A_319[%add3A_314, %get3A_311], %broadcast_in_dim3A_5 : memref<16x1000xi32, #tpu.memory_space<vmem>>[vector<16xi32>, vector<16xi32>], vector<16xi32>,
    %add3A_320 = arith.constant 112 : i32
    %add3A_321 = arith.addi %mul3A_2, %add3A_320 : i32
    %dma_start3A_322 = arith.constant 3 : i32
    %dma_start3A_323 = arith.constant 3 : i32
    %dma_start3A_324 = arith.constant 0 : i32
    %dma_start3A_325 = arith.constant 0 : i32
    %dma_start3A_326 = tpu.memref_slice %arg6[%dma_start3A_322, %dma_start3A_324, %dma_start3A_325] : memref<4x16x1000xi32, #tpu.memory_space<vmem>> -> memref<1x16x1000xi32, #tpu.memory_space<vmem>>
    %dma_start3A_327 = tpu.memref_squeeze %dma_start3A_326 : memref<1x16x1000xi32, #tpu.memory_space<vmem>> -> memref<16x1000xi32, #tpu.memory_space<vmem>>
    %dma_start3A_328 = arith.constant 0 : i32
    %dma_start3A_329 = tpu.memref_slice %arg4[%add3A_321, %dma_start3A_328] : memref<16384x1000xi32, #tpu.memory_space<hbm>> -> memref<16x1000xi32, #tpu.memory_space<hbm>>
    %dma_start3A_330 = tpu.memref_slice %arg8[%dma_start3A_323] : memref<4x!tpu.dma_semaphore, #tpu.memory_space<semaphore_mem>> -> memref<1x!tpu.dma_semaphore, #tpu.memory_space<semaphore_mem>>
    %dma_start3A_331 = tpu.memref_squeeze %dma_start3A_330 : memref<1x!tpu.dma_semaphore, #tpu.memory_space<semaphore_mem>> -> memref<!tpu.dma_semaphore, #tpu.memory_space<semaphore_mem>>
    %dma_start3A_332 = arith.constant 0 : i32
    %dma_start3A_333 = tpu.memref_slice %arg4[%add3A_321, %dma_start3A_332] : memref<16384x1000xi32, #tpu.memory_space<hbm>> -> memref<16x1000xi32, #tpu.memory_space<hbm>>
    %dma_start3A_334 = arith.constant 0 : i32
    %dma_start3A_335 = arith.constant 0 : i32
    %dma_start3A_336 = tpu.memref_slice %arg6[%dma_start3A_322, %dma_start3A_334, %dma_start3A_335] : memref<4x16x1000xi32, #tpu.memory_space<vmem>> -> memref<1x16x1000xi32, #tpu.memory_space<vmem>>
    %dma_start3A_337 = tpu.memref_squeeze %dma_start3A_336 : memref<1x16x1000xi32, #tpu.memory_space<vmem>> -> memref<16x1000xi32, #tpu.memory_space<vmem>>
    tpu.enqueue_dma source(%dma_start3A_337 : memref<16x1000xi32, #tpu.memory_space<vmem>>) target(%dma_start3A_333 : memref<16x1000xi32, #tpu.memory_space<hbm>>) target_semaphore(%dma_start3A_331 : memref<!tpu.dma_semaphore, #tpu.memory_space<semaphore_mem>>)
    %add3A_338 = arith.constant 64 : i32
    %add3A_339 = arith.addi %mul3A_2, %add3A_338 : i32
    %dma_wait3A_340 = arith.constant 0 : i32
    %dma_wait3A_341 = arith.constant 0 : i32
    %dma_wait3A_342 = arith.constant 0 : i32
    %dma_wait3A_343 = arith.constant 0 : i32
    %dma_wait3A_344 = tpu.memref_slice %arg6[%dma_wait3A_340, %dma_wait3A_342, %dma_wait3A_343] : memref<4x16x1000xi32, #tpu.memory_space<vmem>> -> memref<1x16x1000xi32, #tpu.memory_space<vmem>>
    %dma_wait3A_345 = tpu.memref_squeeze %dma_wait3A_344 : memref<1x16x1000xi32, #tpu.memory_space<vmem>> -> memref<16x1000xi32, #tpu.memory_space<vmem>>
    %dma_wait3A_346 = arith.constant 0 : i32
    %dma_wait3A_347 = tpu.memref_slice %arg4[%add3A_339, %dma_wait3A_346] : memref<16384x1000xi32, #tpu.memory_space<hbm>> -> memref<16x1000xi32, #tpu.memory_space<hbm>>
    %dma_wait3A_348 = tpu.memref_slice %arg8[%dma_wait3A_341] : memref<4x!tpu.dma_semaphore, #tpu.memory_space<semaphore_mem>> -> memref<1x!tpu.dma_semaphore, #tpu.memory_space<semaphore_mem>>
    %dma_wait3A_349 = tpu.memref_squeeze %dma_wait3A_348 : memref<1x!tpu.dma_semaphore, #tpu.memory_space<semaphore_mem>> -> memref<!tpu.dma_semaphore, #tpu.memory_space<semaphore_mem>>
    %dma_wait3A_350 = arith.constant 0 : i32
    %dma_wait3A_351 = tpu.memref_slice %arg4[%add3A_339, %dma_wait3A_350] : memref<16384x1000xi32, #tpu.memory_space<hbm>> -> memref<16x1000xi32, #tpu.memory_space<hbm>>
    %dma_wait3A_352 = arith.constant 0 : i32
    %dma_wait3A_353 = arith.constant 0 : i32
    %dma_wait3A_354 = tpu.memref_slice %arg6[%dma_wait3A_340, %dma_wait3A_352, %dma_wait3A_353] : memref<4x16x1000xi32, #tpu.memory_space<vmem>> -> memref<1x16x1000xi32, #tpu.memory_space<vmem>>
    %dma_wait3A_355 = tpu.memref_squeeze %dma_wait3A_354 : memref<1x16x1000xi32, #tpu.memory_space<vmem>> -> memref<16x1000xi32, #tpu.memory_space<vmem>>
    tpu.wait_dma2 semaphore(%dma_wait3A_349 : memref<!tpu.dma_semaphore, #tpu.memory_space<semaphore_mem>>) src(%dma_wait3A_355 : memref<16x1000xi32, #tpu.memory_space<vmem>>) dst(%dma_wait3A_351 : memref<16x1000xi32, #tpu.memory_space<hbm>>)
    %get3A_356 = arith.constant 64 : index
    %get3A_357 = tpu.vector_load %arg5[%get3A_356] {strides = array<i32>} : memref<512xi32, #tpu.memory_space<vmem>>, vector<16xi32>,
    %add3A_358 = arith.constant 0 : i32
    %add3A_359 = vector.broadcast %add3A_358 : i32 to vector<16xi32>
    %add3A_360 = arith.addi %iota3A, %add3A_359 : vector<16xi32>
    %scatter3A_361 = arith.constant 0 : i32
    %scatter3A_362 = arith.constant 0 : i32
    %scatter3A_363 = arith.constant 0 : i32
    %scatter3A_364 = tpu.memref_slice %arg6[%scatter3A_361, %scatter3A_362, %scatter3A_363] : memref<4x16x1000xi32, #tpu.memory_space<vmem>> -> memref<1x16x1000xi32, #tpu.memory_space<vmem>>
    %scatter3A_365 = tpu.memref_squeeze %scatter3A_364 : memref<1x16x1000xi32, #tpu.memory_space<vmem>> -> memref<16x1000xi32, #tpu.memory_space<vmem>>
    tpu.vector_store_idx %scatter3A_365[%add3A_360, %get3A_357], %broadcast_in_dim3A_3 : memref<16x1000xi32, #tpu.memory_space<vmem>>[vector<16xi32>, vector<16xi32>], vector<16xi32>,
    %get3A_366 = arith.constant 128 : index
    %get3A_367 = tpu.vector_load %arg5[%get3A_366] {strides = array<i32>} : memref<512xi32, #tpu.memory_space<vmem>>, vector<16xi32>,
    %add3A_368 = arith.constant 0 : i32
    %add3A_369 = vector.broadcast %add3A_368 : i32 to vector<16xi32>
    %add3A_370 = arith.addi %iota3A, %add3A_369 : vector<16xi32>
    %scatter3A_371 = arith.constant 0 : i32
    %scatter3A_372 = arith.constant 0 : i32
    %scatter3A_373 = arith.constant 0 : i32
    %scatter3A_374 = tpu.memref_slice %arg6[%scatter3A_371, %scatter3A_372, %scatter3A_373] : memref<4x16x1000xi32, #tpu.memory_space<vmem>> -> memref<1x16x1000xi32, #tpu.memory_space<vmem>>
    %scatter3A_375 = tpu.memref_squeeze %scatter3A_374 : memref<1x16x1000xi32, #tpu.memory_space<vmem>> -> memref<16x1000xi32, #tpu.memory_space<vmem>>
    tpu.vector_store_idx %scatter3A_375[%add3A_370, %get3A_367], %broadcast_in_dim3A_5 : memref<16x1000xi32, #tpu.memory_space<vmem>>[vector<16xi32>, vector<16xi32>], vector<16xi32>,
    %add3A_376 = arith.constant 128 : i32
    %add3A_377 = arith.addi %mul3A_2, %add3A_376 : i32
    %dma_start3A_378 = arith.constant 0 : i32
    %dma_start3A_379 = arith.constant 0 : i32
    %dma_start3A_380 = arith.constant 0 : i32
    %dma_start3A_381 = arith.constant 0 : i32
    %dma_start3A_382 = tpu.memref_slice %arg6[%dma_start3A_378, %dma_start3A_380, %dma_start3A_381] : memref<4x16x1000xi32, #tpu.memory_space<vmem>> -> memref<1x16x1000xi32, #tpu.memory_space<vmem>>
    %dma_start3A_383 = tpu.memref_squeeze %dma_start3A_382 : memref<1x16x1000xi32, #tpu.memory_space<vmem>> -> memref<16x1000xi32, #tpu.memory_space<vmem>>
    %dma_start3A_384 = arith.constant 0 : i32
    %dma_start3A_385 = tpu.memref_slice %arg4[%add3A_377, %dma_start3A_384] : memref<16384x1000xi32, #tpu.memory_space<hbm>> -> memref<16x1000xi32, #tpu.memory_space<hbm>>
    %dma_start3A_386 = tpu.memref_slice %arg8[%dma_start3A_379] : memref<4x!tpu.dma_semaphore, #tpu.memory_space<semaphore_mem>> -> memref<1x!tpu.dma_semaphore, #tpu.memory_space<semaphore_mem>>
    %dma_start3A_387 = tpu.memref_squeeze %dma_start3A_386 : memref<1x!tpu.dma_semaphore, #tpu.memory_space<semaphore_mem>> -> memref<!tpu.dma_semaphore, #tpu.memory_space<semaphore_mem>>
    %dma_start3A_388 = arith.constant 0 : i32
    %dma_start3A_389 = tpu.memref_slice %arg4[%add3A_377, %dma_start3A_388] : memref<16384x1000xi32, #tpu.memory_space<hbm>> -> memref<16x1000xi32, #tpu.memory_space<hbm>>
    %dma_start3A_390 = arith.constant 0 : i32
    %dma_start3A_391 = arith.constant 0 : i32
    %dma_start3A_392 = tpu.memref_slice %arg6[%dma_start3A_378, %dma_start3A_390, %dma_start3A_391] : memref<4x16x1000xi32, #tpu.memory_space<vmem>> -> memref<1x16x1000xi32, #tpu.memory_space<vmem>>
    %dma_start3A_393 = tpu.memref_squeeze %dma_start3A_392 : memref<1x16x1000xi32, #tpu.memory_space<vmem>> -> memref<16x1000xi32, #tpu.memory_space<vmem>>
    tpu.enqueue_dma source(%dma_start3A_393 : memref<16x1000xi32, #tpu.memory_space<vmem>>) target(%dma_start3A_389 : memref<16x1000xi32, #tpu.memory_space<hbm>>) target_semaphore(%dma_start3A_387 : memref<!tpu.dma_semaphore, #tpu.memory_space<semaphore_mem>>)
    %add3A_394 = arith.constant 80 : i32
    %add3A_395 = arith.addi %mul3A_2, %add3A_394 : i32
    %dma_wait3A_396 = arith.constant 1 : i32
    %dma_wait3A_397 = arith.constant 1 : i32
    %dma_wait3A_398 = arith.constant 0 : i32
    %dma_wait3A_399 = arith.constant 0 : i32
    %dma_wait3A_400 = tpu.memref_slice %arg6[%dma_wait3A_396, %dma_wait3A_398, %dma_wait3A_399] : memref<4x16x1000xi32, #tpu.memory_space<vmem>> -> memref<1x16x1000xi32, #tpu.memory_space<vmem>>
    %dma_wait3A_401 = tpu.memref_squeeze %dma_wait3A_400 : memref<1x16x1000xi32, #tpu.memory_space<vmem>> -> memref<16x1000xi32, #tpu.memory_space<vmem>>
    %dma_wait3A_402 = arith.constant 0 : i32
    %dma_wait3A_403 = tpu.memref_slice %arg4[%add3A_395, %dma_wait3A_402] : memref<16384x1000xi32, #tpu.memory_space<hbm>> -> memref<16x1000xi32, #tpu.memory_space<hbm>>
    %dma_wait3A_404 = tpu.memref_slice %arg8[%dma_wait3A_397] : memref<4x!tpu.dma_semaphore, #tpu.memory_space<semaphore_mem>> -> memref<1x!tpu.dma_semaphore, #tpu.memory_space<semaphore_mem>>
    %dma_wait3A_405 = tpu.memref_squeeze %dma_wait3A_404 : memref<1x!tpu.dma_semaphore, #tpu.memory_space<semaphore_mem>> -> memref<!tpu.dma_semaphore, #tpu.memory_space<semaphore_mem>>
    %dma_wait3A_406 = arith.constant 0 : i32
    %dma_wait3A_407 = tpu.memref_slice %arg4[%add3A_395, %dma_wait3A_406] : memref<16384x1000xi32, #tpu.memory_space<hbm>> -> memref<16x1000xi32, #tpu.memory_space<hbm>>
    %dma_wait3A_408 = arith.constant 0 : i32
    %dma_wait3A_409 = arith.constant 0 : i32
    %dma_wait3A_410 = tpu.memref_slice %arg6[%dma_wait3A_396, %dma_wait3A_408, %dma_wait3A_409] : memref<4x16x1000xi32, #tpu.memory_space<vmem>> -> memref<1x16x1000xi32, #tpu.memory_space<vmem>>
    %dma_wait3A_411 = tpu.memref_squeeze %dma_wait3A_410 : memref<1x16x1000xi32, #tpu.memory_space<vmem>> -> memref<16x1000xi32, #tpu.memory_space<vmem>>
    tpu.wait_dma2 semaphore(%dma_wait3A_405 : memref<!tpu.dma_semaphore, #tpu.memory_space<semaphore_mem>>) src(%dma_wait3A_411 : memref<16x1000xi32, #tpu.memory_space<vmem>>) dst(%dma_wait3A_407 : memref<16x1000xi32, #tpu.memory_space<hbm>>)
    %get3A_412 = arith.constant 80 : index
    %get3A_413 = tpu.vector_load %arg5[%get3A_412] {strides = array<i32>} : memref<512xi32, #tpu.memory_space<vmem>>, vector<16xi32>,
    %add3A_414 = arith.constant 0 : i32
    %add3A_415 = vector.broadcast %add3A_414 : i32 to vector<16xi32>
    %add3A_416 = arith.addi %iota3A, %add3A_415 : vector<16xi32>
    %scatter3A_417 = arith.constant 1 : i32
    %scatter3A_418 = arith.constant 0 : i32
    %scatter3A_419 = arith.constant 0 : i32
    %scatter3A_420 = tpu.memref_slice %arg6[%scatter3A_417, %scatter3A_418, %scatter3A_419] : memref<4x16x1000xi32, #tpu.memory_space<vmem>> -> memref<1x16x1000xi32, #tpu.memory_space<vmem>>
    %scatter3A_421 = tpu.memref_squeeze %scatter3A_420 : memref<1x16x1000xi32, #tpu.memory_space<vmem>> -> memref<16x1000xi32, #tpu.memory_space<vmem>>
    tpu.vector_store_idx %scatter3A_421[%add3A_416, %get3A_413], %broadcast_in_dim3A_3 : memref<16x1000xi32, #tpu.memory_space<vmem>>[vector<16xi32>, vector<16xi32>], vector<16xi32>,
    %get3A_422 = arith.constant 144 : index
    %get3A_423 = tpu.vector_load %arg5[%get3A_422] {strides = array<i32>} : memref<512xi32, #tpu.memory_space<vmem>>, vector<16xi32>,
    %add3A_424 = arith.constant 0 : i32
    %add3A_425 = vector.broadcast %add3A_424 : i32 to vector<16xi32>
    %add3A_426 = arith.addi %iota3A, %add3A_425 : vector<16xi32>
    %scatter3A_427 = arith.constant 1 : i32
    %scatter3A_428 = arith.constant 0 : i32
    %scatter3A_429 = arith.constant 0 : i32
    %scatter3A_430 = tpu.memref_slice %arg6[%scatter3A_427, %scatter3A_428, %scatter3A_429] : memref<4x16x1000xi32, #tpu.memory_space<vmem>> -> memref<1x16x1000xi32, #tpu.memory_space<vmem>>
    %scatter3A_431 = tpu.memref_squeeze %scatter3A_430 : memref<1x16x1000xi32, #tpu.memory_space<vmem>> -> memref<16x1000xi32, #tpu.memory_space<vmem>>
    tpu.vector_store_idx %scatter3A_431[%add3A_426, %get3A_423], %broadcast_in_dim3A_5 : memref<16x1000xi32, #tpu.memory_space<vmem>>[vector<16xi32>, vector<16xi32>], vector<16xi32>,
    %add3A_432 = arith.constant 144 : i32
    %add3A_433 = arith.addi %mul3A_2, %add3A_432 : i32
    %dma_start3A_434 = arith.constant 1 : i32
    %dma_start3A_435 = arith.constant 1 : i32
    %dma_start3A_436 = arith.constant 0 : i32
    %dma_start3A_437 = arith.constant 0 : i32
    %dma_start3A_438 = tpu.memref_slice %arg6[%dma_start3A_434, %dma_start3A_436, %dma_start3A_437] : memref<4x16x1000xi32, #tpu.memory_space<vmem>> -> memref<1x16x1000xi32, #tpu.memory_space<vmem>>
    %dma_start3A_439 = tpu.memref_squeeze %dma_start3A_438 : memref<1x16x1000xi32, #tpu.memory_space<vmem>> -> memref<16x1000xi32, #tpu.memory_space<vmem>>
    %dma_start3A_440 = arith.constant 0 : i32
    %dma_start3A_441 = tpu.memref_slice %arg4[%add3A_433, %dma_start3A_440] : memref<16384x1000xi32, #tpu.memory_space<hbm>> -> memref<16x1000xi32, #tpu.memory_space<hbm>>
    %dma_start3A_442 = tpu.memref_slice %arg8[%dma_start3A_435] : memref<4x!tpu.dma_semaphore, #tpu.memory_space<semaphore_mem>> -> memref<1x!tpu.dma_semaphore, #tpu.memory_space<semaphore_mem>>
    %dma_start3A_443 = tpu.memref_squeeze %dma_start3A_442 : memref<1x!tpu.dma_semaphore, #tpu.memory_space<semaphore_mem>> -> memref<!tpu.dma_semaphore, #tpu.memory_space<semaphore_mem>>
    %dma_start3A_444 = arith.constant 0 : i32
    %dma_start3A_445 = tpu.memref_slice %arg4[%add3A_433, %dma_start3A_444] : memref<16384x1000xi32, #tpu.memory_space<hbm>> -> memref<16x1000xi32, #tpu.memory_space<hbm>>
    %dma_start3A_446 = arith.constant 0 : i32
    %dma_start3A_447 = arith.constant 0 : i32
    %dma_start3A_448 = tpu.memref_slice %arg6[%dma_start3A_434, %dma_start3A_446, %dma_start3A_447] : memref<4x16x1000xi32, #tpu.memory_space<vmem>> -> memref<1x16x1000xi32, #tpu.memory_space<vmem>>
    %dma_start3A_449 = tpu.memref_squeeze %dma_start3A_448 : memref<1x16x1000xi32, #tpu.memory_space<vmem>> -> memref<16x1000xi32, #tpu.memory_space<vmem>>
    tpu.enqueue_dma source(%dma_start3A_449 : memref<16x1000xi32, #tpu.memory_space<vmem>>) target(%dma_start3A_445 : memref<16x1000xi32, #tpu.memory_space<hbm>>) target_semaphore(%dma_start3A_443 : memref<!tpu.dma_semaphore, #tpu.memory_space<semaphore_mem>>)
    %add3A_450 = arith.constant 96 : i32
    %add3A_451 = arith.addi %mul3A_2, %add3A_450 : i32
    %dma_wait3A_452 = arith.constant 2 : i32
    %dma_wait3A_453 = arith.constant 2 : i32
    %dma_wait3A_454 = arith.constant 0 : i32
    %dma_wait3A_455 = arith.constant 0 : i32
    %dma_wait3A_456 = tpu.memref_slice %arg6[%dma_wait3A_452, %dma_wait3A_454, %dma_wait3A_455] : memref<4x16x1000xi32, #tpu.memory_space<vmem>> -> memref<1x16x1000xi32, #tpu.memory_space<vmem>>
    %dma_wait3A_457 = tpu.memref_squeeze %dma_wait3A_456 : memref<1x16x1000xi32, #tpu.memory_space<vmem>> -> memref<16x1000xi32, #tpu.memory_space<vmem>>
    %dma_wait3A_458 = arith.constant 0 : i32
    %dma_wait3A_459 = tpu.memref_slice %arg4[%add3A_451, %dma_wait3A_458] : memref<16384x1000xi32, #tpu.memory_space<hbm>> -> memref<16x1000xi32, #tpu.memory_space<hbm>>
    %dma_wait3A_460 = tpu.memref_slice %arg8[%dma_wait3A_453] : memref<4x!tpu.dma_semaphore, #tpu.memory_space<semaphore_mem>> -> memref<1x!tpu.dma_semaphore, #tpu.memory_space<semaphore_mem>>
    %dma_wait3A_461 = tpu.memref_squeeze %dma_wait3A_460 : memref<1x!tpu.dma_semaphore, #tpu.memory_space<semaphore_mem>> -> memref<!tpu.dma_semaphore, #tpu.memory_space<semaphore_mem>>
    %dma_wait3A_462 = arith.constant 0 : i32
    %dma_wait3A_463 = tpu.memref_slice %arg4[%add3A_451, %dma_wait3A_462] : memref<16384x1000xi32, #tpu.memory_space<hbm>> -> memref<16x1000xi32, #tpu.memory_space<hbm>>
    %dma_wait3A_464 = arith.constant 0 : i32
    %dma_wait3A_465 = arith.constant 0 : i32
    %dma_wait3A_466 = tpu.memref_slice %arg6[%dma_wait3A_452, %dma_wait3A_464, %dma_wait3A_465] : memref<4x16x1000xi32, #tpu.memory_space<vmem>> -> memref<1x16x1000xi32, #tpu.memory_space<vmem>>
    %dma_wait3A_467 = tpu.memref_squeeze %dma_wait3A_466 : memref<1x16x1000xi32, #tpu.memory_space<vmem>> -> memref<16x1000xi32, #tpu.memory_space<vmem>>
    tpu.wait_dma2 semaphore(%dma_wait3A_461 : memref<!tpu.dma_semaphore, #tpu.memory_space<semaphore_mem>>) src(%dma_wait3A_467 : memref<16x1000xi32, #tpu.memory_space<vmem>>) dst(%dma_wait3A_463 : memref<16x1000xi32, #tpu.memory_space<hbm>>)
    %get3A_468 = arith.constant 96 : index
    %get3A_469 = tpu.vector_load %arg5[%get3A_468] {strides = array<i32>} : memref<512xi32, #tpu.memory_space<vmem>>, vector<16xi32>,
    %add3A_470 = arith.constant 0 : i32
    %add3A_471 = vector.broadcast %add3A_470 : i32 to vector<16xi32>
    %add3A_472 = arith.addi %iota3A, %add3A_471 : vector<16xi32>
    %scatter3A_473 = arith.constant 2 : i32
    %scatter3A_474 = arith.constant 0 : i32
    %scatter3A_475 = arith.constant 0 : i32
    %scatter3A_476 = tpu.memref_slice %arg6[%scatter3A_473, %scatter3A_474, %scatter3A_475] : memref<4x16x1000xi32, #tpu.memory_space<vmem>> -> memref<1x16x1000xi32, #tpu.memory_space<vmem>>
    %scatter3A_477 = tpu.memref_squeeze %scatter3A_476 : memref<1x16x1000xi32, #tpu.memory_space<vmem>> -> memref<16x1000xi32, #tpu.memory_space<vmem>>
    tpu.vector_store_idx %scatter3A_477[%add3A_472, %get3A_469], %broadcast_in_dim3A_3 : memref<16x1000xi32, #tpu.memory_space<vmem>>[vector<16xi32>, vector<16xi32>], vector<16xi32>,
    %get3A_478 = arith.constant 160 : index
    %get3A_479 = tpu.vector_load %arg5[%get3A_478] {strides = array<i32>} : memref<512xi32, #tpu.memory_space<vmem>>, vector<16xi32>,
    %add3A_480 = arith.constant 0 : i32
    %add3A_481 = vector.broadcast %add3A_480 : i32 to vector<16xi32>
    %add3A_482 = arith.addi %iota3A, %add3A_481 : vector<16xi32>
    %scatter3A_483 = arith.constant 2 : i32
    %scatter3A_484 = arith.constant 0 : i32
    %scatter3A_485 = arith.constant 0 : i32
    %scatter3A_486 = tpu.memref_slice %arg6[%scatter3A_483, %scatter3A_484, %scatter3A_485] : memref<4x16x1000xi32, #tpu.memory_space<vmem>> -> memref<1x16x1000xi32, #tpu.memory_space<vmem>>
    %scatter3A_487 = tpu.memref_squeeze %scatter3A_486 : memref<1x16x1000xi32, #tpu.memory_space<vmem>> -> memref<16x1000xi32, #tpu.memory_space<vmem>>
    tpu.vector_store_idx %scatter3A_487[%add3A_482, %get3A_479], %broadcast_in_dim3A_5 : memref<16x1000xi32, #tpu.memory_space<vmem>>[vector<16xi32>, vector<16xi32>], vector<16xi32>,
    %add3A_488 = arith.constant 160 : i32
    %add3A_489 = arith.addi %mul3A_2, %add3A_488 : i32
    %dma_start3A_490 = arith.constant 2 : i32
    %dma_start3A_491 = arith.constant 2 : i32
    %dma_start3A_492 = arith.constant 0 : i32
    %dma_start3A_493 = arith.constant 0 : i32
    %dma_start3A_494 = tpu.memref_slice %arg6[%dma_start3A_490, %dma_start3A_492, %dma_start3A_493] : memref<4x16x1000xi32, #tpu.memory_space<vmem>> -> memref<1x16x1000xi32, #tpu.memory_space<vmem>>
    %dma_start3A_495 = tpu.memref_squeeze %dma_start3A_494 : memref<1x16x1000xi32, #tpu.memory_space<vmem>> -> memref<16x1000xi32, #tpu.memory_space<vmem>>
    %dma_start3A_496 = arith.constant 0 : i32
    %dma_start3A_497 = tpu.memref_slice %arg4[%add3A_489, %dma_start3A_496] : memref<16384x1000xi32, #tpu.memory_space<hbm>> -> memref<16x1000xi32, #tpu.memory_space<hbm>>
    %dma_start3A_498 = tpu.memref_slice %arg8[%dma_start3A_491] : memref<4x!tpu.dma_semaphore, #tpu.memory_space<semaphore_mem>> -> memref<1x!tpu.dma_semaphore, #tpu.memory_space<semaphore_mem>>
    %dma_start3A_499 = tpu.memref_squeeze %dma_start3A_498 : memref<1x!tpu.dma_semaphore, #tpu.memory_space<semaphore_mem>> -> memref<!tpu.dma_semaphore, #tpu.memory_space<semaphore_mem>>
    %dma_start3A_500 = arith.constant 0 : i32
    %dma_start3A_501 = tpu.memref_slice %arg4[%add3A_489, %dma_start3A_500] : memref<16384x1000xi32, #tpu.memory_space<hbm>> -> memref<16x1000xi32, #tpu.memory_space<hbm>>
    %dma_start3A_502 = arith.constant 0 : i32
    %dma_start3A_503 = arith.constant 0 : i32
    %dma_start3A_504 = tpu.memref_slice %arg6[%dma_start3A_490, %dma_start3A_502, %dma_start3A_503] : memref<4x16x1000xi32, #tpu.memory_space<vmem>> -> memref<1x16x1000xi32, #tpu.memory_space<vmem>>
    %dma_start3A_505 = tpu.memref_squeeze %dma_start3A_504 : memref<1x16x1000xi32, #tpu.memory_space<vmem>> -> memref<16x1000xi32, #tpu.memory_space<vmem>>
    tpu.enqueue_dma source(%dma_start3A_505 : memref<16x1000xi32, #tpu.memory_space<vmem>>) target(%dma_start3A_501 : memref<16x1000xi32, #tpu.memory_space<hbm>>) target_semaphore(%dma_start3A_499 : memref<!tpu.dma_semaphore, #tpu.memory_space<semaphore_mem>>)
    %add3A_506 = arith.constant 112 : i32
    %add3A_507 = arith.addi %mul3A_2, %add3A_506 : i32
    %dma_wait3A_508 = arith.constant 3 : i32
    %dma_wait3A_509 = arith.constant 3 : i32
    %dma_wait3A_510 = arith.constant 0 : i32
    %dma_wait3A_511 = arith.constant 0 : i32
    %dma_wait3A_512 = tpu.memref_slice %arg6[%dma_wait3A_508, %dma_wait3A_510, %dma_wait3A_511] : memref<4x16x1000xi32, #tpu.memory_space<vmem>> -> memref<1x16x1000xi32, #tpu.memory_space<vmem>>
    %dma_wait3A_513 = tpu.memref_squeeze %dma_wait3A_512 : memref<1x16x1000xi32, #tpu.memory_space<vmem>> -> memref<16x1000xi32, #tpu.memory_space<vmem>>
    %dma_wait3A_514 = arith.constant 0 : i32
    %dma_wait3A_515 = tpu.memref_slice %arg4[%add3A_507, %dma_wait3A_514] : memref<16384x1000xi32, #tpu.memory_space<hbm>> -> memref<16x1000xi32, #tpu.memory_space<hbm>>
    %dma_wait3A_516 = tpu.memref_slice %arg8[%dma_wait3A_509] : memref<4x!tpu.dma_semaphore, #tpu.memory_space<semaphore_mem>> -> memref<1x!tpu.dma_semaphore, #tpu.memory_space<semaphore_mem>>
    %dma_wait3A_517 = tpu.memref_squeeze %dma_wait3A_516 : memref<1x!tpu.dma_semaphore, #tpu.memory_space<semaphore_mem>> -> memref<!tpu.dma_semaphore, #tpu.memory_space<semaphore_mem>>
    %dma_wait3A_518 = arith.constant 0 : i32
    %dma_wait3A_519 = tpu.memref_slice %arg4[%add3A_507, %dma_wait3A_518] : memref<16384x1000xi32, #tpu.memory_space<hbm>> -> memref<16x1000xi32, #tpu.memory_space<hbm>>
    %dma_wait3A_520 = arith.constant 0 : i32
    %dma_wait3A_521 = arith.constant 0 : i32
    %dma_wait3A_522 = tpu.memref_slice %arg6[%dma_wait3A_508, %dma_wait3A_520, %dma_wait3A_521] : memref<4x16x1000xi32, #tpu.memory_space<vmem>> -> memref<1x16x1000xi32, #tpu.memory_space<vmem>>
    %dma_wait3A_523 = tpu.memref_squeeze %dma_wait3A_522 : memref<1x16x1000xi32, #tpu.memory_space<vmem>> -> memref<16x1000xi32, #tpu.memory_space<vmem>>
    tpu.wait_dma2 semaphore(%dma_wait3A_517 : memref<!tpu.dma_semaphore, #tpu.memory_space<semaphore_mem>>) src(%dma_wait3A_523 : memref<16x1000xi32, #tpu.memory_space<vmem>>) dst(%dma_wait3A_519 : memref<16x1000xi32, #tpu.memory_space<hbm>>)
    %get3A_524 = arith.constant 112 : index
    %get3A_525 = tpu.vector_load %arg5[%get3A_524] {strides = array<i32>} : memref<512xi32, #tpu.memory_space<vmem>>, vector<16xi32>,
    %add3A_526 = arith.constant 0 : i32
    %add3A_527 = vector.broadcast %add3A_526 : i32 to vector<16xi32>
    %add3A_528 = arith.addi %iota3A, %add3A_527 : vector<16xi32>
    %scatter3A_529 = arith.constant 3 : i32
    %scatter3A_530 = arith.constant 0 : i32
    %scatter3A_531 = arith.constant 0 : i32
    %scatter3A_532 = tpu.memref_slice %arg6[%scatter3A_529, %scatter3A_530, %scatter3A_531] : memref<4x16x1000xi32, #tpu.memory_space<vmem>> -> memref<1x16x1000xi32, #tpu.memory_space<vmem>>
    %scatter3A_533 = tpu.memref_squeeze %scatter3A_532 : memref<1x16x1000xi32, #tpu.memory_space<vmem>> -> memref<16x1000xi32, #tpu.memory_space<vmem>>
    tpu.vector_store_idx %scatter3A_533[%add3A_528, %get3A_525], %broadcast_in_dim3A_3 : memref<16x1000xi32, #tpu.memory_space<vmem>>[vector<16xi32>, vector<16xi32>], vector<16xi32>,
    %get3A_534 = arith.constant 176 : index
    %get3A_535 = tpu.vector_load %arg5[%get3A_534] {strides = array<i32>} : memref<512xi32, #tpu.memory_space<vmem>>, vector<16xi32>,
    %add3A_536 = arith.constant 0 : i32
    %add3A_537 = vector.broadcast %add3A_536 : i32 to vector<16xi32>
    %add3A_538 = arith.addi %iota3A, %add3A_537 : vector<16xi32>
    %scatter3A_539 = arith.constant 3 : i32
    %scatter3A_540 = arith.constant 0 : i32
    %scatter3A_541 = arith.constant 0 : i32
    %scatter3A_542 = tpu.memref_slice %arg6[%scatter3A_539, %scatter3A_540, %scatter3A_541] : memref<4x16x1000xi32, #tpu.memory_space<vmem>> -> memref<1x16x1000xi32, #tpu.memory_space<vmem>>
    %scatter3A_543 = tpu.memref_squeeze %scatter3A_542 : memref<1x16x1000xi32, #tpu.memory_space<vmem>> -> memref<16x1000xi32, #tpu.memory_space<vmem>>
    tpu.vector_store_idx %scatter3A_543[%add3A_538, %get3A_535], %broadcast_in_dim3A_5 : memref<16x1000xi32, #tpu.memory_space<vmem>>[vector<16xi32>, vector<16xi32>], vector<16xi32>,
    %add3A_544 = arith.constant 176 : i32
    %add3A_545 = arith.addi %mul3A_2, %add3A_544 : i32
    %dma_start3A_546 = arith.constant 3 : i32
    %dma_start3A_547 = arith.constant 3 : i32
    %dma_start3A_548 = arith.constant 0 : i32
    %dma_start3A_549 = arith.constant 0 : i32
    %dma_start3A_550 = tpu.memref_slice %arg6[%dma_start3A_546, %dma_start3A_548, %dma_start3A_549] : memref<4x16x1000xi32, #tpu.memory_space<vmem>> -> memref<1x16x1000xi32, #tpu.memory_space<vmem>>
    %dma_start3A_551 = tpu.memref_squeeze %dma_start3A_550 : memref<1x16x1000xi32, #tpu.memory_space<vmem>> -> memref<16x1000xi32, #tpu.memory_space<vmem>>
    %dma_start3A_552 = arith.constant 0 : i32
    %dma_start3A_553 = tpu.memref_slice %arg4[%add3A_545, %dma_start3A_552] : memref<16384x1000xi32, #tpu.memory_space<hbm>> -> memref<16x1000xi32, #tpu.memory_space<hbm>>
    %dma_start3A_554 = tpu.memref_slice %arg8[%dma_start3A_547] : memref<4x!tpu.dma_semaphore, #tpu.memory_space<semaphore_mem>> -> memref<1x!tpu.dma_semaphore, #tpu.memory_space<semaphore_mem>>
    %dma_start3A_555 = tpu.memref_squeeze %dma_start3A_554 : memref<1x!tpu.dma_semaphore, #tpu.memory_space<semaphore_mem>> -> memref<!tpu.dma_semaphore, #tpu.memory_space<semaphore_mem>>
    %dma_start3A_556 = arith.constant 0 : i32
    %dma_start3A_557 = tpu.memref_slice %arg4[%add3A_545, %dma_start3A_556] : memref<16384x1000xi32, #tpu.memory_space<hbm>> -> memref<16x1000xi32, #tpu.memory_space<hbm>>
    %dma_start3A_558 = arith.constant 0 : i32
    %dma_start3A_559 = arith.constant 0 : i32
    %dma_start3A_560 = tpu.memref_slice %arg6[%dma_start3A_546, %dma_start3A_558, %dma_start3A_559] : memref<4x16x1000xi32, #tpu.memory_space<vmem>> -> memref<1x16x1000xi32, #tpu.memory_space<vmem>>
    %dma_start3A_561 = tpu.memref_squeeze %dma_start3A_560 : memref<1x16x1000xi32, #tpu.memory_space<vmem>> -> memref<16x1000xi32, #tpu.memory_space<vmem>>
    tpu.enqueue_dma source(%dma_start3A_561 : memref<16x1000xi32, #tpu.memory_space<vmem>>) target(%dma_start3A_557 : memref<16x1000xi32, #tpu.memory_space<hbm>>) target_semaphore(%dma_start3A_555 : memref<!tpu.dma_semaphore, #tpu.memory_space<semaphore_mem>>)
    %add3A_562 = arith.constant 128 : i32
    %add3A_563 = arith.addi %mul3A_2, %add3A_562 : i32
    %dma_wait3A_564 = arith.constant 0 : i32
    %dma_wait3A_565 = arith.constant 0 : i32
    %dma_wait3A_566 = arith.constant 0 : i32
    %dma_wait3A_567 = arith.constant 0 : i32
    %dma_wait3A_568 = tpu.memref_slice %arg6[%dma_wait3A_564, %dma_wait3A_566, %dma_wait3A_567] : memref<4x16x1000xi32, #tpu.memory_space<vmem>> -> memref<1x16x1000xi32, #tpu.memory_space<vmem>>
    %dma_wait3A_569 = tpu.memref_squeeze %dma_wait3A_568 : memref<1x16x1000xi32, #tpu.memory_space<vmem>> -> memref<16x1000xi32, #tpu.memory_space<vmem>>
    %dma_wait3A_570 = arith.constant 0 : i32
    %dma_wait3A_571 = tpu.memref_slice %arg4[%add3A_563, %dma_wait3A_570] : memref<16384x1000xi32, #tpu.memory_space<hbm>> -> memref<16x1000xi32, #tpu.memory_space<hbm>>
    %dma_wait3A_572 = tpu.memref_slice %arg8[%dma_wait3A_565] : memref<4x!tpu.dma_semaphore, #tpu.memory_space<semaphore_mem>> -> memref<1x!tpu.dma_semaphore, #tpu.memory_space<semaphore_mem>>
    %dma_wait3A_573 = tpu.memref_squeeze %dma_wait3A_572 : memref<1x!tpu.dma_semaphore, #tpu.memory_space<semaphore_mem>> -> memref<!tpu.dma_semaphore, #tpu.memory_space<semaphore_mem>>
    %dma_wait3A_574 = arith.constant 0 : i32
    %dma_wait3A_575 = tpu.memref_slice %arg4[%add3A_563, %dma_wait3A_574] : memref<16384x1000xi32, #tpu.memory_space<hbm>> -> memref<16x1000xi32, #tpu.memory_space<hbm>>
    %dma_wait3A_576 = arith.constant 0 : i32
    %dma_wait3A_577 = arith.constant 0 : i32
    %dma_wait3A_578 = tpu.memref_slice %arg6[%dma_wait3A_564, %dma_wait3A_576, %dma_wait3A_577] : memref<4x16x1000xi32, #tpu.memory_space<vmem>> -> memref<1x16x1000xi32, #tpu.memory_space<vmem>>
    %dma_wait3A_579 = tpu.memref_squeeze %dma_wait3A_578 : memref<1x16x1000xi32, #tpu.memory_space<vmem>> -> memref<16x1000xi32, #tpu.memory_space<vmem>>
    tpu.wait_dma2 semaphore(%dma_wait3A_573 : memref<!tpu.dma_semaphore, #tpu.memory_space<semaphore_mem>>) src(%dma_wait3A_579 : memref<16x1000xi32, #tpu.memory_space<vmem>>) dst(%dma_wait3A_575 : memref<16x1000xi32, #tpu.memory_space<hbm>>)
    %get3A_580 = arith.constant 128 : index
    %get3A_581 = tpu.vector_load %arg5[%get3A_580] {strides = array<i32>} : memref<512xi32, #tpu.memory_space<vmem>>, vector<16xi32>,
    %add3A_582 = arith.constant 0 : i32
    %add3A_583 = vector.broadcast %add3A_582 : i32 to vector<16xi32>
    %add3A_584 = arith.addi %iota3A, %add3A_583 : vector<16xi32>
    %scatter3A_585 = arith.constant 0 : i32
    %scatter3A_586 = arith.constant 0 : i32
    %scatter3A_587 = arith.constant 0 : i32
    %scatter3A_588 = tpu.memref_slice %arg6[%scatter3A_585, %scatter3A_586, %scatter3A_587] : memref<4x16x1000xi32, #tpu.memory_space<vmem>> -> memref<1x16x1000xi32, #tpu.memory_space<vmem>>
    %scatter3A_589 = tpu.memref_squeeze %scatter3A_588 : memref<1x16x1000xi32, #tpu.memory_space<vmem>> -> memref<16x1000xi32, #tpu.memory_space<vmem>>
    tpu.vector_store_idx %scatter3A_589[%add3A_584, %get3A_581], %broadcast_in_dim3A_3 : memref<16x1000xi32, #tpu.memory_space<vmem>>[vector<16xi32>, vector<16xi32>], vector<16xi32>,
    %get3A_590 = arith.constant 192 : index
    %get3A_591 = tpu.vector_load %arg5[%get3A_590] {strides = array<i32>} : memref<512xi32, #tpu.memory_space<vmem>>, vector<16xi32>,
    %add3A_592 = arith.constant 0 : i32
    %add3A_593 = vector.broadcast %add3A_592 : i32 to vector<16xi32>
    %add3A_594 = arith.addi %iota3A, %add3A_593 : vector<16xi32>
    %scatter3A_595 = arith.constant 0 : i32
    %scatter3A_596 = arith.constant 0 : i32
    %scatter3A_597 = arith.constant 0 : i32
    %scatter3A_598 = tpu.memref_slice %arg6[%scatter3A_595, %scatter3A_596, %scatter3A_597] : memref<4x16x1000xi32, #tpu.memory_space<vmem>> -> memref<1x16x1000xi32, #tpu.memory_space<vmem>>
    %scatter3A_599 = tpu.memref_squeeze %scatter3A_598 : memref<1x16x1000xi32, #tpu.memory_space<vmem>> -> memref<16x1000xi32, #tpu.memory_space<vmem>>
    tpu.vector_store_idx %scatter3A_599[%add3A_594, %get3A_591], %broadcast_in_dim3A_5 : memref<16x1000xi32, #tpu.memory_space<vmem>>[vector<16xi32>, vector<16xi32>], vector<16xi32>,
    %add3A_600 = arith.constant 192 : i32
    %add3A_601 = arith.addi %mul3A_2, %add3A_600 : i32
    %dma_start3A_602 = arith.constant 0 : i32
    %dma_start3A_603 = arith.constant 0 : i32
    %dma_start3A_604 = arith.constant 0 : i32
    %dma_start3A_605 = arith.constant 0 : i32
    %dma_start3A_606 = tpu.memref_slice %arg6[%dma_start3A_602, %dma_start3A_604, %dma_start3A_605] : memref<4x16x1000xi32, #tpu.memory_space<vmem>> -> memref<1x16x1000xi32, #tpu.memory_space<vmem>>
    %dma_start3A_607 = tpu.memref_squeeze %dma_start3A_606 : memref<1x16x1000xi32, #tpu.memory_space<vmem>> -> memref<16x1000xi32, #tpu.memory_space<vmem>>
    %dma_start3A_608 = arith.constant 0 : i32
    %dma_start3A_609 = tpu.memref_slice %arg4[%add3A_601, %dma_start3A_608] : memref<16384x1000xi32, #tpu.memory_space<hbm>> -> memref<16x1000xi32, #tpu.memory_space<hbm>>
    %dma_start3A_610 = tpu.memref_slice %arg8[%dma_start3A_603] : memref<4x!tpu.dma_semaphore, #tpu.memory_space<semaphore_mem>> -> memref<1x!tpu.dma_semaphore, #tpu.memory_space<semaphore_mem>>
    %dma_start3A_611 = tpu.memref_squeeze %dma_start3A_610 : memref<1x!tpu.dma_semaphore, #tpu.memory_space<semaphore_mem>> -> memref<!tpu.dma_semaphore, #tpu.memory_space<semaphore_mem>>
    %dma_start3A_612 = arith.constant 0 : i32
    %dma_start3A_613 = tpu.memref_slice %arg4[%add3A_601, %dma_start3A_612] : memref<16384x1000xi32, #tpu.memory_space<hbm>> -> memref<16x1000xi32, #tpu.memory_space<hbm>>
    %dma_start3A_614 = arith.constant 0 : i32
    %dma_start3A_615 = arith.constant 0 : i32
    %dma_start3A_616 = tpu.memref_slice %arg6[%dma_start3A_602, %dma_start3A_614, %dma_start3A_615] : memref<4x16x1000xi32, #tpu.memory_space<vmem>> -> memref<1x16x1000xi32, #tpu.memory_space<vmem>>
    %dma_start3A_617 = tpu.memref_squeeze %dma_start3A_616 : memref<1x16x1000xi32, #tpu.memory_space<vmem>> -> memref<16x1000xi32, #tpu.memory_space<vmem>>
    tpu.enqueue_dma source(%dma_start3A_617 : memref<16x1000xi32, #tpu.memory_space<vmem>>) target(%dma_start3A_613 : memref<16x1000xi32, #tpu.memory_space<hbm>>) target_semaphore(%dma_start3A_611 : memref<!tpu.dma_semaphore, #tpu.memory_space<semaphore_mem>>)
    %add3A_618 = arith.constant 144 : i32
    %add3A_619 = arith.addi %mul3A_2, %add3A_618 : i32
    %dma_wait3A_620 = arith.constant 1 : i32
    %dma_wait3A_621 = arith.constant 1 : i32
    %dma_wait3A_622 = arith.constant 0 : i32
    %dma_wait3A_623 = arith.constant 0 : i32
    %dma_wait3A_624 = tpu.memref_slice %arg6[%dma_wait3A_620, %dma_wait3A_622, %dma_wait3A_623] : memref<4x16x1000xi32, #tpu.memory_space<vmem>> -> memref<1x16x1000xi32, #tpu.memory_space<vmem>>
    %dma_wait3A_625 = tpu.memref_squeeze %dma_wait3A_624 : memref<1x16x1000xi32, #tpu.memory_space<vmem>> -> memref<16x1000xi32, #tpu.memory_space<vmem>>
    %dma_wait3A_626 = arith.constant 0 : i32
    %dma_wait3A_627 = tpu.memref_slice %arg4[%add3A_619, %dma_wait3A_626] : memref<16384x1000xi32, #tpu.memory_space<hbm>> -> memref<16x1000xi32, #tpu.memory_space<hbm>>
    %dma_wait3A_628 = tpu.memref_slice %arg8[%dma_wait3A_621] : memref<4x!tpu.dma_semaphore, #tpu.memory_space<semaphore_mem>> -> memref<1x!tpu.dma_semaphore, #tpu.memory_space<semaphore_mem>>
    %dma_wait3A_629 = tpu.memref_squeeze %dma_wait3A_628 : memref<1x!tpu.dma_semaphore, #tpu.memory_space<semaphore_mem>> -> memref<!tpu.dma_semaphore, #tpu.memory_space<semaphore_mem>>
    %dma_wait3A_630 = arith.constant 0 : i32
    %dma_wait3A_631 = tpu.memref_slice %arg4[%add3A_619, %dma_wait3A_630] : memref<16384x1000xi32, #tpu.memory_space<hbm>> -> memref<16x1000xi32, #tpu.memory_space<hbm>>
    %dma_wait3A_632 = arith.constant 0 : i32
    %dma_wait3A_633 = arith.constant 0 : i32
    %dma_wait3A_634 = tpu.memref_slice %arg6[%dma_wait3A_620, %dma_wait3A_632, %dma_wait3A_633] : memref<4x16x1000xi32, #tpu.memory_space<vmem>> -> memref<1x16x1000xi32, #tpu.memory_space<vmem>>
    %dma_wait3A_635 = tpu.memref_squeeze %dma_wait3A_634 : memref<1x16x1000xi32, #tpu.memory_space<vmem>> -> memref<16x1000xi32, #tpu.memory_space<vmem>>
    tpu.wait_dma2 semaphore(%dma_wait3A_629 : memref<!tpu.dma_semaphore, #tpu.memory_space<semaphore_mem>>) src(%dma_wait3A_635 : memref<16x1000xi32, #tpu.memory_space<vmem>>) dst(%dma_wait3A_631 : memref<16x1000xi32, #tpu.memory_space<hbm>>)
    %get3A_636 = arith.constant 144 : index
    %get3A_637 = tpu.vector_load %arg5[%get3A_636] {strides = array<i32>} : memref<512xi32, #tpu.memory_space<vmem>>, vector<16xi32>,
    %add3A_638 = arith.constant 0 : i32
    %add3A_639 = vector.broadcast %add3A_638 : i32 to vector<16xi32>
    %add3A_640 = arith.addi %iota3A, %add3A_639 : vector<16xi32>
    %scatter3A_641 = arith.constant 1 : i32
    %scatter3A_642 = arith.constant 0 : i32
    %scatter3A_643 = arith.constant 0 : i32
    %scatter3A_644 = tpu.memref_slice %arg6[%scatter3A_641, %scatter3A_642, %scatter3A_643] : memref<4x16x1000xi32, #tpu.memory_space<vmem>> -> memref<1x16x1000xi32, #tpu.memory_space<vmem>>
    %scatter3A_645 = tpu.memref_squeeze %scatter3A_644 : memref<1x16x1000xi32, #tpu.memory_space<vmem>> -> memref<16x1000xi32, #tpu.memory_space<vmem>>
    tpu.vector_store_idx %scatter3A_645[%add3A_640, %get3A_637], %broadcast_in_dim3A_3 : memref<16x1000xi32, #tpu.memory_space<vmem>>[vector<16xi32>, vector<16xi32>], vector<16xi32>,
    %get3A_646 = arith.constant 208 : index
    %get3A_647 = tpu.vector_load %arg5[%get3A_646] {strides = array<i32>} : memref<512xi32, #tpu.memory_space<vmem>>, vector<16xi32>,
    %add3A_648 = arith.constant 0 : i32
    %add3A_649 = vector.broadcast %add3A_648 : i32 to vector<16xi32>
    %add3A_650 = arith.addi %iota3A, %add3A_649 : vector<16xi32>
    %scatter3A_651 = arith.constant 1 : i32
    %scatter3A_652 = arith.constant 0 : i32
    %scatter3A_653 = arith.constant 0 : i32
    %scatter3A_654 = tpu.memref_slice %arg6[%scatter3A_651, %scatter3A_652, %scatter3A_653] : memref<4x16x1000xi32, #tpu.memory_space<vmem>> -> memref<1x16x1000xi32, #tpu.memory_space<vmem>>
    %scatter3A_655 = tpu.memref_squeeze %scatter3A_654 : memref<1x16x1000xi32, #tpu.memory_space<vmem>> -> memref<16x1000xi32, #tpu.memory_space<vmem>>
    tpu.vector_store_idx %scatter3A_655[%add3A_650, %get3A_647], %broadcast_in_dim3A_5 : memref<16x1000xi32, #tpu.memory_space<vmem>>[vector<16xi32>, vector<16xi32>], vector<16xi32>,
    %add3A_656 = arith.constant 208 : i32
    %add3A_657 = arith.addi %mul3A_2, %add3A_656 : i32
    %dma_start3A_658 = arith.constant 1 : i32
    %dma_start3A_659 = arith.constant 1 : i32
    %dma_start3A_660 = arith.constant 0 : i32
    %dma_start3A_661 = arith.constant 0 : i32
    %dma_start3A_662 = tpu.memref_slice %arg6[%dma_start3A_658, %dma_start3A_660, %dma_start3A_661] : memref<4x16x1000xi32, #tpu.memory_space<vmem>> -> memref<1x16x1000xi32, #tpu.memory_space<vmem>>
    %dma_start3A_663 = tpu.memref_squeeze %dma_start3A_662 : memref<1x16x1000xi32, #tpu.memory_space<vmem>> -> memref<16x1000xi32, #tpu.memory_space<vmem>>
    %dma_start3A_664 = arith.constant 0 : i32
    %dma_start3A_665 = tpu.memref_slice %arg4[%add3A_657, %dma_start3A_664] : memref<16384x1000xi32, #tpu.memory_space<hbm>> -> memref<16x1000xi32, #tpu.memory_space<hbm>>
    %dma_start3A_666 = tpu.memref_slice %arg8[%dma_start3A_659] : memref<4x!tpu.dma_semaphore, #tpu.memory_space<semaphore_mem>> -> memref<1x!tpu.dma_semaphore, #tpu.memory_space<semaphore_mem>>
    %dma_start3A_667 = tpu.memref_squeeze %dma_start3A_666 : memref<1x!tpu.dma_semaphore, #tpu.memory_space<semaphore_mem>> -> memref<!tpu.dma_semaphore, #tpu.memory_space<semaphore_mem>>
    %dma_start3A_668 = arith.constant 0 : i32
    %dma_start3A_669 = tpu.memref_slice %arg4[%add3A_657, %dma_start3A_668] : memref<16384x1000xi32, #tpu.memory_space<hbm>> -> memref<16x1000xi32, #tpu.memory_space<hbm>>
    %dma_start3A_670 = arith.constant 0 : i32
    %dma_start3A_671 = arith.constant 0 : i32
    %dma_start3A_672 = tpu.memref_slice %arg6[%dma_start3A_658, %dma_start3A_670, %dma_start3A_671] : memref<4x16x1000xi32, #tpu.memory_space<vmem>> -> memref<1x16x1000xi32, #tpu.memory_space<vmem>>
    %dma_start3A_673 = tpu.memref_squeeze %dma_start3A_672 : memref<1x16x1000xi32, #tpu.memory_space<vmem>> -> memref<16x1000xi32, #tpu.memory_space<vmem>>
    tpu.enqueue_dma source(%dma_start3A_673 : memref<16x1000xi32, #tpu.memory_space<vmem>>) target(%dma_start3A_669 : memref<16x1000xi32, #tpu.memory_space<hbm>>) target_semaphore(%dma_start3A_667 : memref<!tpu.dma_semaphore, #tpu.memory_space<semaphore_mem>>)
    %add3A_674 = arith.constant 160 : i32
    %add3A_675 = arith.addi %mul3A_2, %add3A_674 : i32
    %dma_wait3A_676 = arith.constant 2 : i32
    %dma_wait3A_677 = arith.constant 2 : i32
    %dma_wait3A_678 = arith.constant 0 : i32
    %dma_wait3A_679 = arith.constant 0 : i32
    %dma_wait3A_680 = tpu.memref_slice %arg6[%dma_wait3A_676, %dma_wait3A_678, %dma_wait3A_679] : memref<4x16x1000xi32, #tpu.memory_space<vmem>> -> memref<1x16x1000xi32, #tpu.memory_space<vmem>>
    %dma_wait3A_681 = tpu.memref_squeeze %dma_wait3A_680 : memref<1x16x1000xi32, #tpu.memory_space<vmem>> -> memref<16x1000xi32, #tpu.memory_space<vmem>>
    %dma_wait3A_682 = arith.constant 0 : i32
    %dma_wait3A_683 = tpu.memref_slice %arg4[%add3A_675, %dma_wait3A_682] : memref<16384x1000xi32, #tpu.memory_space<hbm>> -> memref<16x1000xi32, #tpu.memory_space<hbm>>
    %dma_wait3A_684 = tpu.memref_slice %arg8[%dma_wait3A_677] : memref<4x!tpu.dma_semaphore, #tpu.memory_space<semaphore_mem>> -> memref<1x!tpu.dma_semaphore, #tpu.memory_space<semaphore_mem>>
    %dma_wait3A_685 = tpu.memref_squeeze %dma_wait3A_684 : memref<1x!tpu.dma_semaphore, #tpu.memory_space<semaphore_mem>> -> memref<!tpu.dma_semaphore, #tpu.memory_space<semaphore_mem>>
    %dma_wait3A_686 = arith.constant 0 : i32
    %dma_wait3A_687 = tpu.memref_slice %arg4[%add3A_675, %dma_wait3A_686] : memref<16384x1000xi32, #tpu.memory_space<hbm>> -> memref<16x1000xi32, #tpu.memory_space<hbm>>
    %dma_wait3A_688 = arith.constant 0 : i32
    %dma_wait3A_689 = arith.constant 0 : i32
    %dma_wait3A_690 = tpu.memref_slice %arg6[%dma_wait3A_676, %dma_wait3A_688, %dma_wait3A_689] : memref<4x16x1000xi32, #tpu.memory_space<vmem>> -> memref<1x16x1000xi32, #tpu.memory_space<vmem>>
    %dma_wait3A_691 = tpu.memref_squeeze %dma_wait3A_690 : memref<1x16x1000xi32, #tpu.memory_space<vmem>> -> memref<16x1000xi32, #tpu.memory_space<vmem>>
    tpu.wait_dma2 semaphore(%dma_wait3A_685 : memref<!tpu.dma_semaphore, #tpu.memory_space<semaphore_mem>>) src(%dma_wait3A_691 : memref<16x1000xi32, #tpu.memory_space<vmem>>) dst(%dma_wait3A_687 : memref<16x1000xi32, #tpu.memory_space<hbm>>)
    %get3A_692 = arith.constant 160 : index
    %get3A_693 = tpu.vector_load %arg5[%get3A_692] {strides = array<i32>} : memref<512xi32, #tpu.memory_space<vmem>>, vector<16xi32>,
    %add3A_694 = arith.constant 0 : i32
    %add3A_695 = vector.broadcast %add3A_694 : i32 to vector<16xi32>
    %add3A_696 = arith.addi %iota3A, %add3A_695 : vector<16xi32>
    %scatter3A_697 = arith.constant 2 : i32
    %scatter3A_698 = arith.constant 0 : i32
    %scatter3A_699 = arith.constant 0 : i32
    %scatter3A_700 = tpu.memref_slice %arg6[%scatter3A_697, %scatter3A_698, %scatter3A_699] : memref<4x16x1000xi32, #tpu.memory_space<vmem>> -> memref<1x16x1000xi32, #tpu.memory_space<vmem>>
    %scatter3A_701 = tpu.memref_squeeze %scatter3A_700 : memref<1x16x1000xi32, #tpu.memory_space<vmem>> -> memref<16x1000xi32, #tpu.memory_space<vmem>>
    tpu.vector_store_idx %scatter3A_701[%add3A_696, %get3A_693], %broadcast_in_dim3A_3 : memref<16x1000xi32, #tpu.memory_space<vmem>>[vector<16xi32>, vector<16xi32>], vector<16xi32>,
    %get3A_702 = arith.constant 224 : index
    %get3A_703 = tpu.vector_load %arg5[%get3A_702] {strides = array<i32>} : memref<512xi32, #tpu.memory_space<vmem>>, vector<16xi32>,
    %add3A_704 = arith.constant 0 : i32
    %add3A_705 = vector.broadcast %add3A_704 : i32 to vector<16xi32>
    %add3A_706 = arith.addi %iota3A, %add3A_705 : vector<16xi32>
    %scatter3A_707 = arith.constant 2 : i32
    %scatter3A_708 = arith.constant 0 : i32
    %scatter3A_709 = arith.constant 0 : i32
    %scatter3A_710 = tpu.memref_slice %arg6[%scatter3A_707, %scatter3A_708, %scatter3A_709] : memref<4x16x1000xi32, #tpu.memory_space<vmem>> -> memref<1x16x1000xi32, #tpu.memory_space<vmem>>
    %scatter3A_711 = tpu.memref_squeeze %scatter3A_710 : memref<1x16x1000xi32, #tpu.memory_space<vmem>> -> memref<16x1000xi32, #tpu.memory_space<vmem>>
    tpu.vector_store_idx %scatter3A_711[%add3A_706, %get3A_703], %broadcast_in_dim3A_5 : memref<16x1000xi32, #tpu.memory_space<vmem>>[vector<16xi32>, vector<16xi32>], vector<16xi32>,
    %add3A_712 = arith.constant 224 : i32
    %add3A_713 = arith.addi %mul3A_2, %add3A_712 : i32
    %dma_start3A_714 = arith.constant 2 : i32
    %dma_start3A_715 = arith.constant 2 : i32
    %dma_start3A_716 = arith.constant 0 : i32
    %dma_start3A_717 = arith.constant 0 : i32
    %dma_start3A_718 = tpu.memref_slice %arg6[%dma_start3A_714, %dma_start3A_716, %dma_start3A_717] : memref<4x16x1000xi32, #tpu.memory_space<vmem>> -> memref<1x16x1000xi32, #tpu.memory_space<vmem>>
    %dma_start3A_719 = tpu.memref_squeeze %dma_start3A_718 : memref<1x16x1000xi32, #tpu.memory_space<vmem>> -> memref<16x1000xi32, #tpu.memory_space<vmem>>
    %dma_start3A_720 = arith.constant 0 : i32
    %dma_start3A_721 = tpu.memref_slice %arg4[%add3A_713, %dma_start3A_720] : memref<16384x1000xi32, #tpu.memory_space<hbm>> -> memref<16x1000xi32, #tpu.memory_space<hbm>>
    %dma_start3A_722 = tpu.memref_slice %arg8[%dma_start3A_715] : memref<4x!tpu.dma_semaphore, #tpu.memory_space<semaphore_mem>> -> memref<1x!tpu.dma_semaphore, #tpu.memory_space<semaphore_mem>>
    %dma_start3A_723 = tpu.memref_squeeze %dma_start3A_722 : memref<1x!tpu.dma_semaphore, #tpu.memory_space<semaphore_mem>> -> memref<!tpu.dma_semaphore, #tpu.memory_space<semaphore_mem>>
    %dma_start3A_724 = arith.constant 0 : i32
    %dma_start3A_725 = tpu.memref_slice %arg4[%add3A_713, %dma_start3A_724] : memref<16384x1000xi32, #tpu.memory_space<hbm>> -> memref<16x1000xi32, #tpu.memory_space<hbm>>
    %dma_start3A_726 = arith.constant 0 : i32
    %dma_start3A_727 = arith.constant 0 : i32
    %dma_start3A_728 = tpu.memref_slice %arg6[%dma_start3A_714, %dma_start3A_726, %dma_start3A_727] : memref<4x16x1000xi32, #tpu.memory_space<vmem>> -> memref<1x16x1000xi32, #tpu.memory_space<vmem>>
    %dma_start3A_729 = tpu.memref_squeeze %dma_start3A_728 : memref<1x16x1000xi32, #tpu.memory_space<vmem>> -> memref<16x1000xi32, #tpu.memory_space<vmem>>
    tpu.enqueue_dma source(%dma_start3A_729 : memref<16x1000xi32, #tpu.memory_space<vmem>>) target(%dma_start3A_725 : memref<16x1000xi32, #tpu.memory_space<hbm>>) target_semaphore(%dma_start3A_723 : memref<!tpu.dma_semaphore, #tpu.memory_space<semaphore_mem>>)
    %add3A_730 = arith.constant 176 : i32
    %add3A_731 = arith.addi %mul3A_2, %add3A_730 : i32
    %dma_wait3A_732 = arith.constant 3 : i32
    %dma_wait3A_733 = arith.constant 3 : i32
    %dma_wait3A_734 = arith.constant 0 : i32
    %dma_wait3A_735 = arith.constant 0 : i32
    %dma_wait3A_736 = tpu.memref_slice %arg6[%dma_wait3A_732, %dma_wait3A_734, %dma_wait3A_735] : memref<4x16x1000xi32, #tpu.memory_space<vmem>> -> memref<1x16x1000xi32, #tpu.memory_space<vmem>>
    %dma_wait3A_737 = tpu.memref_squeeze %dma_wait3A_736 : memref<1x16x1000xi32, #tpu.memory_space<vmem>> -> memref<16x1000xi32, #tpu.memory_space<vmem>>
    %dma_wait3A_738 = arith.constant 0 : i32
    %dma_wait3A_739 = tpu.memref_slice %arg4[%add3A_731, %dma_wait3A_738] : memref<16384x1000xi32, #tpu.memory_space<hbm>> -> memref<16x1000xi32, #tpu.memory_space<hbm>>
    %dma_wait3A_740 = tpu.memref_slice %arg8[%dma_wait3A_733] : memref<4x!tpu.dma_semaphore, #tpu.memory_space<semaphore_mem>> -> memref<1x!tpu.dma_semaphore, #tpu.memory_space<semaphore_mem>>
    %dma_wait3A_741 = tpu.memref_squeeze %dma_wait3A_740 : memref<1x!tpu.dma_semaphore, #tpu.memory_space<semaphore_mem>> -> memref<!tpu.dma_semaphore, #tpu.memory_space<semaphore_mem>>
    %dma_wait3A_742 = arith.constant 0 : i32
    %dma_wait3A_743 = tpu.memref_slice %arg4[%add3A_731, %dma_wait3A_742] : memref<16384x1000xi32, #tpu.memory_space<hbm>> -> memref<16x1000xi32, #tpu.memory_space<hbm>>
    %dma_wait3A_744 = arith.constant 0 : i32
    %dma_wait3A_745 = arith.constant 0 : i32
    %dma_wait3A_746 = tpu.memref_slice %arg6[%dma_wait3A_732, %dma_wait3A_744, %dma_wait3A_745] : memref<4x16x1000xi32, #tpu.memory_space<vmem>> -> memref<1x16x1000xi32, #tpu.memory_space<vmem>>
    %dma_wait3A_747 = tpu.memref_squeeze %dma_wait3A_746 : memref<1x16x1000xi32, #tpu.memory_space<vmem>> -> memref<16x1000xi32, #tpu.memory_space<vmem>>
    tpu.wait_dma2 semaphore(%dma_wait3A_741 : memref<!tpu.dma_semaphore, #tpu.memory_space<semaphore_mem>>) src(%dma_wait3A_747 : memref<16x1000xi32, #tpu.memory_space<vmem>>) dst(%dma_wait3A_743 : memref<16x1000xi32, #tpu.memory_space<hbm>>)
    %get3A_748 = arith.constant 176 : index
    %get3A_749 = tpu.vector_load %arg5[%get3A_748] {strides = array<i32>} : memref<512xi32, #tpu.memory_space<vmem>>, vector<16xi32>,
    %add3A_750 = arith.constant 0 : i32
    %add3A_751 = vector.broadcast %add3A_750 : i32 to vector<16xi32>
    %add3A_752 = arith.addi %iota3A, %add3A_751 : vector<16xi32>
    %scatter3A_753 = arith.constant 3 : i32
    %scatter3A_754 = arith.constant 0 : i32
    %scatter3A_755 = arith.constant 0 : i32
    %scatter3A_756 = tpu.memref_slice %arg6[%scatter3A_753, %scatter3A_754, %scatter3A_755] : memref<4x16x1000xi32, #tpu.memory_space<vmem>> -> memref<1x16x1000xi32, #tpu.memory_space<vmem>>
    %scatter3A_757 = tpu.memref_squeeze %scatter3A_756 : memref<1x16x1000xi32, #tpu.memory_space<vmem>> -> memref<16x1000xi32, #tpu.memory_space<vmem>>
    tpu.vector_store_idx %scatter3A_757[%add3A_752, %get3A_749], %broadcast_in_dim3A_3 : memref<16x1000xi32, #tpu.memory_space<vmem>>[vector<16xi32>, vector<16xi32>], vector<16xi32>,
    %get3A_758 = arith.constant 240 : index
    %get3A_759 = tpu.vector_load %arg5[%get3A_758] {strides = array<i32>} : memref<512xi32, #tpu.memory_space<vmem>>, vector<16xi32>,
    %add3A_760 = arith.constant 0 : i32
    %add3A_761 = vector.broadcast %add3A_760 : i32 to vector<16xi32>
    %add3A_762 = arith.addi %iota3A, %add3A_761 : vector<16xi32>
    %scatter3A_763 = arith.constant 3 : i32
    %scatter3A_764 = arith.constant 0 : i32
    %scatter3A_765 = arith.constant 0 : i32
    %scatter3A_766 = tpu.memref_slice %arg6[%scatter3A_763, %scatter3A_764, %scatter3A_765] : memref<4x16x1000xi32, #tpu.memory_space<vmem>> -> memref<1x16x1000xi32, #tpu.memory_space<vmem>>
    %scatter3A_767 = tpu.memref_squeeze %scatter3A_766 : memref<1x16x1000xi32, #tpu.memory_space<vmem>> -> memref<16x1000xi32, #tpu.memory_space<vmem>>
    tpu.vector_store_idx %scatter3A_767[%add3A_762, %get3A_759], %broadcast_in_dim3A_5 : memref<16x1000xi32, #tpu.memory_space<vmem>>[vector<16xi32>, vector<16xi32>], vector<16xi32>,
    %add3A_768 = arith.constant 240 : i32
    %add3A_769 = arith.addi %mul3A_2, %add3A_768 : i32
    %dma_start3A_770 = arith.constant 3 : i32
    %dma_start3A_771 = arith.constant 3 : i32
    %dma_start3A_772 = arith.constant 0 : i32
    %dma_start3A_773 = arith.constant 0 : i32
    %dma_start3A_774 = tpu.memref_slice %arg6[%dma_start3A_770, %dma_start3A_772, %dma_start3A_773] : memref<4x16x1000xi32, #tpu.memory_space<vmem>> -> memref<1x16x1000xi32, #tpu.memory_space<vmem>>
    %dma_start3A_775 = tpu.memref_squeeze %dma_start3A_774 : memref<1x16x1000xi32, #tpu.memory_space<vmem>> -> memref<16x1000xi32, #tpu.memory_space<vmem>>
    %dma_start3A_776 = arith.constant 0 : i32
    %dma_start3A_777 = tpu.memref_slice %arg4[%add3A_769, %dma_start3A_776] : memref<16384x1000xi32, #tpu.memory_space<hbm>> -> memref<16x1000xi32, #tpu.memory_space<hbm>>
    %dma_start3A_778 = tpu.memref_slice %arg8[%dma_start3A_771] : memref<4x!tpu.dma_semaphore, #tpu.memory_space<semaphore_mem>> -> memref<1x!tpu.dma_semaphore, #tpu.memory_space<semaphore_mem>>
    %dma_start3A_779 = tpu.memref_squeeze %dma_start3A_778 : memref<1x!tpu.dma_semaphore, #tpu.memory_space<semaphore_mem>> -> memref<!tpu.dma_semaphore, #tpu.memory_space<semaphore_mem>>
    %dma_start3A_780 = arith.constant 0 : i32
    %dma_start3A_781 = tpu.memref_slice %arg4[%add3A_769, %dma_start3A_780] : memref<16384x1000xi32, #tpu.memory_space<hbm>> -> memref<16x1000xi32, #tpu.memory_space<hbm>>
    %dma_start3A_782 = arith.constant 0 : i32
    %dma_start3A_783 = arith.constant 0 : i32
    %dma_start3A_784 = tpu.memref_slice %arg6[%dma_start3A_770, %dma_start3A_782, %dma_start3A_783] : memref<4x16x1000xi32, #tpu.memory_space<vmem>> -> memref<1x16x1000xi32, #tpu.memory_space<vmem>>
    %dma_start3A_785 = tpu.memref_squeeze %dma_start3A_784 : memref<1x16x1000xi32, #tpu.memory_space<vmem>> -> memref<16x1000xi32, #tpu.memory_space<vmem>>
    tpu.enqueue_dma source(%dma_start3A_785 : memref<16x1000xi32, #tpu.memory_space<vmem>>) target(%dma_start3A_781 : memref<16x1000xi32, #tpu.memory_space<hbm>>) target_semaphore(%dma_start3A_779 : memref<!tpu.dma_semaphore, #tpu.memory_space<semaphore_mem>>)
    %add3A_786 = arith.constant 192 : i32
    %add3A_787 = arith.addi %mul3A_2, %add3A_786 : i32
    %dma_wait3A_788 = arith.constant 0 : i32
    %dma_wait3A_789 = arith.constant 0 : i32
    %dma_wait3A_790 = arith.constant 0 : i32
    %dma_wait3A_791 = arith.constant 0 : i32
    %dma_wait3A_792 = tpu.memref_slice %arg6[%dma_wait3A_788, %dma_wait3A_790, %dma_wait3A_791] : memref<4x16x1000xi32, #tpu.memory_space<vmem>> -> memref<1x16x1000xi32, #tpu.memory_space<vmem>>
    %dma_wait3A_793 = tpu.memref_squeeze %dma_wait3A_792 : memref<1x16x1000xi32, #tpu.memory_space<vmem>> -> memref<16x1000xi32, #tpu.memory_space<vmem>>
    %dma_wait3A_794 = arith.constant 0 : i32
    %dma_wait3A_795 = tpu.memref_slice %arg4[%add3A_787, %dma_wait3A_794] : memref<16384x1000xi32, #tpu.memory_space<hbm>> -> memref<16x1000xi32, #tpu.memory_space<hbm>>
    %dma_wait3A_796 = tpu.memref_slice %arg8[%dma_wait3A_789] : memref<4x!tpu.dma_semaphore, #tpu.memory_space<semaphore_mem>> -> memref<1x!tpu.dma_semaphore, #tpu.memory_space<semaphore_mem>>
    %dma_wait3A_797 = tpu.memref_squeeze %dma_wait3A_796 : memref<1x!tpu.dma_semaphore, #tpu.memory_space<semaphore_mem>> -> memref<!tpu.dma_semaphore, #tpu.memory_space<semaphore_mem>>
    %dma_wait3A_798 = arith.constant 0 : i32
    %dma_wait3A_799 = tpu.memref_slice %arg4[%add3A_787, %dma_wait3A_798] : memref<16384x1000xi32, #tpu.memory_space<hbm>> -> memref<16x1000xi32, #tpu.memory_space<hbm>>
    %dma_wait3A_800 = arith.constant 0 : i32
    %dma_wait3A_801 = arith.constant 0 : i32
    %dma_wait3A_802 = tpu.memref_slice %arg6[%dma_wait3A_788, %dma_wait3A_800, %dma_wait3A_801] : memref<4x16x1000xi32, #tpu.memory_space<vmem>> -> memref<1x16x1000xi32, #tpu.memory_space<vmem>>
    %dma_wait3A_803 = tpu.memref_squeeze %dma_wait3A_802 : memref<1x16x1000xi32, #tpu.memory_space<vmem>> -> memref<16x1000xi32, #tpu.memory_space<vmem>>
    tpu.wait_dma2 semaphore(%dma_wait3A_797 : memref<!tpu.dma_semaphore, #tpu.memory_space<semaphore_mem>>) src(%dma_wait3A_803 : memref<16x1000xi32, #tpu.memory_space<vmem>>) dst(%dma_wait3A_799 : memref<16x1000xi32, #tpu.memory_space<hbm>>)
    %get3A_804 = arith.constant 192 : index
    %get3A_805 = tpu.vector_load %arg5[%get3A_804] {strides = array<i32>} : memref<512xi32, #tpu.memory_space<vmem>>, vector<16xi32>,
    %add3A_806 = arith.constant 0 : i32
    %add3A_807 = vector.broadcast %add3A_806 : i32 to vector<16xi32>
    %add3A_808 = arith.addi %iota3A, %add3A_807 : vector<16xi32>
    %scatter3A_809 = arith.constant 0 : i32
    %scatter3A_810 = arith.constant 0 : i32
    %scatter3A_811 = arith.constant 0 : i32
    %scatter3A_812 = tpu.memref_slice %arg6[%scatter3A_809, %scatter3A_810, %scatter3A_811] : memref<4x16x1000xi32, #tpu.memory_space<vmem>> -> memref<1x16x1000xi32, #tpu.memory_space<vmem>>
    %scatter3A_813 = tpu.memref_squeeze %scatter3A_812 : memref<1x16x1000xi32, #tpu.memory_space<vmem>> -> memref<16x1000xi32, #tpu.memory_space<vmem>>
    tpu.vector_store_idx %scatter3A_813[%add3A_808, %get3A_805], %broadcast_in_dim3A_3 : memref<16x1000xi32, #tpu.memory_space<vmem>>[vector<16xi32>, vector<16xi32>], vector<16xi32>,
    %get3A_814 = arith.constant 256 : index
    %get3A_815 = tpu.vector_load %arg5[%get3A_814] {strides = array<i32>} : memref<512xi32, #tpu.memory_space<vmem>>, vector<16xi32>,
    %add3A_816 = arith.constant 0 : i32
    %add3A_817 = vector.broadcast %add3A_816 : i32 to vector<16xi32>
    %add3A_818 = arith.addi %iota3A, %add3A_817 : vector<16xi32>
    %scatter3A_819 = arith.constant 0 : i32
    %scatter3A_820 = arith.constant 0 : i32
    %scatter3A_821 = arith.constant 0 : i32
    %scatter3A_822 = tpu.memref_slice %arg6[%scatter3A_819, %scatter3A_820, %scatter3A_821] : memref<4x16x1000xi32, #tpu.memory_space<vmem>> -> memref<1x16x1000xi32, #tpu.memory_space<vmem>>
    %scatter3A_823 = tpu.memref_squeeze %scatter3A_822 : memref<1x16x1000xi32, #tpu.memory_space<vmem>> -> memref<16x1000xi32, #tpu.memory_space<vmem>>
    tpu.vector_store_idx %scatter3A_823[%add3A_818, %get3A_815], %broadcast_in_dim3A_5 : memref<16x1000xi32, #tpu.memory_space<vmem>>[vector<16xi32>, vector<16xi32>], vector<16xi32>,
    %add3A_824 = arith.constant 256 : i32
    %add3A_825 = arith.addi %mul3A_2, %add3A_824 : i32
    %dma_start3A_826 = arith.constant 0 : i32
    %dma_start3A_827 = arith.constant 0 : i32
    %dma_start3A_828 = arith.constant 0 : i32
    %dma_start3A_829 = arith.constant 0 : i32
    %dma_start3A_830 = tpu.memref_slice %arg6[%dma_start3A_826, %dma_start3A_828, %dma_start3A_829] : memref<4x16x1000xi32, #tpu.memory_space<vmem>> -> memref<1x16x1000xi32, #tpu.memory_space<vmem>>
    %dma_start3A_831 = tpu.memref_squeeze %dma_start3A_830 : memref<1x16x1000xi32, #tpu.memory_space<vmem>> -> memref<16x1000xi32, #tpu.memory_space<vmem>>
    %dma_start3A_832 = arith.constant 0 : i32
    %dma_start3A_833 = tpu.memref_slice %arg4[%add3A_825, %dma_start3A_832] : memref<16384x1000xi32, #tpu.memory_space<hbm>> -> memref<16x1000xi32, #tpu.memory_space<hbm>>
    %dma_start3A_834 = tpu.memref_slice %arg8[%dma_start3A_827] : memref<4x!tpu.dma_semaphore, #tpu.memory_space<semaphore_mem>> -> memref<1x!tpu.dma_semaphore, #tpu.memory_space<semaphore_mem>>
    %dma_start3A_835 = tpu.memref_squeeze %dma_start3A_834 : memref<1x!tpu.dma_semaphore, #tpu.memory_space<semaphore_mem>> -> memref<!tpu.dma_semaphore, #tpu.memory_space<semaphore_mem>>
    %dma_start3A_836 = arith.constant 0 : i32
    %dma_start3A_837 = tpu.memref_slice %arg4[%add3A_825, %dma_start3A_836] : memref<16384x1000xi32, #tpu.memory_space<hbm>> -> memref<16x1000xi32, #tpu.memory_space<hbm>>
    %dma_start3A_838 = arith.constant 0 : i32
    %dma_start3A_839 = arith.constant 0 : i32
    %dma_start3A_840 = tpu.memref_slice %arg6[%dma_start3A_826, %dma_start3A_838, %dma_start3A_839] : memref<4x16x1000xi32, #tpu.memory_space<vmem>> -> memref<1x16x1000xi32, #tpu.memory_space<vmem>>
    %dma_start3A_841 = tpu.memref_squeeze %dma_start3A_840 : memref<1x16x1000xi32, #tpu.memory_space<vmem>> -> memref<16x1000xi32, #tpu.memory_space<vmem>>
    tpu.enqueue_dma source(%dma_start3A_841 : memref<16x1000xi32, #tpu.memory_space<vmem>>) target(%dma_start3A_837 : memref<16x1000xi32, #tpu.memory_space<hbm>>) target_semaphore(%dma_start3A_835 : memref<!tpu.dma_semaphore, #tpu.memory_space<semaphore_mem>>)
    %add3A_842 = arith.constant 208 : i32
    %add3A_843 = arith.addi %mul3A_2, %add3A_842 : i32
    %dma_wait3A_844 = arith.constant 1 : i32
    %dma_wait3A_845 = arith.constant 1 : i32
    %dma_wait3A_846 = arith.constant 0 : i32
    %dma_wait3A_847 = arith.constant 0 : i32
    %dma_wait3A_848 = tpu.memref_slice %arg6[%dma_wait3A_844, %dma_wait3A_846, %dma_wait3A_847] : memref<4x16x1000xi32, #tpu.memory_space<vmem>> -> memref<1x16x1000xi32, #tpu.memory_space<vmem>>
    %dma_wait3A_849 = tpu.memref_squeeze %dma_wait3A_848 : memref<1x16x1000xi32, #tpu.memory_space<vmem>> -> memref<16x1000xi32, #tpu.memory_space<vmem>>
    %dma_wait3A_850 = arith.constant 0 : i32
    %dma_wait3A_851 = tpu.memref_slice %arg4[%add3A_843, %dma_wait3A_850] : memref<16384x1000xi32, #tpu.memory_space<hbm>> -> memref<16x1000xi32, #tpu.memory_space<hbm>>
    %dma_wait3A_852 = tpu.memref_slice %arg8[%dma_wait3A_845] : memref<4x!tpu.dma_semaphore, #tpu.memory_space<semaphore_mem>> -> memref<1x!tpu.dma_semaphore, #tpu.memory_space<semaphore_mem>>
    %dma_wait3A_853 = tpu.memref_squeeze %dma_wait3A_852 : memref<1x!tpu.dma_semaphore, #tpu.memory_space<semaphore_mem>> -> memref<!tpu.dma_semaphore, #tpu.memory_space<semaphore_mem>>
    %dma_wait3A_854 = arith.constant 0 : i32
    %dma_wait3A_855 = tpu.memref_slice %arg4[%add3A_843, %dma_wait3A_854] : memref<16384x1000xi32, #tpu.memory_space<hbm>> -> memref<16x1000xi32, #tpu.memory_space<hbm>>
    %dma_wait3A_856 = arith.constant 0 : i32
    %dma_wait3A_857 = arith.constant 0 : i32
    %dma_wait3A_858 = tpu.memref_slice %arg6[%dma_wait3A_844, %dma_wait3A_856, %dma_wait3A_857] : memref<4x16x1000xi32, #tpu.memory_space<vmem>> -> memref<1x16x1000xi32, #tpu.memory_space<vmem>>
    %dma_wait3A_859 = tpu.memref_squeeze %dma_wait3A_858 : memref<1x16x1000xi32, #tpu.memory_space<vmem>> -> memref<16x1000xi32, #tpu.memory_space<vmem>>
    tpu.wait_dma2 semaphore(%dma_wait3A_853 : memref<!tpu.dma_semaphore, #tpu.memory_space<semaphore_mem>>) src(%dma_wait3A_859 : memref<16x1000xi32, #tpu.memory_space<vmem>>) dst(%dma_wait3A_855 : memref<16x1000xi32, #tpu.memory_space<hbm>>)
    %get3A_860 = arith.constant 208 : index
    %get3A_861 = tpu.vector_load %arg5[%get3A_860] {strides = array<i32>} : memref<512xi32, #tpu.memory_space<vmem>>, vector<16xi32>,
    %add3A_862 = arith.constant 0 : i32
    %add3A_863 = vector.broadcast %add3A_862 : i32 to vector<16xi32>
    %add3A_864 = arith.addi %iota3A, %add3A_863 : vector<16xi32>
    %scatter3A_865 = arith.constant 1 : i32
    %scatter3A_866 = arith.constant 0 : i32
    %scatter3A_867 = arith.constant 0 : i32
    %scatter3A_868 = tpu.memref_slice %arg6[%scatter3A_865, %scatter3A_866, %scatter3A_867] : memref<4x16x1000xi32, #tpu.memory_space<vmem>> -> memref<1x16x1000xi32, #tpu.memory_space<vmem>>
    %scatter3A_869 = tpu.memref_squeeze %scatter3A_868 : memref<1x16x1000xi32, #tpu.memory_space<vmem>> -> memref<16x1000xi32, #tpu.memory_space<vmem>>
    tpu.vector_store_idx %scatter3A_869[%add3A_864, %get3A_861], %broadcast_in_dim3A_3 : memref<16x1000xi32, #tpu.memory_space<vmem>>[vector<16xi32>, vector<16xi32>], vector<16xi32>,
    %get3A_870 = arith.constant 272 : index
    %get3A_871 = tpu.vector_load %arg5[%get3A_870] {strides = array<i32>} : memref<512xi32, #tpu.memory_space<vmem>>, vector<16xi32>,
    %add3A_872 = arith.constant 0 : i32
    %add3A_873 = vector.broadcast %add3A_872 : i32 to vector<16xi32>
    %add3A_874 = arith.addi %iota3A, %add3A_873 : vector<16xi32>
    %scatter3A_875 = arith.constant 1 : i32
    %scatter3A_876 = arith.constant 0 : i32
    %scatter3A_877 = arith.constant 0 : i32
    %scatter3A_878 = tpu.memref_slice %arg6[%scatter3A_875, %scatter3A_876, %scatter3A_877] : memref<4x16x1000xi32, #tpu.memory_space<vmem>> -> memref<1x16x1000xi32, #tpu.memory_space<vmem>>
    %scatter3A_879 = tpu.memref_squeeze %scatter3A_878 : memref<1x16x1000xi32, #tpu.memory_space<vmem>> -> memref<16x1000xi32, #tpu.memory_space<vmem>>
    tpu.vector_store_idx %scatter3A_879[%add3A_874, %get3A_871], %broadcast_in_dim3A_5 : memref<16x1000xi32, #tpu.memory_space<vmem>>[vector<16xi32>, vector<16xi32>], vector<16xi32>,
    %add3A_880 = arith.constant 272 : i32
    %add3A_881 = arith.addi %mul3A_2, %add3A_880 : i32
    %dma_start3A_882 = arith.constant 1 : i32
    %dma_start3A_883 = arith.constant 1 : i32
    %dma_start3A_884 = arith.constant 0 : i32
    %dma_start3A_885 = arith.constant 0 : i32
    %dma_start3A_886 = tpu.memref_slice %arg6[%dma_start3A_882, %dma_start3A_884, %dma_start3A_885] : memref<4x16x1000xi32, #tpu.memory_space<vmem>> -> memref<1x16x1000xi32, #tpu.memory_space<vmem>>
    %dma_start3A_887 = tpu.memref_squeeze %dma_start3A_886 : memref<1x16x1000xi32, #tpu.memory_space<vmem>> -> memref<16x1000xi32, #tpu.memory_space<vmem>>
    %dma_start3A_888 = arith.constant 0 : i32
    %dma_start3A_889 = tpu.memref_slice %arg4[%add3A_881, %dma_start3A_888] : memref<16384x1000xi32, #tpu.memory_space<hbm>> -> memref<16x1000xi32, #tpu.memory_space<hbm>>
    %dma_start3A_890 = tpu.memref_slice %arg8[%dma_start3A_883] : memref<4x!tpu.dma_semaphore, #tpu.memory_space<semaphore_mem>> -> memref<1x!tpu.dma_semaphore, #tpu.memory_space<semaphore_mem>>
    %dma_start3A_891 = tpu.memref_squeeze %dma_start3A_890 : memref<1x!tpu.dma_semaphore, #tpu.memory_space<semaphore_mem>> -> memref<!tpu.dma_semaphore, #tpu.memory_space<semaphore_mem>>
    %dma_start3A_892 = arith.constant 0 : i32
    %dma_start3A_893 = tpu.memref_slice %arg4[%add3A_881, %dma_start3A_892] : memref<16384x1000xi32, #tpu.memory_space<hbm>> -> memref<16x1000xi32, #tpu.memory_space<hbm>>
    %dma_start3A_894 = arith.constant 0 : i32
    %dma_start3A_895 = arith.constant 0 : i32
    %dma_start3A_896 = tpu.memref_slice %arg6[%dma_start3A_882, %dma_start3A_894, %dma_start3A_895] : memref<4x16x1000xi32, #tpu.memory_space<vmem>> -> memref<1x16x1000xi32, #tpu.memory_space<vmem>>
    %dma_start3A_897 = tpu.memref_squeeze %dma_start3A_896 : memref<1x16x1000xi32, #tpu.memory_space<vmem>> -> memref<16x1000xi32, #tpu.memory_space<vmem>>
    tpu.enqueue_dma source(%dma_start3A_897 : memref<16x1000xi32, #tpu.memory_space<vmem>>) target(%dma_start3A_893 : memref<16x1000xi32, #tpu.memory_space<hbm>>) target_semaphore(%dma_start3A_891 : memref<!tpu.dma_semaphore, #tpu.memory_space<semaphore_mem>>)
    %add3A_898 = arith.constant 224 : i32
    %add3A_899 = arith.addi %mul3A_2, %add3A_898 : i32
    %dma_wait3A_900 = arith.constant 2 : i32
    %dma_wait3A_901 = arith.constant 2 : i32
    %dma_wait3A_902 = arith.constant 0 : i32
    %dma_wait3A_903 = arith.constant 0 : i32
    %dma_wait3A_904 = tpu.memref_slice %arg6[%dma_wait3A_900, %dma_wait3A_902, %dma_wait3A_903] : memref<4x16x1000xi32, #tpu.memory_space<vmem>> -> memref<1x16x1000xi32, #tpu.memory_space<vmem>>
    %dma_wait3A_905 = tpu.memref_squeeze %dma_wait3A_904 : memref<1x16x1000xi32, #tpu.memory_space<vmem>> -> memref<16x1000xi32, #tpu.memory_space<vmem>>
    %dma_wait3A_906 = arith.constant 0 : i32
    %dma_wait3A_907 = tpu.memref_slice %arg4[%add3A_899, %dma_wait3A_906] : memref<16384x1000xi32, #tpu.memory_space<hbm>> -> memref<16x1000xi32, #tpu.memory_space<hbm>>
    %dma_wait3A_908 = tpu.memref_slice %arg8[%dma_wait3A_901] : memref<4x!tpu.dma_semaphore, #tpu.memory_space<semaphore_mem>> -> memref<1x!tpu.dma_semaphore, #tpu.memory_space<semaphore_mem>>
    %dma_wait3A_909 = tpu.memref_squeeze %dma_wait3A_908 : memref<1x!tpu.dma_semaphore, #tpu.memory_space<semaphore_mem>> -> memref<!tpu.dma_semaphore, #tpu.memory_space<semaphore_mem>>
    %dma_wait3A_910 = arith.constant 0 : i32
    %dma_wait3A_911 = tpu.memref_slice %arg4[%add3A_899, %dma_wait3A_910] : memref<16384x1000xi32, #tpu.memory_space<hbm>> -> memref<16x1000xi32, #tpu.memory_space<hbm>>
    %dma_wait3A_912 = arith.constant 0 : i32
    %dma_wait3A_913 = arith.constant 0 : i32
    %dma_wait3A_914 = tpu.memref_slice %arg6[%dma_wait3A_900, %dma_wait3A_912, %dma_wait3A_913] : memref<4x16x1000xi32, #tpu.memory_space<vmem>> -> memref<1x16x1000xi32, #tpu.memory_space<vmem>>
    %dma_wait3A_915 = tpu.memref_squeeze %dma_wait3A_914 : memref<1x16x1000xi32, #tpu.memory_space<vmem>> -> memref<16x1000xi32, #tpu.memory_space<vmem>>
    tpu.wait_dma2 semaphore(%dma_wait3A_909 : memref<!tpu.dma_semaphore, #tpu.memory_space<semaphore_mem>>) src(%dma_wait3A_915 : memref<16x1000xi32, #tpu.memory_space<vmem>>) dst(%dma_wait3A_911 : memref<16x1000xi32, #tpu.memory_space<hbm>>)
    %get3A_916 = arith.constant 224 : index
    %get3A_917 = tpu.vector_load %arg5[%get3A_916] {strides = array<i32>} : memref<512xi32, #tpu.memory_space<vmem>>, vector<16xi32>,
    %add3A_918 = arith.constant 0 : i32
    %add3A_919 = vector.broadcast %add3A_918 : i32 to vector<16xi32>
    %add3A_920 = arith.addi %iota3A, %add3A_919 : vector<16xi32>
    %scatter3A_921 = arith.constant 2 : i32
    %scatter3A_922 = arith.constant 0 : i32
    %scatter3A_923 = arith.constant 0 : i32
    %scatter3A_924 = tpu.memref_slice %arg6[%scatter3A_921, %scatter3A_922, %scatter3A_923] : memref<4x16x1000xi32, #tpu.memory_space<vmem>> -> memref<1x16x1000xi32, #tpu.memory_space<vmem>>
    %scatter3A_925 = tpu.memref_squeeze %scatter3A_924 : memref<1x16x1000xi32, #tpu.memory_space<vmem>> -> memref<16x1000xi32, #tpu.memory_space<vmem>>
    tpu.vector_store_idx %scatter3A_925[%add3A_920, %get3A_917], %broadcast_in_dim3A_3 : memref<16x1000xi32, #tpu.memory_space<vmem>>[vector<16xi32>, vector<16xi32>], vector<16xi32>,
    %get3A_926 = arith.constant 288 : index
    %get3A_927 = tpu.vector_load %arg5[%get3A_926] {strides = array<i32>} : memref<512xi32, #tpu.memory_space<vmem>>, vector<16xi32>,
    %add3A_928 = arith.constant 0 : i32
    %add3A_929 = vector.broadcast %add3A_928 : i32 to vector<16xi32>
    %add3A_930 = arith.addi %iota3A, %add3A_929 : vector<16xi32>
    %scatter3A_931 = arith.constant 2 : i32
    %scatter3A_932 = arith.constant 0 : i32
    %scatter3A_933 = arith.constant 0 : i32
    %scatter3A_934 = tpu.memref_slice %arg6[%scatter3A_931, %scatter3A_932, %scatter3A_933] : memref<4x16x1000xi32, #tpu.memory_space<vmem>> -> memref<1x16x1000xi32, #tpu.memory_space<vmem>>
    %scatter3A_935 = tpu.memref_squeeze %scatter3A_934 : memref<1x16x1000xi32, #tpu.memory_space<vmem>> -> memref<16x1000xi32, #tpu.memory_space<vmem>>
    tpu.vector_store_idx %scatter3A_935[%add3A_930, %get3A_927], %broadcast_in_dim3A_5 : memref<16x1000xi32, #tpu.memory_space<vmem>>[vector<16xi32>, vector<16xi32>], vector<16xi32>,
    %add3A_936 = arith.constant 288 : i32
    %add3A_937 = arith.addi %mul3A_2, %add3A_936 : i32
    %dma_start3A_938 = arith.constant 2 : i32
    %dma_start3A_939 = arith.constant 2 : i32
    %dma_start3A_940 = arith.constant 0 : i32
    %dma_start3A_941 = arith.constant 0 : i32
    %dma_start3A_942 = tpu.memref_slice %arg6[%dma_start3A_938, %dma_start3A_940, %dma_start3A_941] : memref<4x16x1000xi32, #tpu.memory_space<vmem>> -> memref<1x16x1000xi32, #tpu.memory_space<vmem>>
    %dma_start3A_943 = tpu.memref_squeeze %dma_start3A_942 : memref<1x16x1000xi32, #tpu.memory_space<vmem>> -> memref<16x1000xi32, #tpu.memory_space<vmem>>
    %dma_start3A_944 = arith.constant 0 : i32
    %dma_start3A_945 = tpu.memref_slice %arg4[%add3A_937, %dma_start3A_944] : memref<16384x1000xi32, #tpu.memory_space<hbm>> -> memref<16x1000xi32, #tpu.memory_space<hbm>>
    %dma_start3A_946 = tpu.memref_slice %arg8[%dma_start3A_939] : memref<4x!tpu.dma_semaphore, #tpu.memory_space<semaphore_mem>> -> memref<1x!tpu.dma_semaphore, #tpu.memory_space<semaphore_mem>>
    %dma_start3A_947 = tpu.memref_squeeze %dma_start3A_946 : memref<1x!tpu.dma_semaphore, #tpu.memory_space<semaphore_mem>> -> memref<!tpu.dma_semaphore, #tpu.memory_space<semaphore_mem>>
    %dma_start3A_948 = arith.constant 0 : i32
    %dma_start3A_949 = tpu.memref_slice %arg4[%add3A_937, %dma_start3A_948] : memref<16384x1000xi32, #tpu.memory_space<hbm>> -> memref<16x1000xi32, #tpu.memory_space<hbm>>
    %dma_start3A_950 = arith.constant 0 : i32
    %dma_start3A_951 = arith.constant 0 : i32
    %dma_start3A_952 = tpu.memref_slice %arg6[%dma_start3A_938, %dma_start3A_950, %dma_start3A_951] : memref<4x16x1000xi32, #tpu.memory_space<vmem>> -> memref<1x16x1000xi32, #tpu.memory_space<vmem>>
    %dma_start3A_953 = tpu.memref_squeeze %dma_start3A_952 : memref<1x16x1000xi32, #tpu.memory_space<vmem>> -> memref<16x1000xi32, #tpu.memory_space<vmem>>
    tpu.enqueue_dma source(%dma_start3A_953 : memref<16x1000xi32, #tpu.memory_space<vmem>>) target(%dma_start3A_949 : memref<16x1000xi32, #tpu.memory_space<hbm>>) target_semaphore(%dma_start3A_947 : memref<!tpu.dma_semaphore, #tpu.memory_space<semaphore_mem>>)
    %add3A_954 = arith.constant 240 : i32
    %add3A_955 = arith.addi %mul3A_2, %add3A_954 : i32
    %dma_wait3A_956 = arith.constant 3 : i32
    %dma_wait3A_957 = arith.constant 3 : i32
    %dma_wait3A_958 = arith.constant 0 : i32
    %dma_wait3A_959 = arith.constant 0 : i32
    %dma_wait3A_960 = tpu.memref_slice %arg6[%dma_wait3A_956, %dma_wait3A_958, %dma_wait3A_959] : memref<4x16x1000xi32, #tpu.memory_space<vmem>> -> memref<1x16x1000xi32, #tpu.memory_space<vmem>>
    %dma_wait3A_961 = tpu.memref_squeeze %dma_wait3A_960 : memref<1x16x1000xi32, #tpu.memory_space<vmem>> -> memref<16x1000xi32, #tpu.memory_space<vmem>>
    %dma_wait3A_962 = arith.constant 0 : i32
    %dma_wait3A_963 = tpu.memref_slice %arg4[%add3A_955, %dma_wait3A_962] : memref<16384x1000xi32, #tpu.memory_space<hbm>> -> memref<16x1000xi32, #tpu.memory_space<hbm>>
    %dma_wait3A_964 = tpu.memref_slice %arg8[%dma_wait3A_957] : memref<4x!tpu.dma_semaphore, #tpu.memory_space<semaphore_mem>> -> memref<1x!tpu.dma_semaphore, #tpu.memory_space<semaphore_mem>>
    %dma_wait3A_965 = tpu.memref_squeeze %dma_wait3A_964 : memref<1x!tpu.dma_semaphore, #tpu.memory_space<semaphore_mem>> -> memref<!tpu.dma_semaphore, #tpu.memory_space<semaphore_mem>>
    %dma_wait3A_966 = arith.constant 0 : i32
    %dma_wait3A_967 = tpu.memref_slice %arg4[%add3A_955, %dma_wait3A_966] : memref<16384x1000xi32, #tpu.memory_space<hbm>> -> memref<16x1000xi32, #tpu.memory_space<hbm>>
    %dma_wait3A_968 = arith.constant 0 : i32
    %dma_wait3A_969 = arith.constant 0 : i32
    %dma_wait3A_970 = tpu.memref_slice %arg6[%dma_wait3A_956, %dma_wait3A_968, %dma_wait3A_969] : memref<4x16x1000xi32, #tpu.memory_space<vmem>> -> memref<1x16x1000xi32, #tpu.memory_space<vmem>>
    %dma_wait3A_971 = tpu.memref_squeeze %dma_wait3A_970 : memref<1x16x1000xi32, #tpu.memory_space<vmem>> -> memref<16x1000xi32, #tpu.memory_space<vmem>>
    tpu.wait_dma2 semaphore(%dma_wait3A_965 : memref<!tpu.dma_semaphore, #tpu.memory_space<semaphore_mem>>) src(%dma_wait3A_971 : memref<16x1000xi32, #tpu.memory_space<vmem>>) dst(%dma_wait3A_967 : memref<16x1000xi32, #tpu.memory_space<hbm>>)
    %get3A_972 = arith.constant 240 : index
    %get3A_973 = tpu.vector_load %arg5[%get3A_972] {strides = array<i32>} : memref<512xi32, #tpu.memory_space<vmem>>, vector<16xi32>,
    %add3A_974 = arith.constant 0 : i32
    %add3A_975 = vector.broadcast %add3A_974 : i32 to vector<16xi32>
    %add3A_976 = arith.addi %iota3A, %add3A_975 : vector<16xi32>
    %scatter3A_977 = arith.constant 3 : i32
    %scatter3A_978 = arith.constant 0 : i32
    %scatter3A_979 = arith.constant 0 : i32
    %scatter3A_980 = tpu.memref_slice %arg6[%scatter3A_977, %scatter3A_978, %scatter3A_979] : memref<4x16x1000xi32, #tpu.memory_space<vmem>> -> memref<1x16x1000xi32, #tpu.memory_space<vmem>>
    %scatter3A_981 = tpu.memref_squeeze %scatter3A_980 : memref<1x16x1000xi32, #tpu.memory_space<vmem>> -> memref<16x1000xi32, #tpu.memory_space<vmem>>
    tpu.vector_store_idx %scatter3A_981[%add3A_976, %get3A_973], %broadcast_in_dim3A_3 : memref<16x1000xi32, #tpu.memory_space<vmem>>[vector<16xi32>, vector<16xi32>], vector<16xi32>,
    %get3A_982 = arith.constant 304 : index
    %get3A_983 = tpu.vector_load %arg5[%get3A_982] {strides = array<i32>} : memref<512xi32, #tpu.memory_space<vmem>>, vector<16xi32>,
    %add3A_984 = arith.constant 0 : i32
    %add3A_985 = vector.broadcast %add3A_984 : i32 to vector<16xi32>
    %add3A_986 = arith.addi %iota3A, %add3A_985 : vector<16xi32>
    %scatter3A_987 = arith.constant 3 : i32
    %scatter3A_988 = arith.constant 0 : i32
    %scatter3A_989 = arith.constant 0 : i32
    %scatter3A_990 = tpu.memref_slice %arg6[%scatter3A_987, %scatter3A_988, %scatter3A_989] : memref<4x16x1000xi32, #tpu.memory_space<vmem>> -> memref<1x16x1000xi32, #tpu.memory_space<vmem>>
    %scatter3A_991 = tpu.memref_squeeze %scatter3A_990 : memref<1x16x1000xi32, #tpu.memory_space<vmem>> -> memref<16x1000xi32, #tpu.memory_space<vmem>>
    tpu.vector_store_idx %scatter3A_991[%add3A_986, %get3A_983], %broadcast_in_dim3A_5 : memref<16x1000xi32, #tpu.memory_space<vmem>>[vector<16xi32>, vector<16xi32>], vector<16xi32>,
    %add3A_992 = arith.constant 304 : i32
    %add3A_993 = arith.addi %mul3A_2, %add3A_992 : i32
    %dma_start3A_994 = arith.constant 3 : i32
    %dma_start3A_995 = arith.constant 3 : i32
    %dma_start3A_996 = arith.constant 0 : i32
    %dma_start3A_997 = arith.constant 0 : i32
    %dma_start3A_998 = tpu.memref_slice %arg6[%dma_start3A_994, %dma_start3A_996, %dma_start3A_997] : memref<4x16x1000xi32, #tpu.memory_space<vmem>> -> memref<1x16x1000xi32, #tpu.memory_space<vmem>>
    %dma_start3A_999 = tpu.memref_squeeze %dma_start3A_998 : memref<1x16x1000xi32, #tpu.memory_space<vmem>> -> memref<16x1000xi32, #tpu.memory_space<vmem>>
    %dma_start3A_1000 = arith.constant 0 : i32
    %dma_start3A_1001 = tpu.memref_slice %arg4[%add3A_993, %dma_start3A_1000] : memref<16384x1000xi32, #tpu.memory_space<hbm>> -> memref<16x1000xi32, #tpu.memory_space<hbm>>
    %dma_start3A_1002 = tpu.memref_slice %arg8[%dma_start3A_995] : memref<4x!tpu.dma_semaphore, #tpu.memory_space<semaphore_mem>> -> memref<1x!tpu.dma_semaphore, #tpu.memory_space<semaphore_mem>>
    %dma_start3A_1003 = tpu.memref_squeeze %dma_start3A_1002 : memref<1x!tpu.dma_semaphore, #tpu.memory_space<semaphore_mem>> -> memref<!tpu.dma_semaphore, #tpu.memory_space<semaphore_mem>>
    %dma_start3A_1004 = arith.constant 0 : i32
    %dma_start3A_1005 = tpu.memref_slice %arg4[%add3A_993, %dma_start3A_1004] : memref<16384x1000xi32, #tpu.memory_space<hbm>> -> memref<16x1000xi32, #tpu.memory_space<hbm>>
    %dma_start3A_1006 = arith.constant 0 : i32
    %dma_start3A_1007 = arith.constant 0 : i32
    %dma_start3A_1008 = tpu.memref_slice %arg6[%dma_start3A_994, %dma_start3A_1006, %dma_start3A_1007] : memref<4x16x1000xi32, #tpu.memory_space<vmem>> -> memref<1x16x1000xi32, #tpu.memory_space<vmem>>
    %dma_start3A_1009 = tpu.memref_squeeze %dma_start3A_1008 : memref<1x16x1000xi32, #tpu.memory_space<vmem>> -> memref<16x1000xi32, #tpu.memory_space<vmem>>
    tpu.enqueue_dma source(%dma_start3A_1009 : memref<16x1000xi32, #tpu.memory_space<vmem>>) target(%dma_start3A_1005 : memref<16x1000xi32, #tpu.memory_space<hbm>>) target_semaphore(%dma_start3A_1003 : memref<!tpu.dma_semaphore, #tpu.memory_space<semaphore_mem>>)
    %add3A_1010 = arith.constant 256 : i32
    %add3A_1011 = arith.addi %mul3A_2, %add3A_1010 : i32
    %dma_wait3A_1012 = arith.constant 0 : i32
    %dma_wait3A_1013 = arith.constant 0 : i32
    %dma_wait3A_1014 = arith.constant 0 : i32
    %dma_wait3A_1015 = arith.constant 0 : i32
    %dma_wait3A_1016 = tpu.memref_slice %arg6[%dma_wait3A_1012, %dma_wait3A_1014, %dma_wait3A_1015] : memref<4x16x1000xi32, #tpu.memory_space<vmem>> -> memref<1x16x1000xi32, #tpu.memory_space<vmem>>
    %dma_wait3A_1017 = tpu.memref_squeeze %dma_wait3A_1016 : memref<1x16x1000xi32, #tpu.memory_space<vmem>> -> memref<16x1000xi32, #tpu.memory_space<vmem>>
    %dma_wait3A_1018 = arith.constant 0 : i32
    %dma_wait3A_1019 = tpu.memref_slice %arg4[%add3A_1011, %dma_wait3A_1018] : memref<16384x1000xi32, #tpu.memory_space<hbm>> -> memref<16x1000xi32, #tpu.memory_space<hbm>>
    %dma_wait3A_1020 = tpu.memref_slice %arg8[%dma_wait3A_1013] : memref<4x!tpu.dma_semaphore, #tpu.memory_space<semaphore_mem>> -> memref<1x!tpu.dma_semaphore, #tpu.memory_space<semaphore_mem>>
    %dma_wait3A_1021 = tpu.memref_squeeze %dma_wait3A_1020 : memref<1x!tpu.dma_semaphore, #tpu.memory_space<semaphore_mem>> -> memref<!tpu.dma_semaphore, #tpu.memory_space<semaphore_mem>>
    %dma_wait3A_1022 = arith.constant 0 : i32
    %dma_wait3A_1023 = tpu.memref_slice %arg4[%add3A_1011, %dma_wait3A_1022] : memref<16384x1000xi32, #tpu.memory_space<hbm>> -> memref<16x1000xi32, #tpu.memory_space<hbm>>
    %dma_wait3A_1024 = arith.constant 0 : i32
    %dma_wait3A_1025 = arith.constant 0 : i32
    %dma_wait3A_1026 = tpu.memref_slice %arg6[%dma_wait3A_1012, %dma_wait3A_1024, %dma_wait3A_1025] : memref<4x16x1000xi32, #tpu.memory_space<vmem>> -> memref<1x16x1000xi32, #tpu.memory_space<vmem>>
    %dma_wait3A_1027 = tpu.memref_squeeze %dma_wait3A_1026 : memref<1x16x1000xi32, #tpu.memory_space<vmem>> -> memref<16x1000xi32, #tpu.memory_space<vmem>>
    tpu.wait_dma2 semaphore(%dma_wait3A_1021 : memref<!tpu.dma_semaphore, #tpu.memory_space<semaphore_mem>>) src(%dma_wait3A_1027 : memref<16x1000xi32, #tpu.memory_space<vmem>>) dst(%dma_wait3A_1023 : memref<16x1000xi32, #tpu.memory_space<hbm>>)
    %get3A_1028 = arith.constant 256 : index
    %get3A_1029 = tpu.vector_load %arg5[%get3A_1028] {strides = array<i32>} : memref<512xi32, #tpu.memory_space<vmem>>, vector<16xi32>,
    %add3A_1030 = arith.constant 0 : i32
    %add3A_1031 = vector.broadcast %add3A_1030 : i32 to vector<16xi32>
    %add3A_1032 = arith.addi %iota3A, %add3A_1031 : vector<16xi32>
    %scatter3A_1033 = arith.constant 0 : i32
    %scatter3A_1034 = arith.constant 0 : i32
    %scatter3A_1035 = arith.constant 0 : i32
    %scatter3A_1036 = tpu.memref_slice %arg6[%scatter3A_1033, %scatter3A_1034, %scatter3A_1035] : memref<4x16x1000xi32, #tpu.memory_space<vmem>> -> memref<1x16x1000xi32, #tpu.memory_space<vmem>>
    %scatter3A_1037 = tpu.memref_squeeze %scatter3A_1036 : memref<1x16x1000xi32, #tpu.memory_space<vmem>> -> memref<16x1000xi32, #tpu.memory_space<vmem>>
    tpu.vector_store_idx %scatter3A_1037[%add3A_1032, %get3A_1029], %broadcast_in_dim3A_3 : memref<16x1000xi32, #tpu.memory_space<vmem>>[vector<16xi32>, vector<16xi32>], vector<16xi32>,
    %get3A_1038 = arith.constant 320 : index
    %get3A_1039 = tpu.vector_load %arg5[%get3A_1038] {strides = array<i32>} : memref<512xi32, #tpu.memory_space<vmem>>, vector<16xi32>,
    %add3A_1040 = arith.constant 0 : i32
    %add3A_1041 = vector.broadcast %add3A_1040 : i32 to vector<16xi32>
    %add3A_1042 = arith.addi %iota3A, %add3A_1041 : vector<16xi32>
    %scatter3A_1043 = arith.constant 0 : i32
    %scatter3A_1044 = arith.constant 0 : i32
    %scatter3A_1045 = arith.constant 0 : i32
    %scatter3A_1046 = tpu.memref_slice %arg6[%scatter3A_1043, %scatter3A_1044, %scatter3A_1045] : memref<4x16x1000xi32, #tpu.memory_space<vmem>> -> memref<1x16x1000xi32, #tpu.memory_space<vmem>>
    %scatter3A_1047 = tpu.memref_squeeze %scatter3A_1046 : memref<1x16x1000xi32, #tpu.memory_space<vmem>> -> memref<16x1000xi32, #tpu.memory_space<vmem>>
    tpu.vector_store_idx %scatter3A_1047[%add3A_1042, %get3A_1039], %broadcast_in_dim3A_5 : memref<16x1000xi32, #tpu.memory_space<vmem>>[vector<16xi32>, vector<16xi32>], vector<16xi32>,
    %add3A_1048 = arith.constant 320 : i32
    %add3A_1049 = arith.addi %mul3A_2, %add3A_1048 : i32
    %dma_start3A_1050 = arith.constant 0 : i32
    %dma_start3A_1051 = arith.constant 0 : i32
    %dma_start3A_1052 = arith.constant 0 : i32
    %dma_start3A_1053 = arith.constant 0 : i32
    %dma_start3A_1054 = tpu.memref_slice %arg6[%dma_start3A_1050, %dma_start3A_1052, %dma_start3A_1053] : memref<4x16x1000xi32, #tpu.memory_space<vmem>> -> memref<1x16x1000xi32, #tpu.memory_space<vmem>>
    %dma_start3A_1055 = tpu.memref_squeeze %dma_start3A_1054 : memref<1x16x1000xi32, #tpu.memory_space<vmem>> -> memref<16x1000xi32, #tpu.memory_space<vmem>>
    %dma_start3A_1056 = arith.constant 0 : i32
    %dma_start3A_1057 = tpu.memref_slice %arg4[%add3A_1049, %dma_start3A_1056] : memref<16384x1000xi32, #tpu.memory_space<hbm>> -> memref<16x1000xi32, #tpu.memory_space<hbm>>
    %dma_start3A_1058 = tpu.memref_slice %arg8[%dma_start3A_1051] : memref<4x!tpu.dma_semaphore, #tpu.memory_space<semaphore_mem>> -> memref<1x!tpu.dma_semaphore, #tpu.memory_space<semaphore_mem>>
    %dma_start3A_1059 = tpu.memref_squeeze %dma_start3A_1058 : memref<1x!tpu.dma_semaphore, #tpu.memory_space<semaphore_mem>> -> memref<!tpu.dma_semaphore, #tpu.memory_space<semaphore_mem>>
    %dma_start3A_1060 = arith.constant 0 : i32
    %dma_start3A_1061 = tpu.memref_slice %arg4[%add3A_1049, %dma_start3A_1060] : memref<16384x1000xi32, #tpu.memory_space<hbm>> -> memref<16x1000xi32, #tpu.memory_space<hbm>>
    %dma_start3A_1062 = arith.constant 0 : i32
    %dma_start3A_1063 = arith.constant 0 : i32
    %dma_start3A_1064 = tpu.memref_slice %arg6[%dma_start3A_1050, %dma_start3A_1062, %dma_start3A_1063] : memref<4x16x1000xi32, #tpu.memory_space<vmem>> -> memref<1x16x1000xi32, #tpu.memory_space<vmem>>
    %dma_start3A_1065 = tpu.memref_squeeze %dma_start3A_1064 : memref<1x16x1000xi32, #tpu.memory_space<vmem>> -> memref<16x1000xi32, #tpu.memory_space<vmem>>
    tpu.enqueue_dma source(%dma_start3A_1065 : memref<16x1000xi32, #tpu.memory_space<vmem>>) target(%dma_start3A_1061 : memref<16x1000xi32, #tpu.memory_space<hbm>>) target_semaphore(%dma_start3A_1059 : memref<!tpu.dma_semaphore, #tpu.memory_space<semaphore_mem>>)
    %add3A_1066 = arith.constant 272 : i32
    %add3A_1067 = arith.addi %mul3A_2, %add3A_1066 : i32
    %dma_wait3A_1068 = arith.constant 1 : i32
    %dma_wait3A_1069 = arith.constant 1 : i32
    %dma_wait3A_1070 = arith.constant 0 : i32
    %dma_wait3A_1071 = arith.constant 0 : i32
    %dma_wait3A_1072 = tpu.memref_slice %arg6[%dma_wait3A_1068, %dma_wait3A_1070, %dma_wait3A_1071] : memref<4x16x1000xi32, #tpu.memory_space<vmem>> -> memref<1x16x1000xi32, #tpu.memory_space<vmem>>
    %dma_wait3A_1073 = tpu.memref_squeeze %dma_wait3A_1072 : memref<1x16x1000xi32, #tpu.memory_space<vmem>> -> memref<16x1000xi32, #tpu.memory_space<vmem>>
    %dma_wait3A_1074 = arith.constant 0 : i32
    %dma_wait3A_1075 = tpu.memref_slice %arg4[%add3A_1067, %dma_wait3A_1074] : memref<16384x1000xi32, #tpu.memory_space<hbm>> -> memref<16x1000xi32, #tpu.memory_space<hbm>>
    %dma_wait3A_1076 = tpu.memref_slice %arg8[%dma_wait3A_1069] : memref<4x!tpu.dma_semaphore, #tpu.memory_space<semaphore_mem>> -> memref<1x!tpu.dma_semaphore, #tpu.memory_space<semaphore_mem>>
    %dma_wait3A_1077 = tpu.memref_squeeze %dma_wait3A_1076 : memref<1x!tpu.dma_semaphore, #tpu.memory_space<semaphore_mem>> -> memref<!tpu.dma_semaphore, #tpu.memory_space<semaphore_mem>>
    %dma_wait3A_1078 = arith.constant 0 : i32
    %dma_wait3A_1079 = tpu.memref_slice %arg4[%add3A_1067, %dma_wait3A_1078] : memref<16384x1000xi32, #tpu.memory_space<hbm>> -> memref<16x1000xi32, #tpu.memory_space<hbm>>
    %dma_wait3A_1080 = arith.constant 0 : i32
    %dma_wait3A_1081 = arith.constant 0 : i32
    %dma_wait3A_1082 = tpu.memref_slice %arg6[%dma_wait3A_1068, %dma_wait3A_1080, %dma_wait3A_1081] : memref<4x16x1000xi32, #tpu.memory_space<vmem>> -> memref<1x16x1000xi32, #tpu.memory_space<vmem>>
    %dma_wait3A_1083 = tpu.memref_squeeze %dma_wait3A_1082 : memref<1x16x1000xi32, #tpu.memory_space<vmem>> -> memref<16x1000xi32, #tpu.memory_space<vmem>>
    tpu.wait_dma2 semaphore(%dma_wait3A_1077 : memref<!tpu.dma_semaphore, #tpu.memory_space<semaphore_mem>>) src(%dma_wait3A_1083 : memref<16x1000xi32, #tpu.memory_space<vmem>>) dst(%dma_wait3A_1079 : memref<16x1000xi32, #tpu.memory_space<hbm>>)
    %get3A_1084 = arith.constant 272 : index
    %get3A_1085 = tpu.vector_load %arg5[%get3A_1084] {strides = array<i32>} : memref<512xi32, #tpu.memory_space<vmem>>, vector<16xi32>,
    %add3A_1086 = arith.constant 0 : i32
    %add3A_1087 = vector.broadcast %add3A_1086 : i32 to vector<16xi32>
    %add3A_1088 = arith.addi %iota3A, %add3A_1087 : vector<16xi32>
    %scatter3A_1089 = arith.constant 1 : i32
    %scatter3A_1090 = arith.constant 0 : i32
    %scatter3A_1091 = arith.constant 0 : i32
    %scatter3A_1092 = tpu.memref_slice %arg6[%scatter3A_1089, %scatter3A_1090, %scatter3A_1091] : memref<4x16x1000xi32, #tpu.memory_space<vmem>> -> memref<1x16x1000xi32, #tpu.memory_space<vmem>>
    %scatter3A_1093 = tpu.memref_squeeze %scatter3A_1092 : memref<1x16x1000xi32, #tpu.memory_space<vmem>> -> memref<16x1000xi32, #tpu.memory_space<vmem>>
    tpu.vector_store_idx %scatter3A_1093[%add3A_1088, %get3A_1085], %broadcast_in_dim3A_3 : memref<16x1000xi32, #tpu.memory_space<vmem>>[vector<16xi32>, vector<16xi32>], vector<16xi32>,
    %get3A_1094 = arith.constant 336 : index
    %get3A_1095 = tpu.vector_load %arg5[%get3A_1094] {strides = array<i32>} : memref<512xi32, #tpu.memory_space<vmem>>, vector<16xi32>,
    %add3A_1096 = arith.constant 0 : i32
    %add3A_1097 = vector.broadcast %add3A_1096 : i32 to vector<16xi32>
    %add3A_1098 = arith.addi %iota3A, %add3A_1097 : vector<16xi32>
    %scatter3A_1099 = arith.constant 1 : i32
    %scatter3A_1100 = arith.constant 0 : i32
    %scatter3A_1101 = arith.constant 0 : i32
    %scatter3A_1102 = tpu.memref_slice %arg6[%scatter3A_1099, %scatter3A_1100, %scatter3A_1101] : memref<4x16x1000xi32, #tpu.memory_space<vmem>> -> memref<1x16x1000xi32, #tpu.memory_space<vmem>>
    %scatter3A_1103 = tpu.memref_squeeze %scatter3A_1102 : memref<1x16x1000xi32, #tpu.memory_space<vmem>> -> memref<16x1000xi32, #tpu.memory_space<vmem>>
    tpu.vector_store_idx %scatter3A_1103[%add3A_1098, %get3A_1095], %broadcast_in_dim3A_5 : memref<16x1000xi32, #tpu.memory_space<vmem>>[vector<16xi32>, vector<16xi32>], vector<16xi32>,
    %add3A_1104 = arith.constant 336 : i32
    %add3A_1105 = arith.addi %mul3A_2, %add3A_1104 : i32
    %dma_start3A_1106 = arith.constant 1 : i32
    %dma_start3A_1107 = arith.constant 1 : i32
    %dma_start3A_1108 = arith.constant 0 : i32
    %dma_start3A_1109 = arith.constant 0 : i32
    %dma_start3A_1110 = tpu.memref_slice %arg6[%dma_start3A_1106, %dma_start3A_1108, %dma_start3A_1109] : memref<4x16x1000xi32, #tpu.memory_space<vmem>> -> memref<1x16x1000xi32, #tpu.memory_space<vmem>>
    %dma_start3A_1111 = tpu.memref_squeeze %dma_start3A_1110 : memref<1x16x1000xi32, #tpu.memory_space<vmem>> -> memref<16x1000xi32, #tpu.memory_space<vmem>>
    %dma_start3A_1112 = arith.constant 0 : i32
    %dma_start3A_1113 = tpu.memref_slice %arg4[%add3A_1105, %dma_start3A_1112] : memref<16384x1000xi32, #tpu.memory_space<hbm>> -> memref<16x1000xi32, #tpu.memory_space<hbm>>
    %dma_start3A_1114 = tpu.memref_slice %arg8[%dma_start3A_1107] : memref<4x!tpu.dma_semaphore, #tpu.memory_space<semaphore_mem>> -> memref<1x!tpu.dma_semaphore, #tpu.memory_space<semaphore_mem>>
    %dma_start3A_1115 = tpu.memref_squeeze %dma_start3A_1114 : memref<1x!tpu.dma_semaphore, #tpu.memory_space<semaphore_mem>> -> memref<!tpu.dma_semaphore, #tpu.memory_space<semaphore_mem>>
    %dma_start3A_1116 = arith.constant 0 : i32
    %dma_start3A_1117 = tpu.memref_slice %arg4[%add3A_1105, %dma_start3A_1116] : memref<16384x1000xi32, #tpu.memory_space<hbm>> -> memref<16x1000xi32, #tpu.memory_space<hbm>>
    %dma_start3A_1118 = arith.constant 0 : i32
    %dma_start3A_1119 = arith.constant 0 : i32
    %dma_start3A_1120 = tpu.memref_slice %arg6[%dma_start3A_1106, %dma_start3A_1118, %dma_start3A_1119] : memref<4x16x1000xi32, #tpu.memory_space<vmem>> -> memref<1x16x1000xi32, #tpu.memory_space<vmem>>
    %dma_start3A_1121 = tpu.memref_squeeze %dma_start3A_1120 : memref<1x16x1000xi32, #tpu.memory_space<vmem>> -> memref<16x1000xi32, #tpu.memory_space<vmem>>
    tpu.enqueue_dma source(%dma_start3A_1121 : memref<16x1000xi32, #tpu.memory_space<vmem>>) target(%dma_start3A_1117 : memref<16x1000xi32, #tpu.memory_space<hbm>>) target_semaphore(%dma_start3A_1115 : memref<!tpu.dma_semaphore, #tpu.memory_space<semaphore_mem>>)
    %add3A_1122 = arith.constant 288 : i32
    %add3A_1123 = arith.addi %mul3A_2, %add3A_1122 : i32
    %dma_wait3A_1124 = arith.constant 2 : i32
    %dma_wait3A_1125 = arith.constant 2 : i32
    %dma_wait3A_1126 = arith.constant 0 : i32
    %dma_wait3A_1127 = arith.constant 0 : i32
    %dma_wait3A_1128 = tpu.memref_slice %arg6[%dma_wait3A_1124, %dma_wait3A_1126, %dma_wait3A_1127] : memref<4x16x1000xi32, #tpu.memory_space<vmem>> -> memref<1x16x1000xi32, #tpu.memory_space<vmem>>
    %dma_wait3A_1129 = tpu.memref_squeeze %dma_wait3A_1128 : memref<1x16x1000xi32, #tpu.memory_space<vmem>> -> memref<16x1000xi32, #tpu.memory_space<vmem>>
    %dma_wait3A_1130 = arith.constant 0 : i32
    %dma_wait3A_1131 = tpu.memref_slice %arg4[%add3A_1123, %dma_wait3A_1130] : memref<16384x1000xi32, #tpu.memory_space<hbm>> -> memref<16x1000xi32, #tpu.memory_space<hbm>>
    %dma_wait3A_1132 = tpu.memref_slice %arg8[%dma_wait3A_1125] : memref<4x!tpu.dma_semaphore, #tpu.memory_space<semaphore_mem>> -> memref<1x!tpu.dma_semaphore, #tpu.memory_space<semaphore_mem>>
    %dma_wait3A_1133 = tpu.memref_squeeze %dma_wait3A_1132 : memref<1x!tpu.dma_semaphore, #tpu.memory_space<semaphore_mem>> -> memref<!tpu.dma_semaphore, #tpu.memory_space<semaphore_mem>>
    %dma_wait3A_1134 = arith.constant 0 : i32
    %dma_wait3A_1135 = tpu.memref_slice %arg4[%add3A_1123, %dma_wait3A_1134] : memref<16384x1000xi32, #tpu.memory_space<hbm>> -> memref<16x1000xi32, #tpu.memory_space<hbm>>
    %dma_wait3A_1136 = arith.constant 0 : i32
    %dma_wait3A_1137 = arith.constant 0 : i32
    %dma_wait3A_1138 = tpu.memref_slice %arg6[%dma_wait3A_1124, %dma_wait3A_1136, %dma_wait3A_1137] : memref<4x16x1000xi32, #tpu.memory_space<vmem>> -> memref<1x16x1000xi32, #tpu.memory_space<vmem>>
    %dma_wait3A_1139 = tpu.memref_squeeze %dma_wait3A_1138 : memref<1x16x1000xi32, #tpu.memory_space<vmem>> -> memref<16x1000xi32, #tpu.memory_space<vmem>>
    tpu.wait_dma2 semaphore(%dma_wait3A_1133 : memref<!tpu.dma_semaphore, #tpu.memory_space<semaphore_mem>>) src(%dma_wait3A_1139 : memref<16x1000xi32, #tpu.memory_space<vmem>>) dst(%dma_wait3A_1135 : memref<16x1000xi32, #tpu.memory_space<hbm>>)
    %get3A_1140 = arith.constant 288 : index
    %get3A_1141 = tpu.vector_load %arg5[%get3A_1140] {strides = array<i32>} : memref<512xi32, #tpu.memory_space<vmem>>, vector<16xi32>,
    %add3A_1142 = arith.constant 0 : i32
    %add3A_1143 = vector.broadcast %add3A_1142 : i32 to vector<16xi32>
    %add3A_1144 = arith.addi %iota3A, %add3A_1143 : vector<16xi32>
    %scatter3A_1145 = arith.constant 2 : i32
    %scatter3A_1146 = arith.constant 0 : i32
    %scatter3A_1147 = arith.constant 0 : i32
    %scatter3A_1148 = tpu.memref_slice %arg6[%scatter3A_1145, %scatter3A_1146, %scatter3A_1147] : memref<4x16x1000xi32, #tpu.memory_space<vmem>> -> memref<1x16x1000xi32, #tpu.memory_space<vmem>>
    %scatter3A_1149 = tpu.memref_squeeze %scatter3A_1148 : memref<1x16x1000xi32, #tpu.memory_space<vmem>> -> memref<16x1000xi32, #tpu.memory_space<vmem>>
    tpu.vector_store_idx %scatter3A_1149[%add3A_1144, %get3A_1141], %broadcast_in_dim3A_3 : memref<16x1000xi32, #tpu.memory_space<vmem>>[vector<16xi32>, vector<16xi32>], vector<16xi32>,
    %get3A_1150 = arith.constant 352 : index
    %get3A_1151 = tpu.vector_load %arg5[%get3A_1150] {strides = array<i32>} : memref<512xi32, #tpu.memory_space<vmem>>, vector<16xi32>,
    %add3A_1152 = arith.constant 0 : i32
    %add3A_1153 = vector.broadcast %add3A_1152 : i32 to vector<16xi32>
    %add3A_1154 = arith.addi %iota3A, %add3A_1153 : vector<16xi32>
    %scatter3A_1155 = arith.constant 2 : i32
    %scatter3A_1156 = arith.constant 0 : i32
    %scatter3A_1157 = arith.constant 0 : i32
    %scatter3A_1158 = tpu.memref_slice %arg6[%scatter3A_1155, %scatter3A_1156, %scatter3A_1157] : memref<4x16x1000xi32, #tpu.memory_space<vmem>> -> memref<1x16x1000xi32, #tpu.memory_space<vmem>>
    %scatter3A_1159 = tpu.memref_squeeze %scatter3A_1158 : memref<1x16x1000xi32, #tpu.memory_space<vmem>> -> memref<16x1000xi32, #tpu.memory_space<vmem>>
    tpu.vector_store_idx %scatter3A_1159[%add3A_1154, %get3A_1151], %broadcast_in_dim3A_5 : memref<16x1000xi32, #tpu.memory_space<vmem>>[vector<16xi32>, vector<16xi32>], vector<16xi32>,
    %add3A_1160 = arith.constant 352 : i32
    %add3A_1161 = arith.addi %mul3A_2, %add3A_1160 : i32
    %dma_start3A_1162 = arith.constant 2 : i32
    %dma_start3A_1163 = arith.constant 2 : i32
    %dma_start3A_1164 = arith.constant 0 : i32
    %dma_start3A_1165 = arith.constant 0 : i32
    %dma_start3A_1166 = tpu.memref_slice %arg6[%dma_start3A_1162, %dma_start3A_1164, %dma_start3A_1165] : memref<4x16x1000xi32, #tpu.memory_space<vmem>> -> memref<1x16x1000xi32, #tpu.memory_space<vmem>>
    %dma_start3A_1167 = tpu.memref_squeeze %dma_start3A_1166 : memref<1x16x1000xi32, #tpu.memory_space<vmem>> -> memref<16x1000xi32, #tpu.memory_space<vmem>>
    %dma_start3A_1168 = arith.constant 0 : i32
    %dma_start3A_1169 = tpu.memref_slice %arg4[%add3A_1161, %dma_start3A_1168] : memref<16384x1000xi32, #tpu.memory_space<hbm>> -> memref<16x1000xi32, #tpu.memory_space<hbm>>
    %dma_start3A_1170 = tpu.memref_slice %arg8[%dma_start3A_1163] : memref<4x!tpu.dma_semaphore, #tpu.memory_space<semaphore_mem>> -> memref<1x!tpu.dma_semaphore, #tpu.memory_space<semaphore_mem>>
    %dma_start3A_1171 = tpu.memref_squeeze %dma_start3A_1170 : memref<1x!tpu.dma_semaphore, #tpu.memory_space<semaphore_mem>> -> memref<!tpu.dma_semaphore, #tpu.memory_space<semaphore_mem>>
    %dma_start3A_1172 = arith.constant 0 : i32
    %dma_start3A_1173 = tpu.memref_slice %arg4[%add3A_1161, %dma_start3A_1172] : memref<16384x1000xi32, #tpu.memory_space<hbm>> -> memref<16x1000xi32, #tpu.memory_space<hbm>>
    %dma_start3A_1174 = arith.constant 0 : i32
    %dma_start3A_1175 = arith.constant 0 : i32
    %dma_start3A_1176 = tpu.memref_slice %arg6[%dma_start3A_1162, %dma_start3A_1174, %dma_start3A_1175] : memref<4x16x1000xi32, #tpu.memory_space<vmem>> -> memref<1x16x1000xi32, #tpu.memory_space<vmem>>
    %dma_start3A_1177 = tpu.memref_squeeze %dma_start3A_1176 : memref<1x16x1000xi32, #tpu.memory_space<vmem>> -> memref<16x1000xi32, #tpu.memory_space<vmem>>
    tpu.enqueue_dma source(%dma_start3A_1177 : memref<16x1000xi32, #tpu.memory_space<vmem>>) target(%dma_start3A_1173 : memref<16x1000xi32, #tpu.memory_space<hbm>>) target_semaphore(%dma_start3A_1171 : memref<!tpu.dma_semaphore, #tpu.memory_space<semaphore_mem>>)
    %add3A_1178 = arith.constant 304 : i32
    %add3A_1179 = arith.addi %mul3A_2, %add3A_1178 : i32
    %dma_wait3A_1180 = arith.constant 3 : i32
    %dma_wait3A_1181 = arith.constant 3 : i32
    %dma_wait3A_1182 = arith.constant 0 : i32
    %dma_wait3A_1183 = arith.constant 0 : i32
    %dma_wait3A_1184 = tpu.memref_slice %arg6[%dma_wait3A_1180, %dma_wait3A_1182, %dma_wait3A_1183] : memref<4x16x1000xi32, #tpu.memory_space<vmem>> -> memref<1x16x1000xi32, #tpu.memory_space<vmem>>
    %dma_wait3A_1185 = tpu.memref_squeeze %dma_wait3A_1184 : memref<1x16x1000xi32, #tpu.memory_space<vmem>> -> memref<16x1000xi32, #tpu.memory_space<vmem>>
    %dma_wait3A_1186 = arith.constant 0 : i32
    %dma_wait3A_1187 = tpu.memref_slice %arg4[%add3A_1179, %dma_wait3A_1186] : memref<16384x1000xi32, #tpu.memory_space<hbm>> -> memref<16x1000xi32, #tpu.memory_space<hbm>>
    %dma_wait3A_1188 = tpu.memref_slice %arg8[%dma_wait3A_1181] : memref<4x!tpu.dma_semaphore, #tpu.memory_space<semaphore_mem>> -> memref<1x!tpu.dma_semaphore, #tpu.memory_space<semaphore_mem>>
    %dma_wait3A_1189 = tpu.memref_squeeze %dma_wait3A_1188 : memref<1x!tpu.dma_semaphore, #tpu.memory_space<semaphore_mem>> -> memref<!tpu.dma_semaphore, #tpu.memory_space<semaphore_mem>>
    %dma_wait3A_1190 = arith.constant 0 : i32
    %dma_wait3A_1191 = tpu.memref_slice %arg4[%add3A_1179, %dma_wait3A_1190] : memref<16384x1000xi32, #tpu.memory_space<hbm>> -> memref<16x1000xi32, #tpu.memory_space<hbm>>
    %dma_wait3A_1192 = arith.constant 0 : i32
    %dma_wait3A_1193 = arith.constant 0 : i32
    %dma_wait3A_1194 = tpu.memref_slice %arg6[%dma_wait3A_1180, %dma_wait3A_1192, %dma_wait3A_1193] : memref<4x16x1000xi32, #tpu.memory_space<vmem>> -> memref<1x16x1000xi32, #tpu.memory_space<vmem>>
    %dma_wait3A_1195 = tpu.memref_squeeze %dma_wait3A_1194 : memref<1x16x1000xi32, #tpu.memory_space<vmem>> -> memref<16x1000xi32, #tpu.memory_space<vmem>>
    tpu.wait_dma2 semaphore(%dma_wait3A_1189 : memref<!tpu.dma_semaphore, #tpu.memory_space<semaphore_mem>>) src(%dma_wait3A_1195 : memref<16x1000xi32, #tpu.memory_space<vmem>>) dst(%dma_wait3A_1191 : memref<16x1000xi32, #tpu.memory_space<hbm>>)
    %get3A_1196 = arith.constant 304 : index
    %get3A_1197 = tpu.vector_load %arg5[%get3A_1196] {strides = array<i32>} : memref<512xi32, #tpu.memory_space<vmem>>, vector<16xi32>,
    %add3A_1198 = arith.constant 0 : i32
    %add3A_1199 = vector.broadcast %add3A_1198 : i32 to vector<16xi32>
    %add3A_1200 = arith.addi %iota3A, %add3A_1199 : vector<16xi32>
    %scatter3A_1201 = arith.constant 3 : i32
    %scatter3A_1202 = arith.constant 0 : i32
    %scatter3A_1203 = arith.constant 0 : i32
    %scatter3A_1204 = tpu.memref_slice %arg6[%scatter3A_1201, %scatter3A_1202, %scatter3A_1203] : memref<4x16x1000xi32, #tpu.memory_space<vmem>> -> memref<1x16x1000xi32, #tpu.memory_space<vmem>>
    %scatter3A_1205 = tpu.memref_squeeze %scatter3A_1204 : memref<1x16x1000xi32, #tpu.memory_space<vmem>> -> memref<16x1000xi32, #tpu.memory_space<vmem>>
    tpu.vector_store_idx %scatter3A_1205[%add3A_1200, %get3A_1197], %broadcast_in_dim3A_3 : memref<16x1000xi32, #tpu.memory_space<vmem>>[vector<16xi32>, vector<16xi32>], vector<16xi32>,
    %get3A_1206 = arith.constant 368 : index
    %get3A_1207 = tpu.vector_load %arg5[%get3A_1206] {strides = array<i32>} : memref<512xi32, #tpu.memory_space<vmem>>, vector<16xi32>,
    %add3A_1208 = arith.constant 0 : i32
    %add3A_1209 = vector.broadcast %add3A_1208 : i32 to vector<16xi32>
    %add3A_1210 = arith.addi %iota3A, %add3A_1209 : vector<16xi32>
    %scatter3A_1211 = arith.constant 3 : i32
    %scatter3A_1212 = arith.constant 0 : i32
    %scatter3A_1213 = arith.constant 0 : i32
    %scatter3A_1214 = tpu.memref_slice %arg6[%scatter3A_1211, %scatter3A_1212, %scatter3A_1213] : memref<4x16x1000xi32, #tpu.memory_space<vmem>> -> memref<1x16x1000xi32, #tpu.memory_space<vmem>>
    %scatter3A_1215 = tpu.memref_squeeze %scatter3A_1214 : memref<1x16x1000xi32, #tpu.memory_space<vmem>> -> memref<16x1000xi32, #tpu.memory_space<vmem>>
    tpu.vector_store_idx %scatter3A_1215[%add3A_1210, %get3A_1207], %broadcast_in_dim3A_5 : memref<16x1000xi32, #tpu.memory_space<vmem>>[vector<16xi32>, vector<16xi32>], vector<16xi32>,
    %add3A_1216 = arith.constant 368 : i32
    %add3A_1217 = arith.addi %mul3A_2, %add3A_1216 : i32
    %dma_start3A_1218 = arith.constant 3 : i32
    %dma_start3A_1219 = arith.constant 3 : i32
    %dma_start3A_1220 = arith.constant 0 : i32
    %dma_start3A_1221 = arith.constant 0 : i32
    %dma_start3A_1222 = tpu.memref_slice %arg6[%dma_start3A_1218, %dma_start3A_1220, %dma_start3A_1221] : memref<4x16x1000xi32, #tpu.memory_space<vmem>> -> memref<1x16x1000xi32, #tpu.memory_space<vmem>>
    %dma_start3A_1223 = tpu.memref_squeeze %dma_start3A_1222 : memref<1x16x1000xi32, #tpu.memory_space<vmem>> -> memref<16x1000xi32, #tpu.memory_space<vmem>>
    %dma_start3A_1224 = arith.constant 0 : i32
    %dma_start3A_1225 = tpu.memref_slice %arg4[%add3A_1217, %dma_start3A_1224] : memref<16384x1000xi32, #tpu.memory_space<hbm>> -> memref<16x1000xi32, #tpu.memory_space<hbm>>
    %dma_start3A_1226 = tpu.memref_slice %arg8[%dma_start3A_1219] : memref<4x!tpu.dma_semaphore, #tpu.memory_space<semaphore_mem>> -> memref<1x!tpu.dma_semaphore, #tpu.memory_space<semaphore_mem>>
    %dma_start3A_1227 = tpu.memref_squeeze %dma_start3A_1226 : memref<1x!tpu.dma_semaphore, #tpu.memory_space<semaphore_mem>> -> memref<!tpu.dma_semaphore, #tpu.memory_space<semaphore_mem>>
    %dma_start3A_1228 = arith.constant 0 : i32
    %dma_start3A_1229 = tpu.memref_slice %arg4[%add3A_1217, %dma_start3A_1228] : memref<16384x1000xi32, #tpu.memory_space<hbm>> -> memref<16x1000xi32, #tpu.memory_space<hbm>>
    %dma_start3A_1230 = arith.constant 0 : i32
    %dma_start3A_1231 = arith.constant 0 : i32
    %dma_start3A_1232 = tpu.memref_slice %arg6[%dma_start3A_1218, %dma_start3A_1230, %dma_start3A_1231] : memref<4x16x1000xi32, #tpu.memory_space<vmem>> -> memref<1x16x1000xi32, #tpu.memory_space<vmem>>
    %dma_start3A_1233 = tpu.memref_squeeze %dma_start3A_1232 : memref<1x16x1000xi32, #tpu.memory_space<vmem>> -> memref<16x1000xi32, #tpu.memory_space<vmem>>
    tpu.enqueue_dma source(%dma_start3A_1233 : memref<16x1000xi32, #tpu.memory_space<vmem>>) target(%dma_start3A_1229 : memref<16x1000xi32, #tpu.memory_space<hbm>>) target_semaphore(%dma_start3A_1227 : memref<!tpu.dma_semaphore, #tpu.memory_space<semaphore_mem>>)
    %add3A_1234 = arith.constant 320 : i32
    %add3A_1235 = arith.addi %mul3A_2, %add3A_1234 : i32
    %dma_wait3A_1236 = arith.constant 0 : i32
    %dma_wait3A_1237 = arith.constant 0 : i32
    %dma_wait3A_1238 = arith.constant 0 : i32
    %dma_wait3A_1239 = arith.constant 0 : i32
    %dma_wait3A_1240 = tpu.memref_slice %arg6[%dma_wait3A_1236, %dma_wait3A_1238, %dma_wait3A_1239] : memref<4x16x1000xi32, #tpu.memory_space<vmem>> -> memref<1x16x1000xi32, #tpu.memory_space<vmem>>
    %dma_wait3A_1241 = tpu.memref_squeeze %dma_wait3A_1240 : memref<1x16x1000xi32, #tpu.memory_space<vmem>> -> memref<16x1000xi32, #tpu.memory_space<vmem>>
    %dma_wait3A_1242 = arith.constant 0 : i32
    %dma_wait3A_1243 = tpu.memref_slice %arg4[%add3A_1235, %dma_wait3A_1242] : memref<16384x1000xi32, #tpu.memory_space<hbm>> -> memref<16x1000xi32, #tpu.memory_space<hbm>>
    %dma_wait3A_1244 = tpu.memref_slice %arg8[%dma_wait3A_1237] : memref<4x!tpu.dma_semaphore, #tpu.memory_space<semaphore_mem>> -> memref<1x!tpu.dma_semaphore, #tpu.memory_space<semaphore_mem>>
    %dma_wait3A_1245 = tpu.memref_squeeze %dma_wait3A_1244 : memref<1x!tpu.dma_semaphore, #tpu.memory_space<semaphore_mem>> -> memref<!tpu.dma_semaphore, #tpu.memory_space<semaphore_mem>>
    %dma_wait3A_1246 = arith.constant 0 : i32
    %dma_wait3A_1247 = tpu.memref_slice %arg4[%add3A_1235, %dma_wait3A_1246] : memref<16384x1000xi32, #tpu.memory_space<hbm>> -> memref<16x1000xi32, #tpu.memory_space<hbm>>
    %dma_wait3A_1248 = arith.constant 0 : i32
    %dma_wait3A_1249 = arith.constant 0 : i32
    %dma_wait3A_1250 = tpu.memref_slice %arg6[%dma_wait3A_1236, %dma_wait3A_1248, %dma_wait3A_1249] : memref<4x16x1000xi32, #tpu.memory_space<vmem>> -> memref<1x16x1000xi32, #tpu.memory_space<vmem>>
    %dma_wait3A_1251 = tpu.memref_squeeze %dma_wait3A_1250 : memref<1x16x1000xi32, #tpu.memory_space<vmem>> -> memref<16x1000xi32, #tpu.memory_space<vmem>>
    tpu.wait_dma2 semaphore(%dma_wait3A_1245 : memref<!tpu.dma_semaphore, #tpu.memory_space<semaphore_mem>>) src(%dma_wait3A_1251 : memref<16x1000xi32, #tpu.memory_space<vmem>>) dst(%dma_wait3A_1247 : memref<16x1000xi32, #tpu.memory_space<hbm>>)
    %get3A_1252 = arith.constant 320 : index
    %get3A_1253 = tpu.vector_load %arg5[%get3A_1252] {strides = array<i32>} : memref<512xi32, #tpu.memory_space<vmem>>, vector<16xi32>,
    %add3A_1254 = arith.constant 0 : i32
    %add3A_1255 = vector.broadcast %add3A_1254 : i32 to vector<16xi32>
    %add3A_1256 = arith.addi %iota3A, %add3A_1255 : vector<16xi32>
    %scatter3A_1257 = arith.constant 0 : i32
    %scatter3A_1258 = arith.constant 0 : i32
    %scatter3A_1259 = arith.constant 0 : i32
    %scatter3A_1260 = tpu.memref_slice %arg6[%scatter3A_1257, %scatter3A_1258, %scatter3A_1259] : memref<4x16x1000xi32, #tpu.memory_space<vmem>> -> memref<1x16x1000xi32, #tpu.memory_space<vmem>>
    %scatter3A_1261 = tpu.memref_squeeze %scatter3A_1260 : memref<1x16x1000xi32, #tpu.memory_space<vmem>> -> memref<16x1000xi32, #tpu.memory_space<vmem>>
    tpu.vector_store_idx %scatter3A_1261[%add3A_1256, %get3A_1253], %broadcast_in_dim3A_3 : memref<16x1000xi32, #tpu.memory_space<vmem>>[vector<16xi32>, vector<16xi32>], vector<16xi32>,
    %get3A_1262 = arith.constant 384 : index
    %get3A_1263 = tpu.vector_load %arg5[%get3A_1262] {strides = array<i32>} : memref<512xi32, #tpu.memory_space<vmem>>, vector<16xi32>,
    %add3A_1264 = arith.constant 0 : i32
    %add3A_1265 = vector.broadcast %add3A_1264 : i32 to vector<16xi32>
    %add3A_1266 = arith.addi %iota3A, %add3A_1265 : vector<16xi32>
    %scatter3A_1267 = arith.constant 0 : i32
    %scatter3A_1268 = arith.constant 0 : i32
    %scatter3A_1269 = arith.constant 0 : i32
    %scatter3A_1270 = tpu.memref_slice %arg6[%scatter3A_1267, %scatter3A_1268, %scatter3A_1269] : memref<4x16x1000xi32, #tpu.memory_space<vmem>> -> memref<1x16x1000xi32, #tpu.memory_space<vmem>>
    %scatter3A_1271 = tpu.memref_squeeze %scatter3A_1270 : memref<1x16x1000xi32, #tpu.memory_space<vmem>> -> memref<16x1000xi32, #tpu.memory_space<vmem>>
    tpu.vector_store_idx %scatter3A_1271[%add3A_1266, %get3A_1263], %broadcast_in_dim3A_5 : memref<16x1000xi32, #tpu.memory_space<vmem>>[vector<16xi32>, vector<16xi32>], vector<16xi32>,
    %add3A_1272 = arith.constant 384 : i32
    %add3A_1273 = arith.addi %mul3A_2, %add3A_1272 : i32
    %dma_start3A_1274 = arith.constant 0 : i32
    %dma_start3A_1275 = arith.constant 0 : i32
    %dma_start3A_1276 = arith.constant 0 : i32
    %dma_start3A_1277 = arith.constant 0 : i32
    %dma_start3A_1278 = tpu.memref_slice %arg6[%dma_start3A_1274, %dma_start3A_1276, %dma_start3A_1277] : memref<4x16x1000xi32, #tpu.memory_space<vmem>> -> memref<1x16x1000xi32, #tpu.memory_space<vmem>>
    %dma_start3A_1279 = tpu.memref_squeeze %dma_start3A_1278 : memref<1x16x1000xi32, #tpu.memory_space<vmem>> -> memref<16x1000xi32, #tpu.memory_space<vmem>>
    %dma_start3A_1280 = arith.constant 0 : i32
    %dma_start3A_1281 = tpu.memref_slice %arg4[%add3A_1273, %dma_start3A_1280] : memref<16384x1000xi32, #tpu.memory_space<hbm>> -> memref<16x1000xi32, #tpu.memory_space<hbm>>
    %dma_start3A_1282 = tpu.memref_slice %arg8[%dma_start3A_1275] : memref<4x!tpu.dma_semaphore, #tpu.memory_space<semaphore_mem>> -> memref<1x!tpu.dma_semaphore, #tpu.memory_space<semaphore_mem>>
    %dma_start3A_1283 = tpu.memref_squeeze %dma_start3A_1282 : memref<1x!tpu.dma_semaphore, #tpu.memory_space<semaphore_mem>> -> memref<!tpu.dma_semaphore, #tpu.memory_space<semaphore_mem>>
    %dma_start3A_1284 = arith.constant 0 : i32
    %dma_start3A_1285 = tpu.memref_slice %arg4[%add3A_1273, %dma_start3A_1284] : memref<16384x1000xi32, #tpu.memory_space<hbm>> -> memref<16x1000xi32, #tpu.memory_space<hbm>>
    %dma_start3A_1286 = arith.constant 0 : i32
    %dma_start3A_1287 = arith.constant 0 : i32
    %dma_start3A_1288 = tpu.memref_slice %arg6[%dma_start3A_1274, %dma_start3A_1286, %dma_start3A_1287] : memref<4x16x1000xi32, #tpu.memory_space<vmem>> -> memref<1x16x1000xi32, #tpu.memory_space<vmem>>
    %dma_start3A_1289 = tpu.memref_squeeze %dma_start3A_1288 : memref<1x16x1000xi32, #tpu.memory_space<vmem>> -> memref<16x1000xi32, #tpu.memory_space<vmem>>
    tpu.enqueue_dma source(%dma_start3A_1289 : memref<16x1000xi32, #tpu.memory_space<vmem>>) target(%dma_start3A_1285 : memref<16x1000xi32, #tpu.memory_space<hbm>>) target_semaphore(%dma_start3A_1283 : memref<!tpu.dma_semaphore, #tpu.memory_space<semaphore_mem>>)
    %add3A_1290 = arith.constant 336 : i32
    %add3A_1291 = arith.addi %mul3A_2, %add3A_1290 : i32
    %dma_wait3A_1292 = arith.constant 1 : i32
    %dma_wait3A_1293 = arith.constant 1 : i32
    %dma_wait3A_1294 = arith.constant 0 : i32
    %dma_wait3A_1295 = arith.constant 0 : i32
    %dma_wait3A_1296 = tpu.memref_slice %arg6[%dma_wait3A_1292, %dma_wait3A_1294, %dma_wait3A_1295] : memref<4x16x1000xi32, #tpu.memory_space<vmem>> -> memref<1x16x1000xi32, #tpu.memory_space<vmem>>
    %dma_wait3A_1297 = tpu.memref_squeeze %dma_wait3A_1296 : memref<1x16x1000xi32, #tpu.memory_space<vmem>> -> memref<16x1000xi32, #tpu.memory_space<vmem>>
    %dma_wait3A_1298 = arith.constant 0 : i32
    %dma_wait3A_1299 = tpu.memref_slice %arg4[%add3A_1291, %dma_wait3A_1298] : memref<16384x1000xi32, #tpu.memory_space<hbm>> -> memref<16x1000xi32, #tpu.memory_space<hbm>>
    %dma_wait3A_1300 = tpu.memref_slice %arg8[%dma_wait3A_1293] : memref<4x!tpu.dma_semaphore, #tpu.memory_space<semaphore_mem>> -> memref<1x!tpu.dma_semaphore, #tpu.memory_space<semaphore_mem>>
    %dma_wait3A_1301 = tpu.memref_squeeze %dma_wait3A_1300 : memref<1x!tpu.dma_semaphore, #tpu.memory_space<semaphore_mem>> -> memref<!tpu.dma_semaphore, #tpu.memory_space<semaphore_mem>>
    %dma_wait3A_1302 = arith.constant 0 : i32
    %dma_wait3A_1303 = tpu.memref_slice %arg4[%add3A_1291, %dma_wait3A_1302] : memref<16384x1000xi32, #tpu.memory_space<hbm>> -> memref<16x1000xi32, #tpu.memory_space<hbm>>
    %dma_wait3A_1304 = arith.constant 0 : i32
    %dma_wait3A_1305 = arith.constant 0 : i32
    %dma_wait3A_1306 = tpu.memref_slice %arg6[%dma_wait3A_1292, %dma_wait3A_1304, %dma_wait3A_1305] : memref<4x16x1000xi32, #tpu.memory_space<vmem>> -> memref<1x16x1000xi32, #tpu.memory_space<vmem>>
    %dma_wait3A_1307 = tpu.memref_squeeze %dma_wait3A_1306 : memref<1x16x1000xi32, #tpu.memory_space<vmem>> -> memref<16x1000xi32, #tpu.memory_space<vmem>>
    tpu.wait_dma2 semaphore(%dma_wait3A_1301 : memref<!tpu.dma_semaphore, #tpu.memory_space<semaphore_mem>>) src(%dma_wait3A_1307 : memref<16x1000xi32, #tpu.memory_space<vmem>>) dst(%dma_wait3A_1303 : memref<16x1000xi32, #tpu.memory_space<hbm>>)
    %get3A_1308 = arith.constant 336 : index
    %get3A_1309 = tpu.vector_load %arg5[%get3A_1308] {strides = array<i32>} : memref<512xi32, #tpu.memory_space<vmem>>, vector<16xi32>,
    %add3A_1310 = arith.constant 0 : i32
    %add3A_1311 = vector.broadcast %add3A_1310 : i32 to vector<16xi32>
    %add3A_1312 = arith.addi %iota3A, %add3A_1311 : vector<16xi32>
    %scatter3A_1313 = arith.constant 1 : i32
    %scatter3A_1314 = arith.constant 0 : i32
    %scatter3A_1315 = arith.constant 0 : i32
    %scatter3A_1316 = tpu.memref_slice %arg6[%scatter3A_1313, %scatter3A_1314, %scatter3A_1315] : memref<4x16x1000xi32, #tpu.memory_space<vmem>> -> memref<1x16x1000xi32, #tpu.memory_space<vmem>>
    %scatter3A_1317 = tpu.memref_squeeze %scatter3A_1316 : memref<1x16x1000xi32, #tpu.memory_space<vmem>> -> memref<16x1000xi32, #tpu.memory_space<vmem>>
    tpu.vector_store_idx %scatter3A_1317[%add3A_1312, %get3A_1309], %broadcast_in_dim3A_3 : memref<16x1000xi32, #tpu.memory_space<vmem>>[vector<16xi32>, vector<16xi32>], vector<16xi32>,
    %get3A_1318 = arith.constant 400 : index
    %get3A_1319 = tpu.vector_load %arg5[%get3A_1318] {strides = array<i32>} : memref<512xi32, #tpu.memory_space<vmem>>, vector<16xi32>,
    %add3A_1320 = arith.constant 0 : i32
    %add3A_1321 = vector.broadcast %add3A_1320 : i32 to vector<16xi32>
    %add3A_1322 = arith.addi %iota3A, %add3A_1321 : vector<16xi32>
    %scatter3A_1323 = arith.constant 1 : i32
    %scatter3A_1324 = arith.constant 0 : i32
    %scatter3A_1325 = arith.constant 0 : i32
    %scatter3A_1326 = tpu.memref_slice %arg6[%scatter3A_1323, %scatter3A_1324, %scatter3A_1325] : memref<4x16x1000xi32, #tpu.memory_space<vmem>> -> memref<1x16x1000xi32, #tpu.memory_space<vmem>>
    %scatter3A_1327 = tpu.memref_squeeze %scatter3A_1326 : memref<1x16x1000xi32, #tpu.memory_space<vmem>> -> memref<16x1000xi32, #tpu.memory_space<vmem>>
    tpu.vector_store_idx %scatter3A_1327[%add3A_1322, %get3A_1319], %broadcast_in_dim3A_5 : memref<16x1000xi32, #tpu.memory_space<vmem>>[vector<16xi32>, vector<16xi32>], vector<16xi32>,
    %add3A_1328 = arith.constant 400 : i32
    %add3A_1329 = arith.addi %mul3A_2, %add3A_1328 : i32
    %dma_start3A_1330 = arith.constant 1 : i32
    %dma_start3A_1331 = arith.constant 1 : i32
    %dma_start3A_1332 = arith.constant 0 : i32
    %dma_start3A_1333 = arith.constant 0 : i32
    %dma_start3A_1334 = tpu.memref_slice %arg6[%dma_start3A_1330, %dma_start3A_1332, %dma_start3A_1333] : memref<4x16x1000xi32, #tpu.memory_space<vmem>> -> memref<1x16x1000xi32, #tpu.memory_space<vmem>>
    %dma_start3A_1335 = tpu.memref_squeeze %dma_start3A_1334 : memref<1x16x1000xi32, #tpu.memory_space<vmem>> -> memref<16x1000xi32, #tpu.memory_space<vmem>>
    %dma_start3A_1336 = arith.constant 0 : i32
    %dma_start3A_1337 = tpu.memref_slice %arg4[%add3A_1329, %dma_start3A_1336] : memref<16384x1000xi32, #tpu.memory_space<hbm>> -> memref<16x1000xi32, #tpu.memory_space<hbm>>
    %dma_start3A_1338 = tpu.memref_slice %arg8[%dma_start3A_1331] : memref<4x!tpu.dma_semaphore, #tpu.memory_space<semaphore_mem>> -> memref<1x!tpu.dma_semaphore, #tpu.memory_space<semaphore_mem>>
    %dma_start3A_1339 = tpu.memref_squeeze %dma_start3A_1338 : memref<1x!tpu.dma_semaphore, #tpu.memory_space<semaphore_mem>> -> memref<!tpu.dma_semaphore, #tpu.memory_space<semaphore_mem>>
    %dma_start3A_1340 = arith.constant 0 : i32
    %dma_start3A_1341 = tpu.memref_slice %arg4[%add3A_1329, %dma_start3A_1340] : memref<16384x1000xi32, #tpu.memory_space<hbm>> -> memref<16x1000xi32, #tpu.memory_space<hbm>>
    %dma_start3A_1342 = arith.constant 0 : i32
    %dma_start3A_1343 = arith.constant 0 : i32
    %dma_start3A_1344 = tpu.memref_slice %arg6[%dma_start3A_1330, %dma_start3A_1342, %dma_start3A_1343] : memref<4x16x1000xi32, #tpu.memory_space<vmem>> -> memref<1x16x1000xi32, #tpu.memory_space<vmem>>
    %dma_start3A_1345 = tpu.memref_squeeze %dma_start3A_1344 : memref<1x16x1000xi32, #tpu.memory_space<vmem>> -> memref<16x1000xi32, #tpu.memory_space<vmem>>
    tpu.enqueue_dma source(%dma_start3A_1345 : memref<16x1000xi32, #tpu.memory_space<vmem>>) target(%dma_start3A_1341 : memref<16x1000xi32, #tpu.memory_space<hbm>>) target_semaphore(%dma_start3A_1339 : memref<!tpu.dma_semaphore, #tpu.memory_space<semaphore_mem>>)
    %add3A_1346 = arith.constant 352 : i32
    %add3A_1347 = arith.addi %mul3A_2, %add3A_1346 : i32
    %dma_wait3A_1348 = arith.constant 2 : i32
    %dma_wait3A_1349 = arith.constant 2 : i32
    %dma_wait3A_1350 = arith.constant 0 : i32
    %dma_wait3A_1351 = arith.constant 0 : i32
    %dma_wait3A_1352 = tpu.memref_slice %arg6[%dma_wait3A_1348, %dma_wait3A_1350, %dma_wait3A_1351] : memref<4x16x1000xi32, #tpu.memory_space<vmem>> -> memref<1x16x1000xi32, #tpu.memory_space<vmem>>
    %dma_wait3A_1353 = tpu.memref_squeeze %dma_wait3A_1352 : memref<1x16x1000xi32, #tpu.memory_space<vmem>> -> memref<16x1000xi32, #tpu.memory_space<vmem>>
    %dma_wait3A_1354 = arith.constant 0 : i32
    %dma_wait3A_1355 = tpu.memref_slice %arg4[%add3A_1347, %dma_wait3A_1354] : memref<16384x1000xi32, #tpu.memory_space<hbm>> -> memref<16x1000xi32, #tpu.memory_space<hbm>>
    %dma_wait3A_1356 = tpu.memref_slice %arg8[%dma_wait3A_1349] : memref<4x!tpu.dma_semaphore, #tpu.memory_space<semaphore_mem>> -> memref<1x!tpu.dma_semaphore, #tpu.memory_space<semaphore_mem>>
    %dma_wait3A_1357 = tpu.memref_squeeze %dma_wait3A_1356 : memref<1x!tpu.dma_semaphore, #tpu.memory_space<semaphore_mem>> -> memref<!tpu.dma_semaphore, #tpu.memory_space<semaphore_mem>>
    %dma_wait3A_1358 = arith.constant 0 : i32
    %dma_wait3A_1359 = tpu.memref_slice %arg4[%add3A_1347, %dma_wait3A_1358] : memref<16384x1000xi32, #tpu.memory_space<hbm>> -> memref<16x1000xi32, #tpu.memory_space<hbm>>
    %dma_wait3A_1360 = arith.constant 0 : i32
    %dma_wait3A_1361 = arith.constant 0 : i32
    %dma_wait3A_1362 = tpu.memref_slice %arg6[%dma_wait3A_1348, %dma_wait3A_1360, %dma_wait3A_1361] : memref<4x16x1000xi32, #tpu.memory_space<vmem>> -> memref<1x16x1000xi32, #tpu.memory_space<vmem>>
    %dma_wait3A_1363 = tpu.memref_squeeze %dma_wait3A_1362 : memref<1x16x1000xi32, #tpu.memory_space<vmem>> -> memref<16x1000xi32, #tpu.memory_space<vmem>>
    tpu.wait_dma2 semaphore(%dma_wait3A_1357 : memref<!tpu.dma_semaphore, #tpu.memory_space<semaphore_mem>>) src(%dma_wait3A_1363 : memref<16x1000xi32, #tpu.memory_space<vmem>>) dst(%dma_wait3A_1359 : memref<16x1000xi32, #tpu.memory_space<hbm>>)
    %get3A_1364 = arith.constant 352 : index
    %get3A_1365 = tpu.vector_load %arg5[%get3A_1364] {strides = array<i32>} : memref<512xi32, #tpu.memory_space<vmem>>, vector<16xi32>,
    %add3A_1366 = arith.constant 0 : i32
    %add3A_1367 = vector.broadcast %add3A_1366 : i32 to vector<16xi32>
    %add3A_1368 = arith.addi %iota3A, %add3A_1367 : vector<16xi32>
    %scatter3A_1369 = arith.constant 2 : i32
    %scatter3A_1370 = arith.constant 0 : i32
    %scatter3A_1371 = arith.constant 0 : i32
    %scatter3A_1372 = tpu.memref_slice %arg6[%scatter3A_1369, %scatter3A_1370, %scatter3A_1371] : memref<4x16x1000xi32, #tpu.memory_space<vmem>> -> memref<1x16x1000xi32, #tpu.memory_space<vmem>>
    %scatter3A_1373 = tpu.memref_squeeze %scatter3A_1372 : memref<1x16x1000xi32, #tpu.memory_space<vmem>> -> memref<16x1000xi32, #tpu.memory_space<vmem>>
    tpu.vector_store_idx %scatter3A_1373[%add3A_1368, %get3A_1365], %broadcast_in_dim3A_3 : memref<16x1000xi32, #tpu.memory_space<vmem>>[vector<16xi32>, vector<16xi32>], vector<16xi32>,
    %get3A_1374 = arith.constant 416 : index
    %get3A_1375 = tpu.vector_load %arg5[%get3A_1374] {strides = array<i32>} : memref<512xi32, #tpu.memory_space<vmem>>, vector<16xi32>,
    %add3A_1376 = arith.constant 0 : i32
    %add3A_1377 = vector.broadcast %add3A_1376 : i32 to vector<16xi32>
    %add3A_1378 = arith.addi %iota3A, %add3A_1377 : vector<16xi32>
    %scatter3A_1379 = arith.constant 2 : i32
    %scatter3A_1380 = arith.constant 0 : i32
    %scatter3A_1381 = arith.constant 0 : i32
    %scatter3A_1382 = tpu.memref_slice %arg6[%scatter3A_1379, %scatter3A_1380, %scatter3A_1381] : memref<4x16x1000xi32, #tpu.memory_space<vmem>> -> memref<1x16x1000xi32, #tpu.memory_space<vmem>>
    %scatter3A_1383 = tpu.memref_squeeze %scatter3A_1382 : memref<1x16x1000xi32, #tpu.memory_space<vmem>> -> memref<16x1000xi32, #tpu.memory_space<vmem>>
    tpu.vector_store_idx %scatter3A_1383[%add3A_1378, %get3A_1375], %broadcast_in_dim3A_5 : memref<16x1000xi32, #tpu.memory_space<vmem>>[vector<16xi32>, vector<16xi32>], vector<16xi32>,
    %add3A_1384 = arith.constant 416 : i32
    %add3A_1385 = arith.addi %mul3A_2, %add3A_1384 : i32
    %dma_start3A_1386 = arith.constant 2 : i32
    %dma_start3A_1387 = arith.constant 2 : i32
    %dma_start3A_1388 = arith.constant 0 : i32
    %dma_start3A_1389 = arith.constant 0 : i32
    %dma_start3A_1390 = tpu.memref_slice %arg6[%dma_start3A_1386, %dma_start3A_1388, %dma_start3A_1389] : memref<4x16x1000xi32, #tpu.memory_space<vmem>> -> memref<1x16x1000xi32, #tpu.memory_space<vmem>>
    %dma_start3A_1391 = tpu.memref_squeeze %dma_start3A_1390 : memref<1x16x1000xi32, #tpu.memory_space<vmem>> -> memref<16x1000xi32, #tpu.memory_space<vmem>>
    %dma_start3A_1392 = arith.constant 0 : i32
    %dma_start3A_1393 = tpu.memref_slice %arg4[%add3A_1385, %dma_start3A_1392] : memref<16384x1000xi32, #tpu.memory_space<hbm>> -> memref<16x1000xi32, #tpu.memory_space<hbm>>
    %dma_start3A_1394 = tpu.memref_slice %arg8[%dma_start3A_1387] : memref<4x!tpu.dma_semaphore, #tpu.memory_space<semaphore_mem>> -> memref<1x!tpu.dma_semaphore, #tpu.memory_space<semaphore_mem>>
    %dma_start3A_1395 = tpu.memref_squeeze %dma_start3A_1394 : memref<1x!tpu.dma_semaphore, #tpu.memory_space<semaphore_mem>> -> memref<!tpu.dma_semaphore, #tpu.memory_space<semaphore_mem>>
    %dma_start3A_1396 = arith.constant 0 : i32
    %dma_start3A_1397 = tpu.memref_slice %arg4[%add3A_1385, %dma_start3A_1396] : memref<16384x1000xi32, #tpu.memory_space<hbm>> -> memref<16x1000xi32, #tpu.memory_space<hbm>>
    %dma_start3A_1398 = arith.constant 0 : i32
    %dma_start3A_1399 = arith.constant 0 : i32
    %dma_start3A_1400 = tpu.memref_slice %arg6[%dma_start3A_1386, %dma_start3A_1398, %dma_start3A_1399] : memref<4x16x1000xi32, #tpu.memory_space<vmem>> -> memref<1x16x1000xi32, #tpu.memory_space<vmem>>
    %dma_start3A_1401 = tpu.memref_squeeze %dma_start3A_1400 : memref<1x16x1000xi32, #tpu.memory_space<vmem>> -> memref<16x1000xi32, #tpu.memory_space<vmem>>
    tpu.enqueue_dma source(%dma_start3A_1401 : memref<16x1000xi32, #tpu.memory_space<vmem>>) target(%dma_start3A_1397 : memref<16x1000xi32, #tpu.memory_space<hbm>>) target_semaphore(%dma_start3A_1395 : memref<!tpu.dma_semaphore, #tpu.memory_space<semaphore_mem>>)
    %add3A_1402 = arith.constant 368 : i32
    %add3A_1403 = arith.addi %mul3A_2, %add3A_1402 : i32
    %dma_wait3A_1404 = arith.constant 3 : i32
    %dma_wait3A_1405 = arith.constant 3 : i32
    %dma_wait3A_1406 = arith.constant 0 : i32
    %dma_wait3A_1407 = arith.constant 0 : i32
    %dma_wait3A_1408 = tpu.memref_slice %arg6[%dma_wait3A_1404, %dma_wait3A_1406, %dma_wait3A_1407] : memref<4x16x1000xi32, #tpu.memory_space<vmem>> -> memref<1x16x1000xi32, #tpu.memory_space<vmem>>
    %dma_wait3A_1409 = tpu.memref_squeeze %dma_wait3A_1408 : memref<1x16x1000xi32, #tpu.memory_space<vmem>> -> memref<16x1000xi32, #tpu.memory_space<vmem>>
    %dma_wait3A_1410 = arith.constant 0 : i32
    %dma_wait3A_1411 = tpu.memref_slice %arg4[%add3A_1403, %dma_wait3A_1410] : memref<16384x1000xi32, #tpu.memory_space<hbm>> -> memref<16x1000xi32, #tpu.memory_space<hbm>>
    %dma_wait3A_1412 = tpu.memref_slice %arg8[%dma_wait3A_1405] : memref<4x!tpu.dma_semaphore, #tpu.memory_space<semaphore_mem>> -> memref<1x!tpu.dma_semaphore, #tpu.memory_space<semaphore_mem>>
    %dma_wait3A_1413 = tpu.memref_squeeze %dma_wait3A_1412 : memref<1x!tpu.dma_semaphore, #tpu.memory_space<semaphore_mem>> -> memref<!tpu.dma_semaphore, #tpu.memory_space<semaphore_mem>>
    %dma_wait3A_1414 = arith.constant 0 : i32
    %dma_wait3A_1415 = tpu.memref_slice %arg4[%add3A_1403, %dma_wait3A_1414] : memref<16384x1000xi32, #tpu.memory_space<hbm>> -> memref<16x1000xi32, #tpu.memory_space<hbm>>
    %dma_wait3A_1416 = arith.constant 0 : i32
    %dma_wait3A_1417 = arith.constant 0 : i32
    %dma_wait3A_1418 = tpu.memref_slice %arg6[%dma_wait3A_1404, %dma_wait3A_1416, %dma_wait3A_1417] : memref<4x16x1000xi32, #tpu.memory_space<vmem>> -> memref<1x16x1000xi32, #tpu.memory_space<vmem>>
    %dma_wait3A_1419 = tpu.memref_squeeze %dma_wait3A_1418 : memref<1x16x1000xi32, #tpu.memory_space<vmem>> -> memref<16x1000xi32, #tpu.memory_space<vmem>>
    tpu.wait_dma2 semaphore(%dma_wait3A_1413 : memref<!tpu.dma_semaphore, #tpu.memory_space<semaphore_mem>>) src(%dma_wait3A_1419 : memref<16x1000xi32, #tpu.memory_space<vmem>>) dst(%dma_wait3A_1415 : memref<16x1000xi32, #tpu.memory_space<hbm>>)
    %get3A_1420 = arith.constant 368 : index
    %get3A_1421 = tpu.vector_load %arg5[%get3A_1420] {strides = array<i32>} : memref<512xi32, #tpu.memory_space<vmem>>, vector<16xi32>,
    %add3A_1422 = arith.constant 0 : i32
    %add3A_1423 = vector.broadcast %add3A_1422 : i32 to vector<16xi32>
    %add3A_1424 = arith.addi %iota3A, %add3A_1423 : vector<16xi32>
    %scatter3A_1425 = arith.constant 3 : i32
    %scatter3A_1426 = arith.constant 0 : i32
    %scatter3A_1427 = arith.constant 0 : i32
    %scatter3A_1428 = tpu.memref_slice %arg6[%scatter3A_1425, %scatter3A_1426, %scatter3A_1427] : memref<4x16x1000xi32, #tpu.memory_space<vmem>> -> memref<1x16x1000xi32, #tpu.memory_space<vmem>>
    %scatter3A_1429 = tpu.memref_squeeze %scatter3A_1428 : memref<1x16x1000xi32, #tpu.memory_space<vmem>> -> memref<16x1000xi32, #tpu.memory_space<vmem>>
    tpu.vector_store_idx %scatter3A_1429[%add3A_1424, %get3A_1421], %broadcast_in_dim3A_3 : memref<16x1000xi32, #tpu.memory_space<vmem>>[vector<16xi32>, vector<16xi32>], vector<16xi32>,
    %get3A_1430 = arith.constant 432 : index
    %get3A_1431 = tpu.vector_load %arg5[%get3A_1430] {strides = array<i32>} : memref<512xi32, #tpu.memory_space<vmem>>, vector<16xi32>,
    %add3A_1432 = arith.constant 0 : i32
    %add3A_1433 = vector.broadcast %add3A_1432 : i32 to vector<16xi32>
    %add3A_1434 = arith.addi %iota3A, %add3A_1433 : vector<16xi32>
    %scatter3A_1435 = arith.constant 3 : i32
    %scatter3A_1436 = arith.constant 0 : i32
    %scatter3A_1437 = arith.constant 0 : i32
    %scatter3A_1438 = tpu.memref_slice %arg6[%scatter3A_1435, %scatter3A_1436, %scatter3A_1437] : memref<4x16x1000xi32, #tpu.memory_space<vmem>> -> memref<1x16x1000xi32, #tpu.memory_space<vmem>>
    %scatter3A_1439 = tpu.memref_squeeze %scatter3A_1438 : memref<1x16x1000xi32, #tpu.memory_space<vmem>> -> memref<16x1000xi32, #tpu.memory_space<vmem>>
    tpu.vector_store_idx %scatter3A_1439[%add3A_1434, %get3A_1431], %broadcast_in_dim3A_5 : memref<16x1000xi32, #tpu.memory_space<vmem>>[vector<16xi32>, vector<16xi32>], vector<16xi32>,
    %add3A_1440 = arith.constant 432 : i32
    %add3A_1441 = arith.addi %mul3A_2, %add3A_1440 : i32
    %dma_start3A_1442 = arith.constant 3 : i32
    %dma_start3A_1443 = arith.constant 3 : i32
    %dma_start3A_1444 = arith.constant 0 : i32
    %dma_start3A_1445 = arith.constant 0 : i32
    %dma_start3A_1446 = tpu.memref_slice %arg6[%dma_start3A_1442, %dma_start3A_1444, %dma_start3A_1445] : memref<4x16x1000xi32, #tpu.memory_space<vmem>> -> memref<1x16x1000xi32, #tpu.memory_space<vmem>>
    %dma_start3A_1447 = tpu.memref_squeeze %dma_start3A_1446 : memref<1x16x1000xi32, #tpu.memory_space<vmem>> -> memref<16x1000xi32, #tpu.memory_space<vmem>>
    %dma_start3A_1448 = arith.constant 0 : i32
    %dma_start3A_1449 = tpu.memref_slice %arg4[%add3A_1441, %dma_start3A_1448] : memref<16384x1000xi32, #tpu.memory_space<hbm>> -> memref<16x1000xi32, #tpu.memory_space<hbm>>
    %dma_start3A_1450 = tpu.memref_slice %arg8[%dma_start3A_1443] : memref<4x!tpu.dma_semaphore, #tpu.memory_space<semaphore_mem>> -> memref<1x!tpu.dma_semaphore, #tpu.memory_space<semaphore_mem>>
    %dma_start3A_1451 = tpu.memref_squeeze %dma_start3A_1450 : memref<1x!tpu.dma_semaphore, #tpu.memory_space<semaphore_mem>> -> memref<!tpu.dma_semaphore, #tpu.memory_space<semaphore_mem>>
    %dma_start3A_1452 = arith.constant 0 : i32
    %dma_start3A_1453 = tpu.memref_slice %arg4[%add3A_1441, %dma_start3A_1452] : memref<16384x1000xi32, #tpu.memory_space<hbm>> -> memref<16x1000xi32, #tpu.memory_space<hbm>>
    %dma_start3A_1454 = arith.constant 0 : i32
    %dma_start3A_1455 = arith.constant 0 : i32
    %dma_start3A_1456 = tpu.memref_slice %arg6[%dma_start3A_1442, %dma_start3A_1454, %dma_start3A_1455] : memref<4x16x1000xi32, #tpu.memory_space<vmem>> -> memref<1x16x1000xi32, #tpu.memory_space<vmem>>
    %dma_start3A_1457 = tpu.memref_squeeze %dma_start3A_1456 : memref<1x16x1000xi32, #tpu.memory_space<vmem>> -> memref<16x1000xi32, #tpu.memory_space<vmem>>
    tpu.enqueue_dma source(%dma_start3A_1457 : memref<16x1000xi32, #tpu.memory_space<vmem>>) target(%dma_start3A_1453 : memref<16x1000xi32, #tpu.memory_space<hbm>>) target_semaphore(%dma_start3A_1451 : memref<!tpu.dma_semaphore, #tpu.memory_space<semaphore_mem>>)
    %add3A_1458 = arith.constant 384 : i32
    %add3A_1459 = arith.addi %mul3A_2, %add3A_1458 : i32
    %dma_wait3A_1460 = arith.constant 0 : i32
    %dma_wait3A_1461 = arith.constant 0 : i32
    %dma_wait3A_1462 = arith.constant 0 : i32
    %dma_wait3A_1463 = arith.constant 0 : i32
    %dma_wait3A_1464 = tpu.memref_slice %arg6[%dma_wait3A_1460, %dma_wait3A_1462, %dma_wait3A_1463] : memref<4x16x1000xi32, #tpu.memory_space<vmem>> -> memref<1x16x1000xi32, #tpu.memory_space<vmem>>
    %dma_wait3A_1465 = tpu.memref_squeeze %dma_wait3A_1464 : memref<1x16x1000xi32, #tpu.memory_space<vmem>> -> memref<16x1000xi32, #tpu.memory_space<vmem>>
    %dma_wait3A_1466 = arith.constant 0 : i32
    %dma_wait3A_1467 = tpu.memref_slice %arg4[%add3A_1459, %dma_wait3A_1466] : memref<16384x1000xi32, #tpu.memory_space<hbm>> -> memref<16x1000xi32, #tpu.memory_space<hbm>>
    %dma_wait3A_1468 = tpu.memref_slice %arg8[%dma_wait3A_1461] : memref<4x!tpu.dma_semaphore, #tpu.memory_space<semaphore_mem>> -> memref<1x!tpu.dma_semaphore, #tpu.memory_space<semaphore_mem>>
    %dma_wait3A_1469 = tpu.memref_squeeze %dma_wait3A_1468 : memref<1x!tpu.dma_semaphore, #tpu.memory_space<semaphore_mem>> -> memref<!tpu.dma_semaphore, #tpu.memory_space<semaphore_mem>>
    %dma_wait3A_1470 = arith.constant 0 : i32
    %dma_wait3A_1471 = tpu.memref_slice %arg4[%add3A_1459, %dma_wait3A_1470] : memref<16384x1000xi32, #tpu.memory_space<hbm>> -> memref<16x1000xi32, #tpu.memory_space<hbm>>
    %dma_wait3A_1472 = arith.constant 0 : i32
    %dma_wait3A_1473 = arith.constant 0 : i32
    %dma_wait3A_1474 = tpu.memref_slice %arg6[%dma_wait3A_1460, %dma_wait3A_1472, %dma_wait3A_1473] : memref<4x16x1000xi32, #tpu.memory_space<vmem>> -> memref<1x16x1000xi32, #tpu.memory_space<vmem>>
    %dma_wait3A_1475 = tpu.memref_squeeze %dma_wait3A_1474 : memref<1x16x1000xi32, #tpu.memory_space<vmem>> -> memref<16x1000xi32, #tpu.memory_space<vmem>>
    tpu.wait_dma2 semaphore(%dma_wait3A_1469 : memref<!tpu.dma_semaphore, #tpu.memory_space<semaphore_mem>>) src(%dma_wait3A_1475 : memref<16x1000xi32, #tpu.memory_space<vmem>>) dst(%dma_wait3A_1471 : memref<16x1000xi32, #tpu.memory_space<hbm>>)
    %get3A_1476 = arith.constant 384 : index
    %get3A_1477 = tpu.vector_load %arg5[%get3A_1476] {strides = array<i32>} : memref<512xi32, #tpu.memory_space<vmem>>, vector<16xi32>,
    %add3A_1478 = arith.constant 0 : i32
    %add3A_1479 = vector.broadcast %add3A_1478 : i32 to vector<16xi32>
    %add3A_1480 = arith.addi %iota3A, %add3A_1479 : vector<16xi32>
    %scatter3A_1481 = arith.constant 0 : i32
    %scatter3A_1482 = arith.constant 0 : i32
    %scatter3A_1483 = arith.constant 0 : i32
    %scatter3A_1484 = tpu.memref_slice %arg6[%scatter3A_1481, %scatter3A_1482, %scatter3A_1483] : memref<4x16x1000xi32, #tpu.memory_space<vmem>> -> memref<1x16x1000xi32, #tpu.memory_space<vmem>>
    %scatter3A_1485 = tpu.memref_squeeze %scatter3A_1484 : memref<1x16x1000xi32, #tpu.memory_space<vmem>> -> memref<16x1000xi32, #tpu.memory_space<vmem>>
    tpu.vector_store_idx %scatter3A_1485[%add3A_1480, %get3A_1477], %broadcast_in_dim3A_3 : memref<16x1000xi32, #tpu.memory_space<vmem>>[vector<16xi32>, vector<16xi32>], vector<16xi32>,
    %get3A_1486 = arith.constant 448 : index
    %get3A_1487 = tpu.vector_load %arg5[%get3A_1486] {strides = array<i32>} : memref<512xi32, #tpu.memory_space<vmem>>, vector<16xi32>,
    %add3A_1488 = arith.constant 0 : i32
    %add3A_1489 = vector.broadcast %add3A_1488 : i32 to vector<16xi32>
    %add3A_1490 = arith.addi %iota3A, %add3A_1489 : vector<16xi32>
    %scatter3A_1491 = arith.constant 0 : i32
    %scatter3A_1492 = arith.constant 0 : i32
    %scatter3A_1493 = arith.constant 0 : i32
    %scatter3A_1494 = tpu.memref_slice %arg6[%scatter3A_1491, %scatter3A_1492, %scatter3A_1493] : memref<4x16x1000xi32, #tpu.memory_space<vmem>> -> memref<1x16x1000xi32, #tpu.memory_space<vmem>>
    %scatter3A_1495 = tpu.memref_squeeze %scatter3A_1494 : memref<1x16x1000xi32, #tpu.memory_space<vmem>> -> memref<16x1000xi32, #tpu.memory_space<vmem>>
    tpu.vector_store_idx %scatter3A_1495[%add3A_1490, %get3A_1487], %broadcast_in_dim3A_5 : memref<16x1000xi32, #tpu.memory_space<vmem>>[vector<16xi32>, vector<16xi32>], vector<16xi32>,
    %add3A_1496 = arith.constant 448 : i32
    %add3A_1497 = arith.addi %mul3A_2, %add3A_1496 : i32
    %dma_start3A_1498 = arith.constant 0 : i32
    %dma_start3A_1499 = arith.constant 0 : i32
    %dma_start3A_1500 = arith.constant 0 : i32
    %dma_start3A_1501 = arith.constant 0 : i32
    %dma_start3A_1502 = tpu.memref_slice %arg6[%dma_start3A_1498, %dma_start3A_1500, %dma_start3A_1501] : memref<4x16x1000xi32, #tpu.memory_space<vmem>> -> memref<1x16x1000xi32, #tpu.memory_space<vmem>>
    %dma_start3A_1503 = tpu.memref_squeeze %dma_start3A_1502 : memref<1x16x1000xi32, #tpu.memory_space<vmem>> -> memref<16x1000xi32, #tpu.memory_space<vmem>>
    %dma_start3A_1504 = arith.constant 0 : i32
    %dma_start3A_1505 = tpu.memref_slice %arg4[%add3A_1497, %dma_start3A_1504] : memref<16384x1000xi32, #tpu.memory_space<hbm>> -> memref<16x1000xi32, #tpu.memory_space<hbm>>
    %dma_start3A_1506 = tpu.memref_slice %arg8[%dma_start3A_1499] : memref<4x!tpu.dma_semaphore, #tpu.memory_space<semaphore_mem>> -> memref<1x!tpu.dma_semaphore, #tpu.memory_space<semaphore_mem>>
    %dma_start3A_1507 = tpu.memref_squeeze %dma_start3A_1506 : memref<1x!tpu.dma_semaphore, #tpu.memory_space<semaphore_mem>> -> memref<!tpu.dma_semaphore, #tpu.memory_space<semaphore_mem>>
    %dma_start3A_1508 = arith.constant 0 : i32
    %dma_start3A_1509 = tpu.memref_slice %arg4[%add3A_1497, %dma_start3A_1508] : memref<16384x1000xi32, #tpu.memory_space<hbm>> -> memref<16x1000xi32, #tpu.memory_space<hbm>>
    %dma_start3A_1510 = arith.constant 0 : i32
    %dma_start3A_1511 = arith.constant 0 : i32
    %dma_start3A_1512 = tpu.memref_slice %arg6[%dma_start3A_1498, %dma_start3A_1510, %dma_start3A_1511] : memref<4x16x1000xi32, #tpu.memory_space<vmem>> -> memref<1x16x1000xi32, #tpu.memory_space<vmem>>
    %dma_start3A_1513 = tpu.memref_squeeze %dma_start3A_1512 : memref<1x16x1000xi32, #tpu.memory_space<vmem>> -> memref<16x1000xi32, #tpu.memory_space<vmem>>
    tpu.enqueue_dma source(%dma_start3A_1513 : memref<16x1000xi32, #tpu.memory_space<vmem>>) target(%dma_start3A_1509 : memref<16x1000xi32, #tpu.memory_space<hbm>>) target_semaphore(%dma_start3A_1507 : memref<!tpu.dma_semaphore, #tpu.memory_space<semaphore_mem>>)
    %add3A_1514 = arith.constant 400 : i32
    %add3A_1515 = arith.addi %mul3A_2, %add3A_1514 : i32
    %dma_wait3A_1516 = arith.constant 1 : i32
    %dma_wait3A_1517 = arith.constant 1 : i32
    %dma_wait3A_1518 = arith.constant 0 : i32
    %dma_wait3A_1519 = arith.constant 0 : i32
    %dma_wait3A_1520 = tpu.memref_slice %arg6[%dma_wait3A_1516, %dma_wait3A_1518, %dma_wait3A_1519] : memref<4x16x1000xi32, #tpu.memory_space<vmem>> -> memref<1x16x1000xi32, #tpu.memory_space<vmem>>
    %dma_wait3A_1521 = tpu.memref_squeeze %dma_wait3A_1520 : memref<1x16x1000xi32, #tpu.memory_space<vmem>> -> memref<16x1000xi32, #tpu.memory_space<vmem>>
    %dma_wait3A_1522 = arith.constant 0 : i32
    %dma_wait3A_1523 = tpu.memref_slice %arg4[%add3A_1515, %dma_wait3A_1522] : memref<16384x1000xi32, #tpu.memory_space<hbm>> -> memref<16x1000xi32, #tpu.memory_space<hbm>>
    %dma_wait3A_1524 = tpu.memref_slice %arg8[%dma_wait3A_1517] : memref<4x!tpu.dma_semaphore, #tpu.memory_space<semaphore_mem>> -> memref<1x!tpu.dma_semaphore, #tpu.memory_space<semaphore_mem>>
    %dma_wait3A_1525 = tpu.memref_squeeze %dma_wait3A_1524 : memref<1x!tpu.dma_semaphore, #tpu.memory_space<semaphore_mem>> -> memref<!tpu.dma_semaphore, #tpu.memory_space<semaphore_mem>>
    %dma_wait3A_1526 = arith.constant 0 : i32
    %dma_wait3A_1527 = tpu.memref_slice %arg4[%add3A_1515, %dma_wait3A_1526] : memref<16384x1000xi32, #tpu.memory_space<hbm>> -> memref<16x1000xi32, #tpu.memory_space<hbm>>
    %dma_wait3A_1528 = arith.constant 0 : i32
    %dma_wait3A_1529 = arith.constant 0 : i32
    %dma_wait3A_1530 = tpu.memref_slice %arg6[%dma_wait3A_1516, %dma_wait3A_1528, %dma_wait3A_1529] : memref<4x16x1000xi32, #tpu.memory_space<vmem>> -> memref<1x16x1000xi32, #tpu.memory_space<vmem>>
    %dma_wait3A_1531 = tpu.memref_squeeze %dma_wait3A_1530 : memref<1x16x1000xi32, #tpu.memory_space<vmem>> -> memref<16x1000xi32, #tpu.memory_space<vmem>>
    tpu.wait_dma2 semaphore(%dma_wait3A_1525 : memref<!tpu.dma_semaphore, #tpu.memory_space<semaphore_mem>>) src(%dma_wait3A_1531 : memref<16x1000xi32, #tpu.memory_space<vmem>>) dst(%dma_wait3A_1527 : memref<16x1000xi32, #tpu.memory_space<hbm>>)
    %get3A_1532 = arith.constant 400 : index
    %get3A_1533 = tpu.vector_load %arg5[%get3A_1532] {strides = array<i32>} : memref<512xi32, #tpu.memory_space<vmem>>, vector<16xi32>,
    %add3A_1534 = arith.constant 0 : i32
    %add3A_1535 = vector.broadcast %add3A_1534 : i32 to vector<16xi32>
    %add3A_1536 = arith.addi %iota3A, %add3A_1535 : vector<16xi32>
    %scatter3A_1537 = arith.constant 1 : i32
    %scatter3A_1538 = arith.constant 0 : i32
    %scatter3A_1539 = arith.constant 0 : i32
    %scatter3A_1540 = tpu.memref_slice %arg6[%scatter3A_1537, %scatter3A_1538, %scatter3A_1539] : memref<4x16x1000xi32, #tpu.memory_space<vmem>> -> memref<1x16x1000xi32, #tpu.memory_space<vmem>>
    %scatter3A_1541 = tpu.memref_squeeze %scatter3A_1540 : memref<1x16x1000xi32, #tpu.memory_space<vmem>> -> memref<16x1000xi32, #tpu.memory_space<vmem>>
    tpu.vector_store_idx %scatter3A_1541[%add3A_1536, %get3A_1533], %broadcast_in_dim3A_3 : memref<16x1000xi32, #tpu.memory_space<vmem>>[vector<16xi32>, vector<16xi32>], vector<16xi32>,
    %get3A_1542 = arith.constant 464 : index
    %get3A_1543 = tpu.vector_load %arg5[%get3A_1542] {strides = array<i32>} : memref<512xi32, #tpu.memory_space<vmem>>, vector<16xi32>,
    %add3A_1544 = arith.constant 0 : i32
    %add3A_1545 = vector.broadcast %add3A_1544 : i32 to vector<16xi32>
    %add3A_1546 = arith.addi %iota3A, %add3A_1545 : vector<16xi32>
    %scatter3A_1547 = arith.constant 1 : i32
    %scatter3A_1548 = arith.constant 0 : i32
    %scatter3A_1549 = arith.constant 0 : i32
    %scatter3A_1550 = tpu.memref_slice %arg6[%scatter3A_1547, %scatter3A_1548, %scatter3A_1549] : memref<4x16x1000xi32, #tpu.memory_space<vmem>> -> memref<1x16x1000xi32, #tpu.memory_space<vmem>>
    %scatter3A_1551 = tpu.memref_squeeze %scatter3A_1550 : memref<1x16x1000xi32, #tpu.memory_space<vmem>> -> memref<16x1000xi32, #tpu.memory_space<vmem>>
    tpu.vector_store_idx %scatter3A_1551[%add3A_1546, %get3A_1543], %broadcast_in_dim3A_5 : memref<16x1000xi32, #tpu.memory_space<vmem>>[vector<16xi32>, vector<16xi32>], vector<16xi32>,
    %add3A_1552 = arith.constant 464 : i32
    %add3A_1553 = arith.addi %mul3A_2, %add3A_1552 : i32
    %dma_start3A_1554 = arith.constant 1 : i32
    %dma_start3A_1555 = arith.constant 1 : i32
    %dma_start3A_1556 = arith.constant 0 : i32
    %dma_start3A_1557 = arith.constant 0 : i32
    %dma_start3A_1558 = tpu.memref_slice %arg6[%dma_start3A_1554, %dma_start3A_1556, %dma_start3A_1557] : memref<4x16x1000xi32, #tpu.memory_space<vmem>> -> memref<1x16x1000xi32, #tpu.memory_space<vmem>>
    %dma_start3A_1559 = tpu.memref_squeeze %dma_start3A_1558 : memref<1x16x1000xi32, #tpu.memory_space<vmem>> -> memref<16x1000xi32, #tpu.memory_space<vmem>>
    %dma_start3A_1560 = arith.constant 0 : i32
    %dma_start3A_1561 = tpu.memref_slice %arg4[%add3A_1553, %dma_start3A_1560] : memref<16384x1000xi32, #tpu.memory_space<hbm>> -> memref<16x1000xi32, #tpu.memory_space<hbm>>
    %dma_start3A_1562 = tpu.memref_slice %arg8[%dma_start3A_1555] : memref<4x!tpu.dma_semaphore, #tpu.memory_space<semaphore_mem>> -> memref<1x!tpu.dma_semaphore, #tpu.memory_space<semaphore_mem>>
    %dma_start3A_1563 = tpu.memref_squeeze %dma_start3A_1562 : memref<1x!tpu.dma_semaphore, #tpu.memory_space<semaphore_mem>> -> memref<!tpu.dma_semaphore, #tpu.memory_space<semaphore_mem>>
    %dma_start3A_1564 = arith.constant 0 : i32
    %dma_start3A_1565 = tpu.memref_slice %arg4[%add3A_1553, %dma_start3A_1564] : memref<16384x1000xi32, #tpu.memory_space<hbm>> -> memref<16x1000xi32, #tpu.memory_space<hbm>>
    %dma_start3A_1566 = arith.constant 0 : i32
    %dma_start3A_1567 = arith.constant 0 : i32
    %dma_start3A_1568 = tpu.memref_slice %arg6[%dma_start3A_1554, %dma_start3A_1566, %dma_start3A_1567] : memref<4x16x1000xi32, #tpu.memory_space<vmem>> -> memref<1x16x1000xi32, #tpu.memory_space<vmem>>
    %dma_start3A_1569 = tpu.memref_squeeze %dma_start3A_1568 : memref<1x16x1000xi32, #tpu.memory_space<vmem>> -> memref<16x1000xi32, #tpu.memory_space<vmem>>
    tpu.enqueue_dma source(%dma_start3A_1569 : memref<16x1000xi32, #tpu.memory_space<vmem>>) target(%dma_start3A_1565 : memref<16x1000xi32, #tpu.memory_space<hbm>>) target_semaphore(%dma_start3A_1563 : memref<!tpu.dma_semaphore, #tpu.memory_space<semaphore_mem>>)
    %add3A_1570 = arith.constant 416 : i32
    %add3A_1571 = arith.addi %mul3A_2, %add3A_1570 : i32
    %dma_wait3A_1572 = arith.constant 2 : i32
    %dma_wait3A_1573 = arith.constant 2 : i32
    %dma_wait3A_1574 = arith.constant 0 : i32
    %dma_wait3A_1575 = arith.constant 0 : i32
    %dma_wait3A_1576 = tpu.memref_slice %arg6[%dma_wait3A_1572, %dma_wait3A_1574, %dma_wait3A_1575] : memref<4x16x1000xi32, #tpu.memory_space<vmem>> -> memref<1x16x1000xi32, #tpu.memory_space<vmem>>
    %dma_wait3A_1577 = tpu.memref_squeeze %dma_wait3A_1576 : memref<1x16x1000xi32, #tpu.memory_space<vmem>> -> memref<16x1000xi32, #tpu.memory_space<vmem>>
    %dma_wait3A_1578 = arith.constant 0 : i32
    %dma_wait3A_1579 = tpu.memref_slice %arg4[%add3A_1571, %dma_wait3A_1578] : memref<16384x1000xi32, #tpu.memory_space<hbm>> -> memref<16x1000xi32, #tpu.memory_space<hbm>>
    %dma_wait3A_1580 = tpu.memref_slice %arg8[%dma_wait3A_1573] : memref<4x!tpu.dma_semaphore, #tpu.memory_space<semaphore_mem>> -> memref<1x!tpu.dma_semaphore, #tpu.memory_space<semaphore_mem>>
    %dma_wait3A_1581 = tpu.memref_squeeze %dma_wait3A_1580 : memref<1x!tpu.dma_semaphore, #tpu.memory_space<semaphore_mem>> -> memref<!tpu.dma_semaphore, #tpu.memory_space<semaphore_mem>>
    %dma_wait3A_1582 = arith.constant 0 : i32
    %dma_wait3A_1583 = tpu.memref_slice %arg4[%add3A_1571, %dma_wait3A_1582] : memref<16384x1000xi32, #tpu.memory_space<hbm>> -> memref<16x1000xi32, #tpu.memory_space<hbm>>
    %dma_wait3A_1584 = arith.constant 0 : i32
    %dma_wait3A_1585 = arith.constant 0 : i32
    %dma_wait3A_1586 = tpu.memref_slice %arg6[%dma_wait3A_1572, %dma_wait3A_1584, %dma_wait3A_1585] : memref<4x16x1000xi32, #tpu.memory_space<vmem>> -> memref<1x16x1000xi32, #tpu.memory_space<vmem>>
    %dma_wait3A_1587 = tpu.memref_squeeze %dma_wait3A_1586 : memref<1x16x1000xi32, #tpu.memory_space<vmem>> -> memref<16x1000xi32, #tpu.memory_space<vmem>>
    tpu.wait_dma2 semaphore(%dma_wait3A_1581 : memref<!tpu.dma_semaphore, #tpu.memory_space<semaphore_mem>>) src(%dma_wait3A_1587 : memref<16x1000xi32, #tpu.memory_space<vmem>>) dst(%dma_wait3A_1583 : memref<16x1000xi32, #tpu.memory_space<hbm>>)
    %get3A_1588 = arith.constant 416 : index
    %get3A_1589 = tpu.vector_load %arg5[%get3A_1588] {strides = array<i32>} : memref<512xi32, #tpu.memory_space<vmem>>, vector<16xi32>,
    %add3A_1590 = arith.constant 0 : i32
    %add3A_1591 = vector.broadcast %add3A_1590 : i32 to vector<16xi32>
    %add3A_1592 = arith.addi %iota3A, %add3A_1591 : vector<16xi32>
    %scatter3A_1593 = arith.constant 2 : i32
    %scatter3A_1594 = arith.constant 0 : i32
    %scatter3A_1595 = arith.constant 0 : i32
    %scatter3A_1596 = tpu.memref_slice %arg6[%scatter3A_1593, %scatter3A_1594, %scatter3A_1595] : memref<4x16x1000xi32, #tpu.memory_space<vmem>> -> memref<1x16x1000xi32, #tpu.memory_space<vmem>>
    %scatter3A_1597 = tpu.memref_squeeze %scatter3A_1596 : memref<1x16x1000xi32, #tpu.memory_space<vmem>> -> memref<16x1000xi32, #tpu.memory_space<vmem>>
    tpu.vector_store_idx %scatter3A_1597[%add3A_1592, %get3A_1589], %broadcast_in_dim3A_3 : memref<16x1000xi32, #tpu.memory_space<vmem>>[vector<16xi32>, vector<16xi32>], vector<16xi32>,
    %get3A_1598 = arith.constant 480 : index
    %get3A_1599 = tpu.vector_load %arg5[%get3A_1598] {strides = array<i32>} : memref<512xi32, #tpu.memory_space<vmem>>, vector<16xi32>,
    %add3A_1600 = arith.constant 0 : i32
    %add3A_1601 = vector.broadcast %add3A_1600 : i32 to vector<16xi32>
    %add3A_1602 = arith.addi %iota3A, %add3A_1601 : vector<16xi32>
    %scatter3A_1603 = arith.constant 2 : i32
    %scatter3A_1604 = arith.constant 0 : i32
    %scatter3A_1605 = arith.constant 0 : i32
    %scatter3A_1606 = tpu.memref_slice %arg6[%scatter3A_1603, %scatter3A_1604, %scatter3A_1605] : memref<4x16x1000xi32, #tpu.memory_space<vmem>> -> memref<1x16x1000xi32, #tpu.memory_space<vmem>>
    %scatter3A_1607 = tpu.memref_squeeze %scatter3A_1606 : memref<1x16x1000xi32, #tpu.memory_space<vmem>> -> memref<16x1000xi32, #tpu.memory_space<vmem>>
    tpu.vector_store_idx %scatter3A_1607[%add3A_1602, %get3A_1599], %broadcast_in_dim3A_5 : memref<16x1000xi32, #tpu.memory_space<vmem>>[vector<16xi32>, vector<16xi32>], vector<16xi32>,
    %add3A_1608 = arith.constant 480 : i32
    %add3A_1609 = arith.addi %mul3A_2, %add3A_1608 : i32
    %dma_start3A_1610 = arith.constant 2 : i32
    %dma_start3A_1611 = arith.constant 2 : i32
    %dma_start3A_1612 = arith.constant 0 : i32
    %dma_start3A_1613 = arith.constant 0 : i32
    %dma_start3A_1614 = tpu.memref_slice %arg6[%dma_start3A_1610, %dma_start3A_1612, %dma_start3A_1613] : memref<4x16x1000xi32, #tpu.memory_space<vmem>> -> memref<1x16x1000xi32, #tpu.memory_space<vmem>>
    %dma_start3A_1615 = tpu.memref_squeeze %dma_start3A_1614 : memref<1x16x1000xi32, #tpu.memory_space<vmem>> -> memref<16x1000xi32, #tpu.memory_space<vmem>>
    %dma_start3A_1616 = arith.constant 0 : i32
    %dma_start3A_1617 = tpu.memref_slice %arg4[%add3A_1609, %dma_start3A_1616] : memref<16384x1000xi32, #tpu.memory_space<hbm>> -> memref<16x1000xi32, #tpu.memory_space<hbm>>
    %dma_start3A_1618 = tpu.memref_slice %arg8[%dma_start3A_1611] : memref<4x!tpu.dma_semaphore, #tpu.memory_space<semaphore_mem>> -> memref<1x!tpu.dma_semaphore, #tpu.memory_space<semaphore_mem>>
    %dma_start3A_1619 = tpu.memref_squeeze %dma_start3A_1618 : memref<1x!tpu.dma_semaphore, #tpu.memory_space<semaphore_mem>> -> memref<!tpu.dma_semaphore, #tpu.memory_space<semaphore_mem>>
    %dma_start3A_1620 = arith.constant 0 : i32
    %dma_start3A_1621 = tpu.memref_slice %arg4[%add3A_1609, %dma_start3A_1620] : memref<16384x1000xi32, #tpu.memory_space<hbm>> -> memref<16x1000xi32, #tpu.memory_space<hbm>>
    %dma_start3A_1622 = arith.constant 0 : i32
    %dma_start3A_1623 = arith.constant 0 : i32
    %dma_start3A_1624 = tpu.memref_slice %arg6[%dma_start3A_1610, %dma_start3A_1622, %dma_start3A_1623] : memref<4x16x1000xi32, #tpu.memory_space<vmem>> -> memref<1x16x1000xi32, #tpu.memory_space<vmem>>
    %dma_start3A_1625 = tpu.memref_squeeze %dma_start3A_1624 : memref<1x16x1000xi32, #tpu.memory_space<vmem>> -> memref<16x1000xi32, #tpu.memory_space<vmem>>
    tpu.enqueue_dma source(%dma_start3A_1625 : memref<16x1000xi32, #tpu.memory_space<vmem>>) target(%dma_start3A_1621 : memref<16x1000xi32, #tpu.memory_space<hbm>>) target_semaphore(%dma_start3A_1619 : memref<!tpu.dma_semaphore, #tpu.memory_space<semaphore_mem>>)
    %add3A_1626 = arith.constant 432 : i32
    %add3A_1627 = arith.addi %mul3A_2, %add3A_1626 : i32
    %dma_wait3A_1628 = arith.constant 3 : i32
    %dma_wait3A_1629 = arith.constant 3 : i32
    %dma_wait3A_1630 = arith.constant 0 : i32
    %dma_wait3A_1631 = arith.constant 0 : i32
    %dma_wait3A_1632 = tpu.memref_slice %arg6[%dma_wait3A_1628, %dma_wait3A_1630, %dma_wait3A_1631] : memref<4x16x1000xi32, #tpu.memory_space<vmem>> -> memref<1x16x1000xi32, #tpu.memory_space<vmem>>
    %dma_wait3A_1633 = tpu.memref_squeeze %dma_wait3A_1632 : memref<1x16x1000xi32, #tpu.memory_space<vmem>> -> memref<16x1000xi32, #tpu.memory_space<vmem>>
    %dma_wait3A_1634 = arith.constant 0 : i32
    %dma_wait3A_1635 = tpu.memref_slice %arg4[%add3A_1627, %dma_wait3A_1634] : memref<16384x1000xi32, #tpu.memory_space<hbm>> -> memref<16x1000xi32, #tpu.memory_space<hbm>>
    %dma_wait3A_1636 = tpu.memref_slice %arg8[%dma_wait3A_1629] : memref<4x!tpu.dma_semaphore, #tpu.memory_space<semaphore_mem>> -> memref<1x!tpu.dma_semaphore, #tpu.memory_space<semaphore_mem>>
    %dma_wait3A_1637 = tpu.memref_squeeze %dma_wait3A_1636 : memref<1x!tpu.dma_semaphore, #tpu.memory_space<semaphore_mem>> -> memref<!tpu.dma_semaphore, #tpu.memory_space<semaphore_mem>>
    %dma_wait3A_1638 = arith.constant 0 : i32
    %dma_wait3A_1639 = tpu.memref_slice %arg4[%add3A_1627, %dma_wait3A_1638] : memref<16384x1000xi32, #tpu.memory_space<hbm>> -> memref<16x1000xi32, #tpu.memory_space<hbm>>
    %dma_wait3A_1640 = arith.constant 0 : i32
    %dma_wait3A_1641 = arith.constant 0 : i32
    %dma_wait3A_1642 = tpu.memref_slice %arg6[%dma_wait3A_1628, %dma_wait3A_1640, %dma_wait3A_1641] : memref<4x16x1000xi32, #tpu.memory_space<vmem>> -> memref<1x16x1000xi32, #tpu.memory_space<vmem>>
    %dma_wait3A_1643 = tpu.memref_squeeze %dma_wait3A_1642 : memref<1x16x1000xi32, #tpu.memory_space<vmem>> -> memref<16x1000xi32, #tpu.memory_space<vmem>>
    tpu.wait_dma2 semaphore(%dma_wait3A_1637 : memref<!tpu.dma_semaphore, #tpu.memory_space<semaphore_mem>>) src(%dma_wait3A_1643 : memref<16x1000xi32, #tpu.memory_space<vmem>>) dst(%dma_wait3A_1639 : memref<16x1000xi32, #tpu.memory_space<hbm>>)
    %get3A_1644 = arith.constant 432 : index
    %get3A_1645 = tpu.vector_load %arg5[%get3A_1644] {strides = array<i32>} : memref<512xi32, #tpu.memory_space<vmem>>, vector<16xi32>,
    %add3A_1646 = arith.constant 0 : i32
    %add3A_1647 = vector.broadcast %add3A_1646 : i32 to vector<16xi32>
    %add3A_1648 = arith.addi %iota3A, %add3A_1647 : vector<16xi32>
    %scatter3A_1649 = arith.constant 3 : i32
    %scatter3A_1650 = arith.constant 0 : i32
    %scatter3A_1651 = arith.constant 0 : i32
    %scatter3A_1652 = tpu.memref_slice %arg6[%scatter3A_1649, %scatter3A_1650, %scatter3A_1651] : memref<4x16x1000xi32, #tpu.memory_space<vmem>> -> memref<1x16x1000xi32, #tpu.memory_space<vmem>>
    %scatter3A_1653 = tpu.memref_squeeze %scatter3A_1652 : memref<1x16x1000xi32, #tpu.memory_space<vmem>> -> memref<16x1000xi32, #tpu.memory_space<vmem>>
    tpu.vector_store_idx %scatter3A_1653[%add3A_1648, %get3A_1645], %broadcast_in_dim3A_3 : memref<16x1000xi32, #tpu.memory_space<vmem>>[vector<16xi32>, vector<16xi32>], vector<16xi32>,
    %get3A_1654 = arith.constant 496 : index
    %get3A_1655 = tpu.vector_load %arg5[%get3A_1654] {strides = array<i32>} : memref<512xi32, #tpu.memory_space<vmem>>, vector<16xi32>,
    %add3A_1656 = arith.constant 0 : i32
    %add3A_1657 = vector.broadcast %add3A_1656 : i32 to vector<16xi32>
    %add3A_1658 = arith.addi %iota3A, %add3A_1657 : vector<16xi32>
    %scatter3A_1659 = arith.constant 3 : i32
    %scatter3A_1660 = arith.constant 0 : i32
    %scatter3A_1661 = arith.constant 0 : i32
    %scatter3A_1662 = tpu.memref_slice %arg6[%scatter3A_1659, %scatter3A_1660, %scatter3A_1661] : memref<4x16x1000xi32, #tpu.memory_space<vmem>> -> memref<1x16x1000xi32, #tpu.memory_space<vmem>>
    %scatter3A_1663 = tpu.memref_squeeze %scatter3A_1662 : memref<1x16x1000xi32, #tpu.memory_space<vmem>> -> memref<16x1000xi32, #tpu.memory_space<vmem>>
    tpu.vector_store_idx %scatter3A_1663[%add3A_1658, %get3A_1655], %broadcast_in_dim3A_5 : memref<16x1000xi32, #tpu.memory_space<vmem>>[vector<16xi32>, vector<16xi32>], vector<16xi32>,
    %add3A_1664 = arith.constant 496 : i32
    %add3A_1665 = arith.addi %mul3A_2, %add3A_1664 : i32
    %dma_start3A_1666 = arith.constant 3 : i32
    %dma_start3A_1667 = arith.constant 3 : i32
    %dma_start3A_1668 = arith.constant 0 : i32
    %dma_start3A_1669 = arith.constant 0 : i32
    %dma_start3A_1670 = tpu.memref_slice %arg6[%dma_start3A_1666, %dma_start3A_1668, %dma_start3A_1669] : memref<4x16x1000xi32, #tpu.memory_space<vmem>> -> memref<1x16x1000xi32, #tpu.memory_space<vmem>>
    %dma_start3A_1671 = tpu.memref_squeeze %dma_start3A_1670 : memref<1x16x1000xi32, #tpu.memory_space<vmem>> -> memref<16x1000xi32, #tpu.memory_space<vmem>>
    %dma_start3A_1672 = arith.constant 0 : i32
    %dma_start3A_1673 = tpu.memref_slice %arg4[%add3A_1665, %dma_start3A_1672] : memref<16384x1000xi32, #tpu.memory_space<hbm>> -> memref<16x1000xi32, #tpu.memory_space<hbm>>
    %dma_start3A_1674 = tpu.memref_slice %arg8[%dma_start3A_1667] : memref<4x!tpu.dma_semaphore, #tpu.memory_space<semaphore_mem>> -> memref<1x!tpu.dma_semaphore, #tpu.memory_space<semaphore_mem>>
    %dma_start3A_1675 = tpu.memref_squeeze %dma_start3A_1674 : memref<1x!tpu.dma_semaphore, #tpu.memory_space<semaphore_mem>> -> memref<!tpu.dma_semaphore, #tpu.memory_space<semaphore_mem>>
    %dma_start3A_1676 = arith.constant 0 : i32
    %dma_start3A_1677 = tpu.memref_slice %arg4[%add3A_1665, %dma_start3A_1676] : memref<16384x1000xi32, #tpu.memory_space<hbm>> -> memref<16x1000xi32, #tpu.memory_space<hbm>>
    %dma_start3A_1678 = arith.constant 0 : i32
    %dma_start3A_1679 = arith.constant 0 : i32
    %dma_start3A_1680 = tpu.memref_slice %arg6[%dma_start3A_1666, %dma_start3A_1678, %dma_start3A_1679] : memref<4x16x1000xi32, #tpu.memory_space<vmem>> -> memref<1x16x1000xi32, #tpu.memory_space<vmem>>
    %dma_start3A_1681 = tpu.memref_squeeze %dma_start3A_1680 : memref<1x16x1000xi32, #tpu.memory_space<vmem>> -> memref<16x1000xi32, #tpu.memory_space<vmem>>
    tpu.enqueue_dma source(%dma_start3A_1681 : memref<16x1000xi32, #tpu.memory_space<vmem>>) target(%dma_start3A_1677 : memref<16x1000xi32, #tpu.memory_space<hbm>>) target_semaphore(%dma_start3A_1675 : memref<!tpu.dma_semaphore, #tpu.memory_space<semaphore_mem>>)
    %add3A_1682 = arith.constant 448 : i32
    %add3A_1683 = arith.addi %mul3A_2, %add3A_1682 : i32
    %dma_wait3A_1684 = arith.constant 0 : i32
    %dma_wait3A_1685 = arith.constant 0 : i32
    %dma_wait3A_1686 = arith.constant 0 : i32
    %dma_wait3A_1687 = arith.constant 0 : i32
    %dma_wait3A_1688 = tpu.memref_slice %arg6[%dma_wait3A_1684, %dma_wait3A_1686, %dma_wait3A_1687] : memref<4x16x1000xi32, #tpu.memory_space<vmem>> -> memref<1x16x1000xi32, #tpu.memory_space<vmem>>
    %dma_wait3A_1689 = tpu.memref_squeeze %dma_wait3A_1688 : memref<1x16x1000xi32, #tpu.memory_space<vmem>> -> memref<16x1000xi32, #tpu.memory_space<vmem>>
    %dma_wait3A_1690 = arith.constant 0 : i32
    %dma_wait3A_1691 = tpu.memref_slice %arg4[%add3A_1683, %dma_wait3A_1690] : memref<16384x1000xi32, #tpu.memory_space<hbm>> -> memref<16x1000xi32, #tpu.memory_space<hbm>>
    %dma_wait3A_1692 = tpu.memref_slice %arg8[%dma_wait3A_1685] : memref<4x!tpu.dma_semaphore, #tpu.memory_space<semaphore_mem>> -> memref<1x!tpu.dma_semaphore, #tpu.memory_space<semaphore_mem>>
    %dma_wait3A_1693 = tpu.memref_squeeze %dma_wait3A_1692 : memref<1x!tpu.dma_semaphore, #tpu.memory_space<semaphore_mem>> -> memref<!tpu.dma_semaphore, #tpu.memory_space<semaphore_mem>>
    %dma_wait3A_1694 = arith.constant 0 : i32
    %dma_wait3A_1695 = tpu.memref_slice %arg4[%add3A_1683, %dma_wait3A_1694] : memref<16384x1000xi32, #tpu.memory_space<hbm>> -> memref<16x1000xi32, #tpu.memory_space<hbm>>
    %dma_wait3A_1696 = arith.constant 0 : i32
    %dma_wait3A_1697 = arith.constant 0 : i32
    %dma_wait3A_1698 = tpu.memref_slice %arg6[%dma_wait3A_1684, %dma_wait3A_1696, %dma_wait3A_1697] : memref<4x16x1000xi32, #tpu.memory_space<vmem>> -> memref<1x16x1000xi32, #tpu.memory_space<vmem>>
    %dma_wait3A_1699 = tpu.memref_squeeze %dma_wait3A_1698 : memref<1x16x1000xi32, #tpu.memory_space<vmem>> -> memref<16x1000xi32, #tpu.memory_space<vmem>>
    tpu.wait_dma2 semaphore(%dma_wait3A_1693 : memref<!tpu.dma_semaphore, #tpu.memory_space<semaphore_mem>>) src(%dma_wait3A_1699 : memref<16x1000xi32, #tpu.memory_space<vmem>>) dst(%dma_wait3A_1695 : memref<16x1000xi32, #tpu.memory_space<hbm>>)
    %add3A_1700 = arith.constant 464 : i32
    %add3A_1701 = arith.addi %mul3A_2, %add3A_1700 : i32
    %dma_wait3A_1702 = arith.constant 1 : i32
    %dma_wait3A_1703 = arith.constant 1 : i32
    %dma_wait3A_1704 = arith.constant 0 : i32
    %dma_wait3A_1705 = arith.constant 0 : i32
    %dma_wait3A_1706 = tpu.memref_slice %arg6[%dma_wait3A_1702, %dma_wait3A_1704, %dma_wait3A_1705] : memref<4x16x1000xi32, #tpu.memory_space<vmem>> -> memref<1x16x1000xi32, #tpu.memory_space<vmem>>
    %dma_wait3A_1707 = tpu.memref_squeeze %dma_wait3A_1706 : memref<1x16x1000xi32, #tpu.memory_space<vmem>> -> memref<16x1000xi32, #tpu.memory_space<vmem>>
    %dma_wait3A_1708 = arith.constant 0 : i32
    %dma_wait3A_1709 = tpu.memref_slice %arg4[%add3A_1701, %dma_wait3A_1708] : memref<16384x1000xi32, #tpu.memory_space<hbm>> -> memref<16x1000xi32, #tpu.memory_space<hbm>>
    %dma_wait3A_1710 = tpu.memref_slice %arg8[%dma_wait3A_1703] : memref<4x!tpu.dma_semaphore, #tpu.memory_space<semaphore_mem>> -> memref<1x!tpu.dma_semaphore, #tpu.memory_space<semaphore_mem>>
    %dma_wait3A_1711 = tpu.memref_squeeze %dma_wait3A_1710 : memref<1x!tpu.dma_semaphore, #tpu.memory_space<semaphore_mem>> -> memref<!tpu.dma_semaphore, #tpu.memory_space<semaphore_mem>>
    %dma_wait3A_1712 = arith.constant 0 : i32
    %dma_wait3A_1713 = tpu.memref_slice %arg4[%add3A_1701, %dma_wait3A_1712] : memref<16384x1000xi32, #tpu.memory_space<hbm>> -> memref<16x1000xi32, #tpu.memory_space<hbm>>
    %dma_wait3A_1714 = arith.constant 0 : i32
    %dma_wait3A_1715 = arith.constant 0 : i32
    %dma_wait3A_1716 = tpu.memref_slice %arg6[%dma_wait3A_1702, %dma_wait3A_1714, %dma_wait3A_1715] : memref<4x16x1000xi32, #tpu.memory_space<vmem>> -> memref<1x16x1000xi32, #tpu.memory_space<vmem>>
    %dma_wait3A_1717 = tpu.memref_squeeze %dma_wait3A_1716 : memref<1x16x1000xi32, #tpu.memory_space<vmem>> -> memref<16x1000xi32, #tpu.memory_space<vmem>>
    tpu.wait_dma2 semaphore(%dma_wait3A_1711 : memref<!tpu.dma_semaphore, #tpu.memory_space<semaphore_mem>>) src(%dma_wait3A_1717 : memref<16x1000xi32, #tpu.memory_space<vmem>>) dst(%dma_wait3A_1713 : memref<16x1000xi32, #tpu.memory_space<hbm>>)
    %add3A_1718 = arith.constant 480 : i32
    %add3A_1719 = arith.addi %mul3A_2, %add3A_1718 : i32
    %dma_wait3A_1720 = arith.constant 2 : i32
    %dma_wait3A_1721 = arith.constant 2 : i32
    %dma_wait3A_1722 = arith.constant 0 : i32
    %dma_wait3A_1723 = arith.constant 0 : i32
    %dma_wait3A_1724 = tpu.memref_slice %arg6[%dma_wait3A_1720, %dma_wait3A_1722, %dma_wait3A_1723] : memref<4x16x1000xi32, #tpu.memory_space<vmem>> -> memref<1x16x1000xi32, #tpu.memory_space<vmem>>
    %dma_wait3A_1725 = tpu.memref_squeeze %dma_wait3A_1724 : memref<1x16x1000xi32, #tpu.memory_space<vmem>> -> memref<16x1000xi32, #tpu.memory_space<vmem>>
    %dma_wait3A_1726 = arith.constant 0 : i32
    %dma_wait3A_1727 = tpu.memref_slice %arg4[%add3A_1719, %dma_wait3A_1726] : memref<16384x1000xi32, #tpu.memory_space<hbm>> -> memref<16x1000xi32, #tpu.memory_space<hbm>>
    %dma_wait3A_1728 = tpu.memref_slice %arg8[%dma_wait3A_1721] : memref<4x!tpu.dma_semaphore, #tpu.memory_space<semaphore_mem>> -> memref<1x!tpu.dma_semaphore, #tpu.memory_space<semaphore_mem>>
    %dma_wait3A_1729 = tpu.memref_squeeze %dma_wait3A_1728 : memref<1x!tpu.dma_semaphore, #tpu.memory_space<semaphore_mem>> -> memref<!tpu.dma_semaphore, #tpu.memory_space<semaphore_mem>>
    %dma_wait3A_1730 = arith.constant 0 : i32
    %dma_wait3A_1731 = tpu.memref_slice %arg4[%add3A_1719, %dma_wait3A_1730] : memref<16384x1000xi32, #tpu.memory_space<hbm>> -> memref<16x1000xi32, #tpu.memory_space<hbm>>
    %dma_wait3A_1732 = arith.constant 0 : i32
    %dma_wait3A_1733 = arith.constant 0 : i32
    %dma_wait3A_1734 = tpu.memref_slice %arg6[%dma_wait3A_1720, %dma_wait3A_1732, %dma_wait3A_1733] : memref<4x16x1000xi32, #tpu.memory_space<vmem>> -> memref<1x16x1000xi32, #tpu.memory_space<vmem>>
    %dma_wait3A_1735 = tpu.memref_squeeze %dma_wait3A_1734 : memref<1x16x1000xi32, #tpu.memory_space<vmem>> -> memref<16x1000xi32, #tpu.memory_space<vmem>>
    tpu.wait_dma2 semaphore(%dma_wait3A_1729 : memref<!tpu.dma_semaphore, #tpu.memory_space<semaphore_mem>>) src(%dma_wait3A_1735 : memref<16x1000xi32, #tpu.memory_space<vmem>>) dst(%dma_wait3A_1731 : memref<16x1000xi32, #tpu.memory_space<hbm>>)
    %add3A_1736 = arith.constant 496 : i32
    %add3A_1737 = arith.addi %mul3A_2, %add3A_1736 : i32
    %dma_wait3A_1738 = arith.constant 3 : i32
    %dma_wait3A_1739 = arith.constant 3 : i32
    %dma_wait3A_1740 = arith.constant 0 : i32
    %dma_wait3A_1741 = arith.constant 0 : i32
    %dma_wait3A_1742 = tpu.memref_slice %arg6[%dma_wait3A_1738, %dma_wait3A_1740, %dma_wait3A_1741] : memref<4x16x1000xi32, #tpu.memory_space<vmem>> -> memref<1x16x1000xi32, #tpu.memory_space<vmem>>
    %dma_wait3A_1743 = tpu.memref_squeeze %dma_wait3A_1742 : memref<1x16x1000xi32, #tpu.memory_space<vmem>> -> memref<16x1000xi32, #tpu.memory_space<vmem>>
    %dma_wait3A_1744 = arith.constant 0 : i32
    %dma_wait3A_1745 = tpu.memref_slice %arg4[%add3A_1737, %dma_wait3A_1744] : memref<16384x1000xi32, #tpu.memory_space<hbm>> -> memref<16x1000xi32, #tpu.memory_space<hbm>>
    %dma_wait3A_1746 = tpu.memref_slice %arg8[%dma_wait3A_1739] : memref<4x!tpu.dma_semaphore, #tpu.memory_space<semaphore_mem>> -> memref<1x!tpu.dma_semaphore, #tpu.memory_space<semaphore_mem>>
    %dma_wait3A_1747 = tpu.memref_squeeze %dma_wait3A_1746 : memref<1x!tpu.dma_semaphore, #tpu.memory_space<semaphore_mem>> -> memref<!tpu.dma_semaphore, #tpu.memory_space<semaphore_mem>>
    %dma_wait3A_1748 = arith.constant 0 : i32
    %dma_wait3A_1749 = tpu.memref_slice %arg4[%add3A_1737, %dma_wait3A_1748] : memref<16384x1000xi32, #tpu.memory_space<hbm>> -> memref<16x1000xi32, #tpu.memory_space<hbm>>
    %dma_wait3A_1750 = arith.constant 0 : i32
    %dma_wait3A_1751 = arith.constant 0 : i32
    %dma_wait3A_1752 = tpu.memref_slice %arg6[%dma_wait3A_1738, %dma_wait3A_1750, %dma_wait3A_1751] : memref<4x16x1000xi32, #tpu.memory_space<vmem>> -> memref<1x16x1000xi32, #tpu.memory_space<vmem>>
    %dma_wait3A_1753 = tpu.memref_squeeze %dma_wait3A_1752 : memref<1x16x1000xi32, #tpu.memory_space<vmem>> -> memref<16x1000xi32, #tpu.memory_space<vmem>>
    tpu.wait_dma2 semaphore(%dma_wait3A_1747 : memref<!tpu.dma_semaphore, #tpu.memory_space<semaphore_mem>>) src(%dma_wait3A_1753 : memref<16x1000xi32, #tpu.memory_space<vmem>>) dst(%dma_wait3A_1749 : memref<16x1000xi32, #tpu.memory_space<hbm>>)
    return
  }
}

</mosaic_0001>

<sc_bundles>
// kernel: kernel.3.cloned.1.call-start
scs
__scs_entry_jumppad:
0x0: {  	(pc) =	sbr.rel $0x88, $3  }
0x1: {  	(tag) =	ssettag $0x0;
	lr =	simm.s32 $0x1  }
0x2: {  	[smem:$0x3FA0] =	sst lr;
	_ =	strace $0xD0000000  }
0x3: {  	_ = 	snop  }
0x4: {  	_ = 	snop  }
0x5: {  	_ = 	snop  }
0x6: {  	_ = 	snop  }
0x7: {  	_ = 	snop  }
__scs_overlays_trampoline_lowered:
0x8: {  	[smem:$0x3FAF] =	sst s0  }
0x9: {  	[smem:$0x3FB0] =	sst s1  }
0xa: {  	[smem:$0x3FB1] =	sst s2  }
0xb: {  	[smem:$0x3FB2] =	sst s3  }
0xc: {  	[smem:$0x3FB3] =	sst s4  }
0xd: {  	[smem:$0x3FB4] =	sst s5  }
0xe: {  	[smem:$0x3FB5] =	sst s6  }
0xf: {  	[smem:$0x3FB6] =	sst s7  }
0x10: {  	[smem:$0x3FB7] =	sst s8  }
0x11: {  	[smem:$0x3FB8] =	sst s9;
	s0 =	simm.s32 @!p0 $0x0  }
0x12: {  	s1 =	sld [smem:$0x3F9E];
	s0 =	simm.s32 @p0 $0x1  }
0x13: {  	[smem:$0x3FB9] =	sst s0;
	s0 =	simm.s32 @!p1 $0x0  }
0x14: {  	s2 =	sld [smem:$0x3F9D];
	s0 =	simm.s32 @p1 $0x1  }
0x15: {  	[smem:$0x3FBA] =	sst s0;
	s0 =	simm.s32 @!p2 $0x0  }
0x16: {  	s3 =	sld [smem:$0x3FDB];
	s0 =	simm.s32 @p2 $0x1  }
0x17: {  	s4 =	simm.s32 $0x1BF5;
	[smem:$0x3FBC] =	sst s0  }
0x18: {  	s0 =	sld [smem:$0x3F9F];
	_ =	swait.ge [sflag:s4], $0x0  }
0x19: {  	s7 =	sld [smem:$0x3FA0]  }
0x1a: {  	s8 =	sadd.s32 $0xFFFFE003, lr  }
0x1b: {  	s9 =	sadd.s32 $0xFFFFFEF7, lr;
	s5 =	simm.s32 $0xFFFFFFFF;
	p2 =	slt.u32 s8, $0xFFFFF086  }
0x1c: {  	p1 =	slt.u32 s9, $0xF7A;
	s5 =	simm.s32 @!p2 $0x0  }
0x1d: {  	s5 =	simm.s32 @p1 $0x1;
	p0 =	seq.s32 s7, s2  }
0x1e: {  	s7 =	smul.u32 @!p0 $0xF7A, s2;
	p2 =	seq.s32 @!p0 s5, $0x0  }
0x1f: {  	s9 =	smul.u32 $0xF7A, s1;
	s8 =	simm.s32 @!p0 $0x1BF5;
	p2 =	por !p2, p0  }
0x20: {  	[sflag:s8] =	ssyncset.s32 @!p0 $0xFFFFF086;
	s6 =	sadd.s32 @!p0 s3, s7;
	s7 =	simm.s32 @!p0 $0x108  }
0x21: {  	s3 =	sadd.s32 s3, s9;
	s6 =	sadd.s32 @!p0 $0x88, s6;
	s7 =	simm.s32 @p2 $0x1082  }
0x22: {  	[simem:s7], [sflag:s8] =	dma.local @!p0 [hbm:s6], $0xF7A  }
0x23: {  	s9 =	sor.u32 $0xD0000000, s2;
	s6 =	simm.s32 $0x108;
	_ =	swait.ge @!p0 [sflag:s8], $0x0  }
0x24: {  	s3 =	sadd.s32 $0x88, s3;
	s6 =	simm.s32 @!p1 $0x1082;
	[sflag:s4] =	ssyncset.s32 $0xFFFFF086  }
0x25: {  	[simem:s6], [sflag:s4] =	dma.local [hbm:s3], $0xF7A  }
0x26: {  	[smem:$0x3FA0] =	sst s1;
	(tag) =	ssettag s2;
	_ =	strace s9  }
0x27: {  	s1 =	sld [smem:$0x3FB0]  }
0x28: {  	s2 =	sld [smem:$0x3FB1]  }
0x29: {  	s4 =	sld [smem:$0x3FB3]  }
0x2a: {  	p0 =	seq.s32 s5, $0x0;
	s5 =	sld [smem:$0x3FB4]  }
0x2b: {  	s6 =	sld [smem:$0x3FB5]  }
0x2c: {  	s7 =	sld [smem:$0x3FB6]  }
0x2d: {  	s3 =	simm.s32 $0x108;
	s8 =	sld [smem:$0x3FB7]  }
0x2e: {  	s3 =	simm.s32 @!p0 $0x1082;
	s9 =	sld [smem:$0x3FB8]  }
0x2f: {  	lr =	sadd.s32 s0, s3;
	s0 =	sld [smem:$0x3FAF]  }
0x30: {  	s3 =	sld [smem:$0x3FB2]  }
0x31: {  	[smem:$0x3FBB] =	sst s10  }
0x32: {  	s10 =	sld [smem:$0x3FB9];
	_ =	sdelay $0x3  }
0x33: {  	p0 =	seq.s32 s10, $0x1;
	s10 =	sld [smem:$0x3FBB];
	_ =	sdelay $0x3  }
0x34: {  	[smem:$0x3FBB] =	sst s10  }
0x35: {  	s10 =	sld [smem:$0x3FBA];
	_ =	sdelay $0x3  }
0x36: {  	p1 =	seq.s32 s10, $0x1;
	s10 =	sld [smem:$0x3FBB];
	_ =	sdelay $0x3  }
0x37: {  	[smem:$0x3FBB] =	sst s10  }
0x38: {  	s10 =	sld [smem:$0x3FBC]  }
0x39: {  	_ = 	snop;
	(pc) =	sbr.ind lr, $3  }
0x3a: {  	_ = 	snop  }
0x3b: {  	_ = 	snop  }
0x3c: {  	p2 =	seq.s32 s10, $0x1;
	s10 =	sld [smem:$0x3FBB]  }
0x3d: {  	_ =	shalt  }
0x3e: {  	_ =	shalt  }
0x3f: {  	_ =	shalt  }
0x40: {  	_ =	shalt  }
0x41: {  	_ =	shalt  }
0x42: {  	_ =	shalt  }
0x43: {  	_ =	shalt  }
0x44: {  	_ =	shalt  }
0x45: {  	_ =	shalt  }
0x46: {  	_ =	shalt  }
0x47: {  	_ =	shalt  }
0x48: {  	_ =	shalt  }
0x49: {  	_ =	shalt  }
0x4a: {  	_ =	shalt  }
0x4b: {  	_ =	shalt  }
0x4c: {  	_ =	shalt  }
0x4d: {  	_ =	shalt  }
0x4e: {  	_ =	shalt  }
0x4f: {  	_ =	shalt  }
0x50: {  	_ =	shalt  }
0x51: {  	_ =	shalt  }
0x52: {  	_ =	shalt  }
0x53: {  	_ =	shalt  }
0x54: {  	_ =	shalt  }
0x55: {  	_ =	shalt  }
0x56: {  	_ =	shalt  }
0x57: {  	_ =	shalt  }
0x58: {  	_ =	shalt  }
0x59: {  	_ =	shalt  }
0x5a: {  	_ =	shalt  }
0x5b: {  	_ =	shalt  }
0x5c: {  	_ =	shalt  }
0x5d: {  	_ =	shalt  }
0x5e: {  	_ =	shalt  }
0x5f: {  	_ =	shalt  }
0x60: {  	_ =	shalt  }
0x61: {  	_ =	shalt  }
0x62: {  	_ =	shalt  }
0x63: {  	_ =	shalt  }
0x64: {  	_ =	shalt  }
0x65: {  	_ =	shalt  }
0x66: {  	_ =	shalt  }
0x67: {  	_ =	shalt  }
0x68: {  	_ =	shalt  }
0x69: {  	_ =	shalt  }
0x6a: {  	_ =	shalt  }
0x6b: {  	_ =	shalt  }
0x6c: {  	_ =	shalt  }
0x6d: {  	_ =	shalt  }
0x6e: {  	_ =	shalt  }
0x6f: {  	_ =	shalt  }
0x70: {  	_ =	shalt  }
0x71: {  	_ =	shalt  }
0x72: {  	_ =	shalt  }
0x73: {  	_ =	shalt  }
0x74: {  	_ =	shalt  }
0x75: {  	_ =	shalt  }
0x76: {  	_ =	shalt  }
0x77: {  	_ =	shalt  }
0x78: {  	_ =	shalt  }
0x79: {  	_ =	shalt  }
0x7a: {  	_ =	shalt  }
0x7b: {  	_ =	shalt  }
0x7c: {  	_ =	shalt  }
0x7d: {  	_ =	shalt  }
0x7e: {  	_ =	shalt  }
0x7f: {  	_ =	shalt  }
0x80: {  	_ =	shalt  }
0x81: {  	_ =	shalt  }
0x82: {  	_ =	shalt  }
0x83: {  	_ =	shalt  }
0x84: {  	_ =	shalt  }
0x85: {  	_ =	shalt  }
0x86: {  	_ =	shalt  }
0x87: {  	_ =	shalt  }
.Lfunc_end0:
.L_simem_size_0:
called_computation.1_lowered:
.L_overlay_start_0:
0x88: {  	s2 =	sld [smem:$0x3FD9]  }
0x89: {  	s3 =	sld [smem:$0x3FFE];
	_ =	sdelay $0x1  }
0x8a: {  	s1 =	srdreg.scid  }
0x8b: {  	s0 =	sand.u32 $0x1, s1  }
0x8c: {  	s17 =	sshll.u32 s0, $0xA;
	s2 =	sadd.s32 s3, s2  }
0x8d: {  	s2 =	sadd.s32 s2, s17  }
0x8e: {  	[smem:$0x3FC7] =	sst s2  }
0x8f: {  	_ = 	snop  }
0x90: {  	s2 =	sld [smem:$0x3FC9]  }
0x91: {  	s18 =	sld [smem:$0x3FD0];
	(tm) =	ssettm $0x1  }
0x92: {  	s4 =	sld [smem:$0x3FFB];
	_ =	sdelay $0x3  }
0x93: {  	_ =	strace s4  }
0x94: {  	s4 =	sld [smem:$0x3FFC];
	_ =	sdelay $0x3  }
0x95: {  	_ =	strace s4  }
0x96: {  	s4 =	sld [smem:$0x3FFD];
	_ =	sdelay $0x3  }
0x97: {  	_ =	strace s4  }
0x98: {  	_ =	strace $0x8FFFFFFF  }
0x99: {  	s19 =	sld [smem:$0x3FDB];
	_ =	sdelay $0x1  }
0x9a: {  	s5 =	simm.s32 $_scs_section_size  }
0x9b: {  	s6 =	simm.s32 $_size__tile_overlayer_lowered;
	s7 =	simm.s32 $_tile_overlayer_lowered  }
0x9c: {  	s22 =	simm.s32 $0x1BFF;
	s21 =	sshll.u32 s7, $0x1;
	s4 =	sadd.s32 s5, s19  }
0x9d: {  	s8 =	simm.s32 $0x0;
	s20 =	sshll.u32 s6, $0x1;
	s6 =	sadd.s32 s21, s4  }
0x9e: {  	[timem:s8], [sflag:s22] =	dma.local [hbm:s6], s20  }
0x9f: {  	_ =	swait.ge [sflag:s22], s20  }
0xa0: {  	s5 =	ssub.s32 $0x0, s20;
	[sflag:s22] =	ssyncset.done $0x0  }
0xa1: {  	[sflag:s22] =	ssyncadd.s32 s5;
	_ =	sdelay $0x1  }
0xa2: {  	s23 =	simm.s32 $0x1B8B  }
0xa3: {  	_ =	swait.ge [sflag:s23], $0x1  }
0xa4: {  	[sflag:s23] =	ssyncset.done $0x0  }
0xa5: {  	s25 =	simm.s32 $0x1B8E;
	s24 =	sld [smem:$0x3FFE];
	[sflag:s23] =	ssyncadd.s32 $0xFFFFFFFF  }
0xa6: {  	s26 =	simm.s32 $execute0_lowered;
	[smem:$0x3FD2] =	sst s25  }
0xa7: {  	s6 =	sshll.u32 s26, $0x1;
	_ =	strace $0x80000046;
	[dreg:$0x1] =	wrdreg $0xFFFFFFFF  }
0xa8: {  	s28 =	simm.s32 $_size_execute0_lowered;
	s4 =	sadd.s32 s4, s6;
	[dreg:$0x0] =	wrdreg $0x0  }
0xa9: {  	s6 =	sshll.u32 s28, $0x1;
	[dreg:$0x2] =	wrdreg s4  }
0xaa: {  	[dreg:$0x3] =	wrdreg s6  }
0xab: {  	[dreg:$0x4] =	wrdreg $0xC0  }
0xac: {  	_ =	task [dreg:s8], $0x5FFFF  }
0xad: {  	[dreg:$0x1] =	wrdreg $0xFFFFFFFF  }
0xae: {  	[dreg:$0x0] =	wrdreg $0x60  }
0xaf: {  	[dreg:$0x2] =	wrdreg s2  }
0xb0: {  	[dreg:$0x3] =	wrdreg s24  }
0xb1: {  	[dreg:$0x4] =	wrdreg s18  }
0xb2: {  	[dreg:$0x5] =	wrdreg $0x9  }
0xb3: {  	_ =	task.clear_ibuf [dreg:s8], $0x6FFFF;
	_ =	strace $0x90000046  }
0xb4: {  	s29 =	simm.s32 $0x9;
	_ =	strace $0x80000048  }
0xb5: {  	_ =	swait.ge [sflag:s29], $0x1  }
0xb6: {  	[sflag:s29] =	ssyncadd.s32 $0xFFFFFFFF  }
0xb7: {  	_ =	strace $0x90000048  }
0xb8: {  	_ =	sfence  }
0xb9: {  	s30 =	sld [smem:$0x0];
	_ =	sdelay $0x2  }
0xba: {  	s31 =	sshll.u32 s1, $0xD;
	s1 =	sshrl.u32 s1, $0x2  }
0xbb: {  	s3 =	sand.u32 $0x4000, s31;
	s1 =	sadd.s32 s1, s30  }
0xbc: {  	s0 =	sor.u32 s3, s0;
	s1 =	sshll.u32 s1, $0x11  }
0xbd: {  	s0 =	sor.u32 s1, s0  }
0xbe: {  	s0 =	sadd.s32 $0x8F2B, s0  }
0xbf: {  	[sflag:s0] =	ssyncadd.remote.s32 $0x1  }
0xc0: {  	_ =	sfence.sel $0xFFFF  }
0xc1: {  	[dreg:$0x0] =	wrdreg $0xFFFFFFFF;
	(pc) =	sbr.abs _section_cstart, $3  }
0xc2: {  	[dreg:$0x1] =	wrdreg $0xFFFFFFFF  }
0xc3: {  	_ =	task.clear_ibuf [dreg:s8], $0x2FFFF;
	_ =	strace $0x9FFFFFFF  }
0xc4: {  	(tm) =	ssettm $0x7FFFFFFF  }
0xc5: {  	_ =	shalt  }
tec
execute0_lowered:
.L_overlay_start_1:
0x0: {  	(tag) =	ssettag $0x1  }
0x1: {  	s0 =	rddreg [dreg:$0x0]  }
0x2: {  	s3 =	rddreg [dreg:$0x1];
	s2 =	srdreg.scid  }
0x3: {  	s4 =	rddreg [dreg:$0x2];
	s1 =	stileid.u32;
	s5 =	sand.u32 $0x1, s2  }
0x4: {  	s28 =	simm.s32 $0xBD80;
	s6 =	sshll.u32 s1, $0xA;
	s7 =	sshll.u32 s5, $0x9  }
0x5: {  	s29 =	simm.s32 $0x2;
	s2 =	simm.s32 $0x0;
	s6 =	sor.u32 s7, s6  }
0x6: {  	s3 =	sadd.s32 $0x800, s3;
	[smem:$0x7FF] =	sst s2;
	s7 =	smul.u32 $0x3E8, s6  }
0x7: {  	_ =	strace $0x80000047;
	s8 =	sshrl.u32 s6, $0x3;
	s6 =	smul.u32 $0x7D, s6  }
0x8: {  	[dreg:$0x4] =	wrdreg s3;
	s0 =	sadd.s32 s0, s8;
	s9 =	sshrl.u32 s7, $0x3  }
0x9: {  	[dreg:$0x5] =	wrdreg s0;
	s10 =	sadd.s32 s4, s6;
	s20 =	sadd.s32 s4, s9  }
0xa: {  	s30 =	simm.s32 $0x3;
	[dreg:$0x6] =	wrdreg s10;
	s11 =	sadd.s32 $0x7D0, s20  }
0xb: {  	s31 =	simm.s32 $0x4;
	s12 =	sadd.s32 $0xFA0, s20;
	[dreg:$0x7] =	wrdreg s11  }
0xc: {  	s22 =	ssub.s32 $0x2, s5;
	s13 =	sadd.s32 $0x1770, s20;
	[dreg:$0x8] =	wrdreg s12  }
0xd: {  	s24 =	sshrl.u32 s22, $0x1;
	s14 =	sadd.s32 $0x1F40, s20;
	[dreg:$0x9] =	wrdreg s13  }
0xe: {  	s0 =	simm.s32 $0x5;
	s15 =	sadd.s32 $0x2710, s20;
	[dreg:$0xa] =	wrdreg s14  }
0xf: {  	s16 =	sadd.s32 $0x2EE0, s20;
	s17 =	sadd.s32 $0x36B0, s20;
	[dreg:$0xb] =	wrdreg s15  }
0x10: {  	s18 =	sadd.s32 $0x3E80, s20;
	s19 =	sadd.s32 $0x4650, s20;
	[dreg:$0xc] =	wrdreg s16  }
0x11: {  	s21 =	sadd.s32 $0x4E20, s20;
	s23 =	sadd.s32 $0x55F0, s20;
	[dreg:$0xd] =	wrdreg s17  }
0x12: {  	s25 =	sadd.s32 $0x5DC0, s20;
	s26 =	sadd.s32 $0x6590, s20;
	[dreg:$0xe] =	wrdreg s18  }
0x13: {  	s3 =	sadd.s32 $0x6D60, s20;
	s4 =	sadd.s32 $0x7530, s20;
	[dreg:$0xf] =	wrdreg s19  }
0x14: {  	s5 =	sadd.s32 $0x7D00, s20;
	s6 =	sadd.s32 $0x84D0, s20;
	[dreg:$0x10] =	wrdreg s21  }
0x15: {  	s7 =	sadd.s32 $0x8CA0, s20;
	s8 =	sadd.s32 $0x9470, s20;
	[dreg:$0x11] =	wrdreg s23  }
0x16: {  	s9 =	sadd.s32 $0x9C40, s20;
	s10 =	sadd.s32 $0xA410, s20;
	[dreg:$0x12] =	wrdreg s25  }
0x17: {  	s21 =	ssub.s32 s22, s24;
	[dreg:$0x13] =	wrdreg s26;
	s11 =	sadd.s32 $0xABE0, s20  }
0x18: {  	s12 =	sadd.s32 $0xB3B0, s20;
	s13 =	sadd.s32 $0xBB80, s20;
	s14 =	sadd.s32 $0xC350, s20  }
0x19: {  	s15 =	sadd.s32 $0xCB20, s20;
	s16 =	sadd.s32 $0xD2F0, s20;
	s17 =	sadd.s32 $0xDAC0, s20  }
0x1a: {  	s18 =	sadd.s32 $0xE290, s20;
	s19 =	sadd.s32 $0xEA60, s20;
	s20 =	sadd.s32 $0xF230, s20  }
0x1b: {  	v0 =	vlaneseq.u32;
	s22 =	simm.s32 $0x6;
	s23 =	simm.s32 $0x200;
	s24 =	simm.s32 $0x1  }
0x1c: {  	v1 =	vimm.s32 $0x1;
	v2 =	vimm.s32 $0x0;
	v0 =	vmul.u32 $0x3E8, v0;
	s25 =	simm.s32 $0x4080;
	s26 =	simm.s32 $0x7F00;
	s21 =	smax.u32 s21, $0x1  }
.LBB2_1:
0x1d: {  	s1 =	rddreg [dreg:$0x5]  }
0x1e: {  	[tilespmem:s2], [sflag:$0x6] =	stream.linear.gather [hbm4b:s1+s2], $0x200, $0x38;
	[tilespmem:$0xFC00] =	vst v63  }
0x1f: {  	_ =	swait.ge [sflag:s22], $0x200  }
0x20: {  	[sflag:s22] =	ssyncset.done $0x0  }
0x21: {  	s1 =	rddreg [dreg:$0x4];
	[sflag:s22] =	ssyncadd.s32 $0xFFFFFE00  }
0x22: {  	[tilespmem:s23], [sflag:$0x1] =	stream.linear.gather [hbm4b:s1+s2], $0xFA00, $0x38;
	[tilespmem:$0xFC00] =	vst v63  }
0x23: {  	_ =	swait.ge [sflag:s24], $0xFA00  }
0x24: {  	[sflag:s24] =	ssyncset.done $0x0  }
0x25: {  	[sflag:s24] =	ssyncadd.s32 $0xFFFF0600  }
0x26: {  	v3 =	vld [tilespmem:$0x0];
	_ =	sdelay $0x4  }
0x27: {  	v3 =	vadd.s32 v0, v3;
	_ =	sdelay $0x4  }
0x28: {  	s1 =	rddreg [dreg:$0x6];
	[tilespmem:v3+s23+$0x0] =	vst.idx.msk $0xffff, v1  }
0x29: {  	[hbm4b:s1+s2] =	stream.linear.scatter [tilespmem:s23], [sflag:$0x2], $0x3E80, $0x38;
	[tilespmem:$0xFC00] =	vst v63  }
0x2a: {  	v3 =	vld [tilespmem:$0x10];
	_ =	sdelay $0x4  }
0x2b: {  	v3 =	vadd.s32 v0, v3;
	_ =	sdelay $0x4  }
0x2c: {  	s1 =	rddreg [dreg:$0x7];
	[tilespmem:v3+s25+$0x0] =	vst.idx.msk $0xffff, v1  }
0x2d: {  	[hbm4b:s1+s2] =	stream.linear.scatter [tilespmem:s25], [sflag:$0x3], $0x3E80, $0x38;
	[tilespmem:$0xFC00] =	vst v63  }
0x2e: {  	v3 =	vld [tilespmem:$0x20];
	_ =	sdelay $0x4  }
0x2f: {  	v3 =	vadd.s32 v0, v3;
	_ =	sdelay $0x4  }
0x30: {  	s1 =	rddreg [dreg:$0x8];
	[tilespmem:v3+s26+$0x0] =	vst.idx.msk $0xffff, v1  }
0x31: {  	[hbm4b:s1+s2] =	stream.linear.scatter [tilespmem:s26], [sflag:$0x4], $0x3E80, $0x38;
	[tilespmem:$0xFC00] =	vst v63  }
0x32: {  	v3 =	vld [tilespmem:$0x30];
	_ =	sdelay $0x4  }
0x33: {  	v3 =	vadd.s32 v0, v3;
	_ =	sdelay $0x4  }
0x34: {  	s1 =	rddreg [dreg:$0x9];
	[tilespmem:v3+s28+$0x0] =	vst.idx.msk $0xffff, v1  }
0x35: {  	[hbm4b:s1+s2] =	stream.linear.scatter [tilespmem:s28], [sflag:$0x5], $0x3E80, $0x38;
	[tilespmem:$0xFC00] =	vst v63  }
0x36: {  	_ =	swait.ge [sflag:s29], $0x3E80  }
0x37: {  	[sflag:s29] =	ssyncset.done $0x0  }
0x38: {  	[sflag:s29] =	ssyncadd.s32 $0xFFFFC180  }
0x39: {  	v3 =	vld [tilespmem:$0x0];
	_ =	sdelay $0x4  }
0x3a: {  	v3 =	vadd.s32 v0, v3;
	_ =	sdelay $0x4  }
0x3b: {  	[tilespmem:v3+s23+$0x0] =	vst.idx.msk $0xffff, v2  }
0x3c: {  	v3 =	vld [tilespmem:$0x40];
	_ =	sdelay $0x4  }
0x3d: {  	v3 =	vadd.s32 v0, v3;
	_ =	sdelay $0x4  }
0x3e: {  	s1 =	rddreg [dreg:$0xa];
	[tilespmem:v3+s23+$0x0] =	vst.idx.msk $0xffff, v1  }
0x3f: {  	[hbm4b:s1+s2] =	stream.linear.scatter [tilespmem:s23], [sflag:$0x2], $0x3E80, $0x38;
	[tilespmem:$0xFC00] =	vst v63  }
0x40: {  	_ =	swait.ge [sflag:s30], $0x3E80  }
0x41: {  	[sflag:s30] =	ssyncset.done $0x0  }
0x42: {  	[sflag:s30] =	ssyncadd.s32 $0xFFFFC180  }
0x43: {  	v3 =	vld [tilespmem:$0x10];
	_ =	sdelay $0x4  }
0x44: {  	v3 =	vadd.s32 v0, v3;
	_ =	sdelay $0x4  }
0x45: {  	[tilespmem:v3+s25+$0x0] =	vst.idx.msk $0xffff, v2  }
0x46: {  	v3 =	vld [tilespmem:$0x50];
	_ =	sdelay $0x4  }
0x47: {  	v3 =	vadd.s32 v0, v3;
	_ =	sdelay $0x4  }
0x48: {  	s1 =	rddreg [dreg:$0xb];
	[tilespmem:v3+s25+$0x0] =	vst.idx.msk $0xffff, v1  }
0x49: {  	[hbm4b:s1+s2] =	stream.linear.scatter [tilespmem:s25], [sflag:$0x3], $0x3E80, $0x38;
	[tilespmem:$0xFC00] =	vst v63  }
0x4a: {  	_ =	swait.ge [sflag:s31], $0x3E80  }
0x4b: {  	[sflag:s31] =	ssyncset.done $0x0  }
0x4c: {  	[sflag:s31] =	ssyncadd.s32 $0xFFFFC180  }
0x4d: {  	v3 =	vld [tilespmem:$0x20];
	_ =	sdelay $0x4  }
0x4e: {  	v3 =	vadd.s32 v0, v3;
	_ =	sdelay $0x4  }
0x4f: {  	[tilespmem:v3+s26+$0x0] =	vst.idx.msk $0xffff, v2  }
0x50: {  	v3 =	vld [tilespmem:$0x60];
	_ =	sdelay $0x4  }
0x51: {  	v3 =	vadd.s32 v0, v3;
	_ =	sdelay $0x4  }
0x52: {  	s1 =	rddreg [dreg:$0xc];
	[tilespmem:v3+s26+$0x0] =	vst.idx.msk $0xffff, v1  }
0x53: {  	[hbm4b:s1+s2] =	stream.linear.scatter [tilespmem:s26], [sflag:$0x4], $0x3E80, $0x38;
	[tilespmem:$0xFC00] =	vst v63  }
0x54: {  	_ =	swait.ge [sflag:s0], $0x3E80  }
0x55: {  	[sflag:s0] =	ssyncset.done $0x0  }
0x56: {  	[sflag:s0] =	ssyncadd.s32 $0xFFFFC180  }
0x57: {  	v3 =	vld [tilespmem:$0x30];
	_ =	sdelay $0x4  }
0x58: {  	v3 =	vadd.s32 v0, v3;
	_ =	sdelay $0x4  }
0x59: {  	[tilespmem:v3+s28+$0x0] =	vst.idx.msk $0xffff, v2  }
0x5a: {  	v3 =	vld [tilespmem:$0x70];
	_ =	sdelay $0x4  }
0x5b: {  	v3 =	vadd.s32 v0, v3;
	_ =	sdelay $0x4  }
0x5c: {  	s1 =	rddreg [dreg:$0xd];
	[tilespmem:v3+s28+$0x0] =	vst.idx.msk $0xffff, v1  }
0x5d: {  	[hbm4b:s1+s2] =	stream.linear.scatter [tilespmem:s28], [sflag:$0x5], $0x3E80, $0x38;
	[tilespmem:$0xFC00] =	vst v63  }
0x5e: {  	_ =	swait.ge [sflag:s29], $0x3E80  }
0x5f: {  	[sflag:s29] =	ssyncset.done $0x0  }
0x60: {  	[sflag:s29] =	ssyncadd.s32 $0xFFFFC180  }
0x61: {  	v3 =	vld [tilespmem:$0x40];
	_ =	sdelay $0x4  }
0x62: {  	v3 =	vadd.s32 v0, v3;
	_ =	sdelay $0x4  }
0x63: {  	[tilespmem:v3+s23+$0x0] =	vst.idx.msk $0xffff, v2  }
0x64: {  	v3 =	vld [tilespmem:$0x80];
	_ =	sdelay $0x4  }
0x65: {  	v3 =	vadd.s32 v0, v3;
	_ =	sdelay $0x4  }
0x66: {  	s1 =	rddreg [dreg:$0xe];
	[tilespmem:v3+s23+$0x0] =	vst.idx.msk $0xffff, v1  }
0x67: {  	[hbm4b:s1+s2] =	stream.linear.scatter [tilespmem:s23], [sflag:$0x2], $0x3E80, $0x38;
	[tilespmem:$0xFC00] =	vst v63  }
0x68: {  	_ =	swait.ge [sflag:s30], $0x3E80  }
0x69: {  	[sflag:s30] =	ssyncset.done $0x0  }
0x6a: {  	[sflag:s30] =	ssyncadd.s32 $0xFFFFC180  }
0x6b: {  	v3 =	vld [tilespmem:$0x50];
	_ =	sdelay $0x4  }
0x6c: {  	v3 =	vadd.s32 v0, v3;
	_ =	sdelay $0x4  }
0x6d: {  	[tilespmem:v3+s25+$0x0] =	vst.idx.msk $0xffff, v2  }
0x6e: {  	v3 =	vld [tilespmem:$0x90];
	_ =	sdelay $0x4  }
0x6f: {  	v3 =	vadd.s32 v0, v3;
	_ =	sdelay $0x4  }
0x70: {  	s1 =	rddreg [dreg:$0xf];
	[tilespmem:v3+s25+$0x0] =	vst.idx.msk $0xffff, v1  }
0x71: {  	[hbm4b:s1+s2] =	stream.linear.scatter [tilespmem:s25], [sflag:$0x3], $0x3E80, $0x38;
	[tilespmem:$0xFC00] =	vst v63  }
0x72: {  	_ =	swait.ge [sflag:s31], $0x3E80  }
0x73: {  	[sflag:s31] =	ssyncset.done $0x0  }
0x74: {  	[sflag:s31] =	ssyncadd.s32 $0xFFFFC180  }
0x75: {  	v3 =	vld [tilespmem:$0x60];
	_ =	sdelay $0x4  }
0x76: {  	v3 =	vadd.s32 v0, v3;
	_ =	sdelay $0x4  }
0x77: {  	[tilespmem:v3+s26+$0x0] =	vst.idx.msk $0xffff, v2  }
0x78: {  	v3 =	vld [tilespmem:$0xA0];
	_ =	sdelay $0x4  }
0x79: {  	v3 =	vadd.s32 v0, v3;
	_ =	sdelay $0x4  }
0x7a: {  	s1 =	rddreg [dreg:$0x10];
	[tilespmem:v3+s26+$0x0] =	vst.idx.msk $0xffff, v1  }
0x7b: {  	[hbm4b:s1+s2] =	stream.linear.scatter [tilespmem:s26], [sflag:$0x4], $0x3E80, $0x38;
	[tilespmem:$0xFC00] =	vst v63  }
0x7c: {  	_ =	swait.ge [sflag:s0], $0x3E80  }
0x7d: {  	[sflag:s0] =	ssyncset.done $0x0  }
0x7e: {  	[sflag:s0] =	ssyncadd.s32 $0xFFFFC180  }
0x7f: {  	v3 =	vld [tilespmem:$0x70];
	_ =	sdelay $0x4  }
0x80: {  	v3 =	vadd.s32 v0, v3;
	_ =	sdelay $0x4  }
0x81: {  	[tilespmem:v3+s28+$0x0] =	vst.idx.msk $0xffff, v2  }
0x82: {  	v3 =	vld [tilespmem:$0xB0];
	_ =	sdelay $0x4  }
0x83: {  	v3 =	vadd.s32 v0, v3;
	_ =	sdelay $0x4  }
0x84: {  	s1 =	rddreg [dreg:$0x11];
	[tilespmem:v3+s28+$0x0] =	vst.idx.msk $0xffff, v1  }
0x85: {  	[hbm4b:s1+s2] =	stream.linear.scatter [tilespmem:s28], [sflag:$0x5], $0x3E80, $0x38;
	[tilespmem:$0xFC00] =	vst v63  }
0x86: {  	_ =	swait.ge [sflag:s29], $0x3E80  }
0x87: {  	[sflag:s29] =	ssyncset.done $0x0  }
0x88: {  	[sflag:s29] =	ssyncadd.s32 $0xFFFFC180  }
0x89: {  	v3 =	vld [tilespmem:$0x80];
	_ =	sdelay $0x4  }
0x8a: {  	v3 =	vadd.s32 v0, v3;
	_ =	sdelay $0x4  }
0x8b: {  	[tilespmem:v3+s23+$0x0] =	vst.idx.msk $0xffff, v2  }
0x8c: {  	v3 =	vld [tilespmem:$0xC0];
	_ =	sdelay $0x4  }
0x8d: {  	v3 =	vadd.s32 v0, v3;
	_ =	sdelay $0x4  }
0x8e: {  	s1 =	rddreg [dreg:$0x12];
	[tilespmem:v3+s23+$0x0] =	vst.idx.msk $0xffff, v1  }
0x8f: {  	[hbm4b:s1+s2] =	stream.linear.scatter [tilespmem:s23], [sflag:$0x2], $0x3E80, $0x38;
	[tilespmem:$0xFC00] =	vst v63  }
0x90: {  	_ =	swait.ge [sflag:s30], $0x3E80  }
0x91: {  	[sflag:s30] =	ssyncset.done $0x0  }
0x92: {  	[sflag:s30] =	ssyncadd.s32 $0xFFFFC180  }
0x93: {  	v3 =	vld [tilespmem:$0x90];
	_ =	sdelay $0x4  }
0x94: {  	v3 =	vadd.s32 v0, v3;
	_ =	sdelay $0x4  }
0x95: {  	[tilespmem:v3+s25+$0x0] =	vst.idx.msk $0xffff, v2  }
0x96: {  	v3 =	vld [tilespmem:$0xD0];
	_ =	sdelay $0x4  }
0x97: {  	v3 =	vadd.s32 v0, v3;
	_ =	sdelay $0x4  }
0x98: {  	s1 =	rddreg [dreg:$0x13];
	[tilespmem:v3+s25+$0x0] =	vst.idx.msk $0xffff, v1  }
0x99: {  	[hbm4b:s1+s2] =	stream.linear.scatter [tilespmem:s25], [sflag:$0x3], $0x3E80, $0x38;
	[tilespmem:$0xFC00] =	vst v63  }
0x9a: {  	_ =	swait.ge [sflag:s31], $0x3E80  }
0x9b: {  	[sflag:s31] =	ssyncset.done $0x0  }
0x9c: {  	[sflag:s31] =	ssyncadd.s32 $0xFFFFC180  }
0x9d: {  	v3 =	vld [tilespmem:$0xA0];
	_ =	sdelay $0x4  }
0x9e: {  	v3 =	vadd.s32 v0, v3;
	_ =	sdelay $0x4  }
0x9f: {  	[tilespmem:v3+s26+$0x0] =	vst.idx.msk $0xffff, v2  }
0xa0: {  	v3 =	vld [tilespmem:$0xE0];
	_ =	sdelay $0x4  }
0xa1: {  	v3 =	vadd.s32 v0, v3;
	_ =	sdelay $0x4  }
0xa2: {  	[tilespmem:v3+s26+$0x0] =	vst.idx.msk $0xffff, v1  }
0xa3: {  	[hbm4b:s3+s2] =	stream.linear.scatter [tilespmem:s26], [sflag:$0x4], $0x3E80, $0x38;
	[tilespmem:$0xFC00] =	vst v63  }
0xa4: {  	_ =	swait.ge [sflag:s0], $0x3E80  }
0xa5: {  	[sflag:s0] =	ssyncset.done $0x0  }
0xa6: {  	[sflag:s0] =	ssyncadd.s32 $0xFFFFC180  }
0xa7: {  	v3 =	vld [tilespmem:$0xB0];
	_ =	sdelay $0x4  }
0xa8: {  	v3 =	vadd.s32 v0, v3;
	_ =	sdelay $0x4  }
0xa9: {  	[tilespmem:v3+s28+$0x0] =	vst.idx.msk $0xffff, v2  }
0xaa: {  	v3 =	vld [tilespmem:$0xF0];
	_ =	sdelay $0x4  }
0xab: {  	v3 =	vadd.s32 v0, v3;
	_ =	sdelay $0x4  }
0xac: {  	[tilespmem:v3+s28+$0x0] =	vst.idx.msk $0xffff, v1  }
0xad: {  	[hbm4b:s4+s2] =	stream.linear.scatter [tilespmem:s28], [sflag:$0x5], $0x3E80, $0x38;
	[tilespmem:$0xFC00] =	vst v63  }
0xae: {  	_ =	swait.ge [sflag:s29], $0x3E80  }
0xaf: {  	[sflag:s29] =	ssyncset.done $0x0  }
0xb0: {  	[sflag:s29] =	ssyncadd.s32 $0xFFFFC180  }
0xb1: {  	v3 =	vld [tilespmem:$0xC0];
	_ =	sdelay $0x4  }
0xb2: {  	v3 =	vadd.s32 v0, v3;
	_ =	sdelay $0x4  }
0xb3: {  	[tilespmem:v3+s23+$0x0] =	vst.idx.msk $0xffff, v2  }
0xb4: {  	v3 =	vld [tilespmem:$0x100];
	_ =	sdelay $0x4  }
0xb5: {  	v3 =	vadd.s32 v0, v3;
	_ =	sdelay $0x4  }
0xb6: {  	[tilespmem:v3+s23+$0x0] =	vst.idx.msk $0xffff, v1  }
0xb7: {  	[hbm4b:s5+s2] =	stream.linear.scatter [tilespmem:s23], [sflag:$0x2], $0x3E80, $0x38;
	[tilespmem:$0xFC00] =	vst v63  }
0xb8: {  	_ =	swait.ge [sflag:s30], $0x3E80  }
0xb9: {  	[sflag:s30] =	ssyncset.done $0x0  }
0xba: {  	[sflag:s30] =	ssyncadd.s32 $0xFFFFC180  }
0xbb: {  	v3 =	vld [tilespmem:$0xD0];
	_ =	sdelay $0x4  }
0xbc: {  	v3 =	vadd.s32 v0, v3;
	_ =	sdelay $0x4  }
0xbd: {  	[tilespmem:v3+s25+$0x0] =	vst.idx.msk $0xffff, v2  }
0xbe: {  	v3 =	vld [tilespmem:$0x110];
	_ =	sdelay $0x4  }
0xbf: {  	v3 =	vadd.s32 v0, v3;
	_ =	sdelay $0x4  }
0xc0: {  	[tilespmem:v3+s25+$0x0] =	vst.idx.msk $0xffff, v1  }
0xc1: {  	[hbm4b:s6+s2] =	stream.linear.scatter [tilespmem:s25], [sflag:$0x3], $0x3E80, $0x38;
	[tilespmem:$0xFC00] =	vst v63  }
0xc2: {  	_ =	swait.ge [sflag:s31], $0x3E80  }
0xc3: {  	[sflag:s31] =	ssyncset.done $0x0  }
0xc4: {  	[sflag:s31] =	ssyncadd.s32 $0xFFFFC180  }
0xc5: {  	v3 =	vld [tilespmem:$0xE0];
	_ =	sdelay $0x4  }
0xc6: {  	v3 =	vadd.s32 v0, v3;
	_ =	sdelay $0x4  }
0xc7: {  	[tilespmem:v3+s26+$0x0] =	vst.idx.msk $0xffff, v2  }
0xc8: {  	v3 =	vld [tilespmem:$0x120];
	_ =	sdelay $0x4  }
0xc9: {  	v3 =	vadd.s32 v0, v3;
	_ =	sdelay $0x4  }
0xca: {  	[tilespmem:v3+s26+$0x0] =	vst.idx.msk $0xffff, v1  }
0xcb: {  	[hbm4b:s7+s2] =	stream.linear.scatter [tilespmem:s26], [sflag:$0x4], $0x3E80, $0x38;
	[tilespmem:$0xFC00] =	vst v63  }
0xcc: {  	_ =	swait.ge [sflag:s0], $0x3E80  }
0xcd: {  	[sflag:s0] =	ssyncset.done $0x0  }
0xce: {  	[sflag:s0] =	ssyncadd.s32 $0xFFFFC180  }
0xcf: {  	v3 =	vld [tilespmem:$0xF0];
	_ =	sdelay $0x4  }
0xd0: {  	v3 =	vadd.s32 v0, v3;
	_ =	sdelay $0x4  }
0xd1: {  	[tilespmem:v3+s28+$0x0] =	vst.idx.msk $0xffff, v2  }
0xd2: {  	v3 =	vld [tilespmem:$0x130];
	_ =	sdelay $0x4  }
0xd3: {  	v3 =	vadd.s32 v0, v3;
	_ =	sdelay $0x4  }
0xd4: {  	[tilespmem:v3+s28+$0x0] =	vst.idx.msk $0xffff, v1  }
0xd5: {  	[hbm4b:s8+s2] =	stream.linear.scatter [tilespmem:s28], [sflag:$0x5], $0x3E80, $0x38;
	[tilespmem:$0xFC00] =	vst v63  }
0xd6: {  	_ =	swait.ge [sflag:s29], $0x3E80  }
0xd7: {  	[sflag:s29] =	ssyncset.done $0x0  }
0xd8: {  	[sflag:s29] =	ssyncadd.s32 $0xFFFFC180  }
0xd9: {  	v3 =	vld [tilespmem:$0x100];
	_ =	sdelay $0x4  }
0xda: {  	v3 =	vadd.s32 v0, v3;
	_ =	sdelay $0x4  }
0xdb: {  	[tilespmem:v3+s23+$0x0] =	vst.idx.msk $0xffff, v2  }
0xdc: {  	v3 =	vld [tilespmem:$0x140];
	_ =	sdelay $0x4  }
0xdd: {  	v3 =	vadd.s32 v0, v3;
	_ =	sdelay $0x4  }
0xde: {  	[tilespmem:v3+s23+$0x0] =	vst.idx.msk $0xffff, v1  }
0xdf: {  	[hbm4b:s9+s2] =	stream.linear.scatter [tilespmem:s23], [sflag:$0x2], $0x3E80, $0x38;
	[tilespmem:$0xFC00] =	vst v63  }
0xe0: {  	_ =	swait.ge [sflag:s30], $0x3E80  }
0xe1: {  	[sflag:s30] =	ssyncset.done $0x0  }
0xe2: {  	[sflag:s30] =	ssyncadd.s32 $0xFFFFC180  }
0xe3: {  	v3 =	vld [tilespmem:$0x110];
	_ =	sdelay $0x4  }
0xe4: {  	v3 =	vadd.s32 v0, v3;
	_ =	sdelay $0x4  }
0xe5: {  	[tilespmem:v3+s25+$0x0] =	vst.idx.msk $0xffff, v2  }
0xe6: {  	v3 =	vld [tilespmem:$0x150];
	_ =	sdelay $0x4  }
0xe7: {  	v3 =	vadd.s32 v0, v3;
	_ =	sdelay $0x4  }
0xe8: {  	[tilespmem:v3+s25+$0x0] =	vst.idx.msk $0xffff, v1  }
0xe9: {  	[hbm4b:s10+s2] =	stream.linear.scatter [tilespmem:s25], [sflag:$0x3], $0x3E80, $0x38;
	[tilespmem:$0xFC00] =	vst v63  }
0xea: {  	_ =	swait.ge [sflag:s31], $0x3E80  }
0xeb: {  	[sflag:s31] =	ssyncset.done $0x0  }
0xec: {  	[sflag:s31] =	ssyncadd.s32 $0xFFFFC180  }
0xed: {  	v3 =	vld [tilespmem:$0x120];
	_ =	sdelay $0x4  }
0xee: {  	v3 =	vadd.s32 v0, v3;
	_ =	sdelay $0x4  }
0xef: {  	[tilespmem:v3+s26+$0x0] =	vst.idx.msk $0xffff, v2  }
0xf0: {  	v3 =	vld [tilespmem:$0x160];
	_ =	sdelay $0x4  }
0xf1: {  	v3 =	vadd.s32 v0, v3;
	_ =	sdelay $0x4  }
0xf2: {  	[tilespmem:v3+s26+$0x0] =	vst.idx.msk $0xffff, v1  }
0xf3: {  	[hbm4b:s11+s2] =	stream.linear.scatter [tilespmem:s26], [sflag:$0x4], $0x3E80, $0x38;
	[tilespmem:$0xFC00] =	vst v63  }
0xf4: {  	_ =	swait.ge [sflag:s0], $0x3E80  }
0xf5: {  	[sflag:s0] =	ssyncset.done $0x0  }
0xf6: {  	[sflag:s0] =	ssyncadd.s32 $0xFFFFC180  }
0xf7: {  	v3 =	vld [tilespmem:$0x130];
	_ =	sdelay $0x4  }
0xf8: {  	v3 =	vadd.s32 v0, v3;
	_ =	sdelay $0x4  }
0xf9: {  	[tilespmem:v3+s28+$0x0] =	vst.idx.msk $0xffff, v2  }
0xfa: {  	v3 =	vld [tilespmem:$0x170];
	_ =	sdelay $0x4  }
0xfb: {  	v3 =	vadd.s32 v0, v3;
	_ =	sdelay $0x4  }
0xfc: {  	[tilespmem:v3+s28+$0x0] =	vst.idx.msk $0xffff, v1  }
0xfd: {  	[hbm4b:s12+s2] =	stream.linear.scatter [tilespmem:s28], [sflag:$0x5], $0x3E80, $0x38;
	[tilespmem:$0xFC00] =	vst v63  }
0xfe: {  	_ =	swait.ge [sflag:s29], $0x3E80  }
0xff: {  	[sflag:s29] =	ssyncset.done $0x0  }
0x100: {  	[sflag:s29] =	ssyncadd.s32 $0xFFFFC180  }
0x101: {  	v3 =	vld [tilespmem:$0x140];
	_ =	sdelay $0x4  }
0x102: {  	v3 =	vadd.s32 v0, v3;
	_ =	sdelay $0x4  }
0x103: {  	[tilespmem:v3+s23+$0x0] =	vst.idx.msk $0xffff, v2  }
0x104: {  	v3 =	vld [tilespmem:$0x180];
	_ =	sdelay $0x4  }
0x105: {  	v3 =	vadd.s32 v0, v3;
	_ =	sdelay $0x4  }
0x106: {  	[tilespmem:v3+s23+$0x0] =	vst.idx.msk $0xffff, v1  }
0x107: {  	[hbm4b:s13+s2] =	stream.linear.scatter [tilespmem:s23], [sflag:$0x2], $0x3E80, $0x38;
	[tilespmem:$0xFC00] =	vst v63  }
0x108: {  	_ =	swait.ge [sflag:s30], $0x3E80  }
0x109: {  	[sflag:s30] =	ssyncset.done $0x0  }
0x10a: {  	[sflag:s30] =	ssyncadd.s32 $0xFFFFC180  }
0x10b: {  	v3 =	vld [tilespmem:$0x150];
	_ =	sdelay $0x4  }
0x10c: {  	v3 =	vadd.s32 v0, v3;
	_ =	sdelay $0x4  }
0x10d: {  	[tilespmem:v3+s25+$0x0] =	vst.idx.msk $0xffff, v2  }
0x10e: {  	v3 =	vld [tilespmem:$0x190];
	_ =	sdelay $0x4  }
0x10f: {  	v3 =	vadd.s32 v0, v3;
	_ =	sdelay $0x4  }
0x110: {  	[tilespmem:v3+s25+$0x0] =	vst.idx.msk $0xffff, v1  }
0x111: {  	[hbm4b:s14+s2] =	stream.linear.scatter [tilespmem:s25], [sflag:$0x3], $0x3E80, $0x38;
	[tilespmem:$0xFC00] =	vst v63  }
0x112: {  	_ =	swait.ge [sflag:s31], $0x3E80  }
0x113: {  	[sflag:s31] =	ssyncset.done $0x0  }
0x114: {  	[sflag:s31] =	ssyncadd.s32 $0xFFFFC180  }
0x115: {  	v3 =	vld [tilespmem:$0x160];
	_ =	sdelay $0x4  }
0x116: {  	v3 =	vadd.s32 v0, v3;
	_ =	sdelay $0x4  }
0x117: {  	[tilespmem:v3+s26+$0x0] =	vst.idx.msk $0xffff, v2  }
0x118: {  	v3 =	vld [tilespmem:$0x1A0];
	_ =	sdelay $0x4  }
0x119: {  	v3 =	vadd.s32 v0, v3;
	_ =	sdelay $0x4  }
0x11a: {  	[tilespmem:v3+s26+$0x0] =	vst.idx.msk $0xffff, v1  }
0x11b: {  	[hbm4b:s15+s2] =	stream.linear.scatter [tilespmem:s26], [sflag:$0x4], $0x3E80, $0x38;
	[tilespmem:$0xFC00] =	vst v63  }
0x11c: {  	_ =	swait.ge [sflag:s0], $0x3E80  }
0x11d: {  	[sflag:s0] =	ssyncset.done $0x0  }
0x11e: {  	[sflag:s0] =	ssyncadd.s32 $0xFFFFC180  }
0x11f: {  	v3 =	vld [tilespmem:$0x170];
	_ =	sdelay $0x4  }
0x120: {  	v3 =	vadd.s32 v0, v3;
	_ =	sdelay $0x4  }
0x121: {  	[tilespmem:v3+s28+$0x0] =	vst.idx.msk $0xffff, v2  }
0x122: {  	v3 =	vld [tilespmem:$0x1B0];
	_ =	sdelay $0x4  }
0x123: {  	v3 =	vadd.s32 v0, v3;
	_ =	sdelay $0x4  }
0x124: {  	[tilespmem:v3+s28+$0x0] =	vst.idx.msk $0xffff, v1  }
0x125: {  	[hbm4b:s16+s2] =	stream.linear.scatter [tilespmem:s28], [sflag:$0x5], $0x3E80, $0x38;
	[tilespmem:$0xFC00] =	vst v63  }
0x126: {  	_ =	swait.ge [sflag:s29], $0x3E80  }
0x127: {  	[sflag:s29] =	ssyncset.done $0x0  }
0x128: {  	[sflag:s29] =	ssyncadd.s32 $0xFFFFC180  }
0x129: {  	v3 =	vld [tilespmem:$0x180];
	_ =	sdelay $0x4  }
0x12a: {  	v3 =	vadd.s32 v0, v3;
	_ =	sdelay $0x4  }
0x12b: {  	[tilespmem:v3+s23+$0x0] =	vst.idx.msk $0xffff, v2  }
0x12c: {  	v3 =	vld [tilespmem:$0x1C0];
	_ =	sdelay $0x4  }
0x12d: {  	v3 =	vadd.s32 v0, v3;
	_ =	sdelay $0x4  }
0x12e: {  	[tilespmem:v3+s23+$0x0] =	vst.idx.msk $0xffff, v1  }
0x12f: {  	[hbm4b:s17+s2] =	stream.linear.scatter [tilespmem:s23], [sflag:$0x2], $0x3E80, $0x38;
	[tilespmem:$0xFC00] =	vst v63  }
0x130: {  	_ =	swait.ge [sflag:s30], $0x3E80  }
0x131: {  	[sflag:s30] =	ssyncset.done $0x0  }
0x132: {  	[sflag:s30] =	ssyncadd.s32 $0xFFFFC180  }
0x133: {  	v3 =	vld [tilespmem:$0x190];
	_ =	sdelay $0x4  }
0x134: {  	v3 =	vadd.s32 v0, v3;
	_ =	sdelay $0x4  }
0x135: {  	[tilespmem:v3+s25+$0x0] =	vst.idx.msk $0xffff, v2  }
0x136: {  	v3 =	vld [tilespmem:$0x1D0];
	_ =	sdelay $0x4  }
0x137: {  	v3 =	vadd.s32 v0, v3;
	_ =	sdelay $0x4  }
0x138: {  	[tilespmem:v3+s25+$0x0] =	vst.idx.msk $0xffff, v1  }
0x139: {  	[hbm4b:s18+s2] =	stream.linear.scatter [tilespmem:s25], [sflag:$0x3], $0x3E80, $0x38;
	[tilespmem:$0xFC00] =	vst v63  }
0x13a: {  	_ =	swait.ge [sflag:s31], $0x3E80  }
0x13b: {  	[sflag:s31] =	ssyncset.done $0x0  }
0x13c: {  	[sflag:s31] =	ssyncadd.s32 $0xFFFFC180  }
0x13d: {  	v3 =	vld [tilespmem:$0x1A0];
	_ =	sdelay $0x4  }
0x13e: {  	v3 =	vadd.s32 v0, v3;
	_ =	sdelay $0x4  }
0x13f: {  	[tilespmem:v3+s26+$0x0] =	vst.idx.msk $0xffff, v2  }
0x140: {  	v3 =	vld [tilespmem:$0x1E0];
	_ =	sdelay $0x4  }
0x141: {  	v3 =	vadd.s32 v0, v3;
	_ =	sdelay $0x4  }
0x142: {  	[tilespmem:v3+s26+$0x0] =	vst.idx.msk $0xffff, v1  }
0x143: {  	[hbm4b:s19+s2] =	stream.linear.scatter [tilespmem:s26], [sflag:$0x4], $0x3E80, $0x38;
	[tilespmem:$0xFC00] =	vst v63  }
0x144: {  	_ =	swait.ge [sflag:s0], $0x3E80  }
0x145: {  	[sflag:s0] =	ssyncset.done $0x0  }
0x146: {  	[sflag:s0] =	ssyncadd.s32 $0xFFFFC180  }
0x147: {  	v3 =	vld [tilespmem:$0x1B0];
	_ =	sdelay $0x4  }
0x148: {  	v3 =	vadd.s32 v0, v3;
	_ =	sdelay $0x4  }
0x149: {  	[tilespmem:v3+s28+$0x0] =	vst.idx.msk $0xffff, v2  }
0x14a: {  	v3 =	vld [tilespmem:$0x1F0];
	_ =	sdelay $0x4  }
0x14b: {  	v3 =	vadd.s32 v0, v3;
	_ =	sdelay $0x4  }
0x14c: {  	[tilespmem:v3+s28+$0x0] =	vst.idx.msk $0xffff, v1  }
0x14d: {  	[hbm4b:s20+s2] =	stream.linear.scatter [tilespmem:s28], [sflag:$0x5], $0x3E80, $0x38;
	[tilespmem:$0xFC00] =	vst v63  }
0x14e: {  	_ =	swait.ge [sflag:s29], $0x3E80  }
0x14f: {  	[sflag:s29] =	ssyncset.done $0x0  }
0x150: {  	[sflag:s29] =	ssyncadd.s32 $0xFFFFC180  }
0x151: {  	_ =	swait.ge [sflag:s30], $0x3E80  }
0x152: {  	[sflag:s30] =	ssyncset.done $0x0  }
0x153: {  	[sflag:s30] =	ssyncadd.s32 $0xFFFFC180  }
0x154: {  	p0 =	sne.s32 s21, $0x1;
	_ =	swait.ge [sflag:s31], $0x3E80  }
.Ltmp0:
0x155: {  	[sflag:s31] =	ssyncset.done $0x0;
	(pc) =	sbr.rel @p0 .LBB2_1-.Ltmp0, $4  }
0x156: {  	[sflag:s31] =	ssyncadd.s32 $0xFFFFC180  }
0x157: {  	_ =	swait.ge [sflag:s0], $0x3E80  }
0x158: {  	[sflag:s0] =	ssyncset.done $0x0  }
0x159: {  	s21 =	sadd.s32 $0xFFFFFFFF, s21;
	[sflag:s0] =	ssyncadd.s32 $0xFFFFC180  }
0x15a: {  	_ =	sfence.sel $0x180000  }
0x15b: {  	[bflag:$0x0] =	sbarrier.arrive $0xFFFF  }
0x15c: {  	_ =	strace $0x90000047  }
0x15d: {  	s0 =	stileid.u32;
	[bflag:$0x2] =	sbarrier.arrive $0xFFFF  }
0x15e: {  	p0 =	sne.s32 s0, $0x0;
	s0 =	rddreg [dreg:$0x3]  }
0x15f: {  	s0 =	sadd.s32 @!p0 $0x100000, s0  }
0x160: {  	[sflag:s0] =	ssyncadd.tile.s32 @!p0 $0x1;
	_ =	shalt  }
.Lfunc_end2:
_tile_overlayer_lowered:
.L_overlay_start_2:
0x161: {  	(tag) =	ssettag $0x2  }
0x162: {  	s0 =	rddreg [dreg:$0x0];
	s2 =	stileid.u32  }
0x163: {  	s1 =	rddreg [dreg:$0x1];
	p0 =	sne.s32 s2, $0x0  }
0x164: {  	s3 =	rddreg [dreg:$0x2];
	[bflag:$0x3] =	sbarrier.arrive $0xFFFF;
	s2 =	simm.s32 @!p0 $0x1C06  }
0x165: {  	[timem:s3], [sflag:s2] =	dma.local @!p0 [hbm:s0], s1  }
0x166: {  	s0 =	simm.s32 @!p0 $0x6  }
0x167: {  	_ =	swait.ge @!p0 [sflag:s0], s1  }
0x168: {  	s1 =	ssub.s32 @!p0 $0x0, s1;
	[sflag:s0] =	ssyncset.done @!p0 $0x0  }
0x169: {  	[sflag:s0] =	ssyncadd.s32 @!p0 s1  }
0x16a: {  	[bflag:$0x3] =	sbarrier.arrive $0xFFFF  }
0x16b: {  	_ =	shalt  }

// kernel: sparse-core-data-format-call.cloned.1.call-start
scs
called_computation_lowered:
.L_overlay_start_0:
0x0: {  	s2 =	sld [smem:$0x3FD9]  }
0x1: {  	s3 =	sld [smem:$0x3FFE];
	_ =	sdelay $0x1  }
0x2: {  	s1 =	srdreg.scid  }
0x3: {  	s0 =	sand.u32 $0x1, s1  }
0x4: {  	s18 =	sshll.u32 s0, $0xA;
	s2 =	sadd.s32 s3, s2  }
0x5: {  	s2 =	sadd.s32 s2, s18  }
0x6: {  	[smem:$0x3FC7] =	sst s2  }
0x7: {  	_ = 	snop  }
0x8: {  	s2 =	sld [smem:$0x3FD0];
	(tm) =	ssettm $0x1  }
0x9: {  	s19 =	sld [smem:$0x3FFB];
	_ =	sdelay $0x3  }
0xa: {  	_ =	strace s19  }
0xb: {  	s3 =	sld [smem:$0x3FFC];
	_ =	sdelay $0x3  }
0xc: {  	_ =	strace s3  }
0xd: {  	s3 =	sld [smem:$0x3FFD];
	_ =	sdelay $0x3  }
0xe: {  	_ =	strace s3  }
0xf: {  	_ =	strace $0x8FFFFFFF  }
0x10: {  	s20 =	sld [smem:$0x3FDB];
	_ =	sdelay $0x1  }
0x11: {  	s4 =	simm.s32 $_scs_section_size  }
0x12: {  	s5 =	simm.s32 $_size__tile_overlayer_lowered;
	s6 =	simm.s32 $_tile_overlayer_lowered  }
0x13: {  	s23 =	simm.s32 $0x1BFF;
	s22 =	sshll.u32 s6, $0x1;
	s3 =	sadd.s32 s4, s20  }
0x14: {  	s7 =	simm.s32 $0x0;
	s21 =	sshll.u32 s5, $0x1;
	s5 =	sadd.s32 s22, s3  }
0x15: {  	[timem:s7], [sflag:s23] =	dma.local [hbm:s5], s21  }
0x16: {  	_ =	swait.ge [sflag:s23], s21  }
0x17: {  	s4 =	ssub.s32 $0x0, s21;
	[sflag:s23] =	ssyncset.done $0x0  }
0x18: {  	[sflag:s23] =	ssyncadd.s32 s4;
	_ =	sdelay $0x1  }
0x19: {  	s24 =	simm.s32 $0x1B8B  }
0x1a: {  	_ =	swait.ge [sflag:s24], $0x1  }
0x1b: {  	[sflag:s24] =	ssyncset.done $0x0  }
0x1c: {  	s26 =	simm.s32 $0x1B8E;
	s25 =	sld [smem:$0x3FFE];
	[sflag:s24] =	ssyncadd.s32 $0xFFFFFFFF  }
0x1d: {  	s27 =	simm.s32 $execute0_lowered;
	[smem:$0x3FD2] =	sst s26  }
0x1e: {  	s5 =	sshll.u32 s27, $0x1;
	_ =	strace $0x80000049;
	[dreg:$0x1] =	wrdreg $0xFFFFFFFF  }
0x1f: {  	s28 =	simm.s32 $_size_execute0_lowered;
	s3 =	sadd.s32 s3, s5;
	[dreg:$0x0] =	wrdreg $0x0  }
0x20: {  	s5 =	sshll.u32 s28, $0x1;
	[dreg:$0x2] =	wrdreg s3  }
0x21: {  	[dreg:$0x3] =	wrdreg s5  }
0x22: {  	[dreg:$0x4] =	wrdreg $0xC0  }
0x23: {  	_ =	task [dreg:s7], $0x5FFFF  }
0x24: {  	[dreg:$0x1] =	wrdreg $0xFFFFFFFF  }
0x25: {  	[dreg:$0x0] =	wrdreg $0x60  }
0x26: {  	[dreg:$0x2] =	wrdreg s25  }
0x27: {  	[dreg:$0x3] =	wrdreg s2  }
0x28: {  	[dreg:$0x4] =	wrdreg $0x9  }
0x29: {  	_ =	task.clear_ibuf [dreg:s7], $0x5FFFF;
	_ =	strace $0x90000049  }
0x2a: {  	s29 =	simm.s32 $0x9;
	_ =	strace $0x8000004B  }
0x2b: {  	_ =	swait.ge [sflag:s29], $0x1  }
0x2c: {  	[sflag:s29] =	ssyncadd.s32 $0xFFFFFFFF  }
0x2d: {  	_ =	strace $0x9000004B  }
0x2e: {  	_ =	sfence  }
0x2f: {  	s30 =	sld [smem:$0x0];
	_ =	sdelay $0x2  }
0x30: {  	s31 =	sshll.u32 s1, $0xD;
	s1 =	sshrl.u32 s1, $0x2  }
0x31: {  	s3 =	sand.u32 $0x4000, s31;
	s1 =	sadd.s32 s1, s30  }
0x32: {  	s0 =	sor.u32 s3, s0;
	s1 =	sshll.u32 s1, $0x11  }
0x33: {  	s0 =	sor.u32 s1, s0  }
0x34: {  	s0 =	sadd.s32 $0x8F2B, s0  }
0x35: {  	[sflag:s0] =	ssyncadd.remote.s32 $0x1  }
0x36: {  	_ =	sfence.sel $0xFFFF  }
0x37: {  	[dreg:$0x0] =	wrdreg $0xFFFFFFFF;
	(pc) =	sbr.abs _section_cstart, $3  }
0x38: {  	[dreg:$0x1] =	wrdreg $0xFFFFFFFF  }
0x39: {  	_ =	task.clear_ibuf [dreg:s7], $0x2FFFF;
	_ =	strace $0x9FFFFFFF  }
0x3a: {  	(tm) =	ssettm $0x7FFFFFFF  }
0x3b: {  	_ =	shalt  }
tec
execute0_lowered:
.L_overlay_start_1:
0x0: {  	(tag) =	ssettag $0x1  }
0x1: {  	s0 =	srdreg.scid;
	s5 =	rddreg [dreg:$0x0]  }
0x2: {  	s3 =	rddreg [dreg:$0x1];
	s1 =	sshll.u32 s0, $0x4  }
0x3: {  	s7 =	simm.s32 $0x1;
	s0 =	stileid.u32;
	s1 =	sand.u32 $0x10, s1  }
0x4: {  	s8 =	simm.s32 $0x2;
	s15 =	simm.s32 $0x0;
	s1 =	sor.u32 s0, s1  }
0x5: {  	s14 =	simm.s32 $0x0;
	s9 =	simm.s32 $0x0;
	s2 =	sshll.u32 s1, $0x7  }
0x6: {  	s10 =	simm.s32 $0x0;
	s11 =	simm.s32 $0x0;
	s6 =	ssub.s32 $0x4000, s2  }
0x7: {  	s13 =	simm.s32 $0x0;
	s5 =	sadd.s32 $0x800, s5;
	s4 =	sand.u32 $0xF80, s6  }
.Ltmp0:
0x8: {  	s1 =	rddreg [dreg:$0x2];
	p0 =	sne.s32 s4, $0x0;
	(pc) =	sbr.rel .LBB1_1-.Ltmp0, $4  }
0x9: {  	_ =	strace $0x8000004A;
	s6 =	sshrl.u32 s6, $0xC;
	s7 =	simm.s32 @!p0 $0x0  }
0xa: {  	s12 =	smov.u32 s2;
	s4 =	simm.s32 $0x1;
	s6 =	sadd.s32 s7, s6  }
0xb: {  	[sflag:s4] =	ssyncpa.u1 $0x0;
	p0 =	por $0x0, $0x0;
	s6 =	sshll.u32 s6, $0x3  }
0xc: {  	[sflag:s8] =	ssyncpa.u1 $0x0;
	s8 =	simm.s32 $0x20000;
	s7 =	sor.u32 $0x1, s6  }
.LBB1_4:
0xd: {  	s20 =	sshra.s32 s20, $0x2  }
0xe: {  	s28 =	sand.u32 $0x78, s10;
	s21 =	sshll.u32 s9, $0xE;
	s22 =	sshll.u32 s10, $0x3  }
0xf: {  	s24 =	sshll.u32 s9, $0x7;
	p1 =	sgt.s32 s9, $0x368;
	s30 =	sshra.s32 s9, $0x1F  }
0x10: {  	s26 =	sshra.s32 s10, $0x1F;
	s19 =	sadd.s32 s20, s19;
	s21 =	sand.u32 $0xFFFE0000, s21  }
0x11: {  	v5 =	vld [tilespmem:s17+$0xFFFFFFD0];
	[tilespmem:s18+$0x2040 ss:$0x81] =	vst.msk $0xffff, v4;
	s23 =	sand.u32 $0xFFFFFC00, s22;
	s29 =	sand.u32 $0x380, s24;
	s22 =	sand.u32 $0x3C00, s22  }
0x12: {  	v58 =	vld [tilespmem:s17+$0xFFFFFFE0];
	[tilespmem:s18+$0x2850 ss:$0x81] =	vst.msk $0xffff, v3;
	s21 =	sadd.s32 s23, s21;
	s20 =	sor.u32 s28, s22;
	s22 =	smov.u32 s9  }
0x13: {  	v59 =	vld [tilespmem:s17+$0xFFFFFFF0];
	[tilespmem:s18+$0x3060 ss:$0x81] =	vst.msk $0xffff, v2;
	s24 =	sand.u32 s30, s9;
	s21 =	sshrl.u32 s21, $0xE;
	s22 =	simm.s32 @!p1 $0x368  }
0x14: {  	v60 =	vld [tilespmem:s17+$0x0];
	[tilespmem:s18+$0x0 ss:$0x81] =	vst.msk $0xffff, v1;
	p1 =	sgt.s32 s10, $0x3F80;
	s31 =	ssub.s32 s22, s24;
	s22 =	smov.u32 s10  }
0x15: {  	v61 =	vld [tilespmem:s17+$0x10];
	[tilespmem:s19+$0x3870 ss:$0x81] =	vst.msk $0xffff, v0;
	s25 =	smulhi.u32 $0x418938, s21;
	s24 =	sand.u32 s26, s10;
	s22 =	simm.s32 @!p1 $0x3F80  }
0x16: {  	v62 =	vld [tilespmem:s17+$0x20];
	s20 =	sor.u32 s29, s20;
	[tilespmem:s19+$0x810 ss:$0x81] =	vst.msk $0xffff, v5;
	s27 =	sadd.s32 $0xFFFFFC98, s31;
	s22 =	ssub.s32 s22, s24  }
0x17: {  	v63 =	vld [tilespmem:s17+$0xFFFFFFC0];
	[tilespmem:s19+$0x1020 ss:$0x81] =	vst.msk $0xffff, v58;
	s18 =	ssub.s32 $0x3E8, s31;
	s28 =	smul.u32 $0x3E8, s25;
	s29 =	sadd.s32 $0xFFFFC080, s22  }
0x18: {  	[tilespmem:s19+$0x1830 ss:$0x81] =	vst.msk $0xffff, v59;
	p1 =	sgt.s32 s27, $0x7F;
	s22 =	ssub.s32 $0x4000, s22;
	p2 =	sgt.s32 s29, $0x7F  }
0x19: {  	s30 =	sand.u32 $0x7, s10;
	[tilespmem:s19+$0x2040 ss:$0x81] =	vst.msk $0xffff, v60;
	s18 =	simm.s32 @p1 $0x0;
	s22 =	simm.s32 @p2 $0x0  }
0x1a: {  	s20 =	sshrl.u32 s20, $0x3;
	[tilespmem:s19+$0x2850 ss:$0x81] =	vst.msk $0xffff, v61;
	s17 =	ssub.s32 s21, s28;
	s18 =	smul.u32 s22, s18  }
0x1b: {  	[tilespmem:s19+$0x3060 ss:$0x81] =	vst.msk $0xffff, v62;
	s20 =	sadd.s32 s3, s20;
	s21 =	sshll.u32 s30, $0x12;
	s17 =	sshll.u32 s17, $0xB  }
0x1c: {  	[tilespmem:s19+$0x0 ss:$0x81] =	vst.msk $0xffff, v63;
	s31 =	sor.u32 $0x400, s21;
	s17 =	sadd.s32 s17, s20;
	s18 =	sand.u32 $0x3FFFFFFF, s18  }
0x1d: {  	[hbm4b:s17+s31] =	stream.strided.scatter [tilespmem:s16], [sflag:$0x2], s18, s8, s31, $0x20;
	[tilespmem:$0x10100] =	vst v63  }
.LBB1_5:
0x1e: {  	p1 =	slt.u32 s13, $0x2  }
0x1f: {  	s17 =	smov.u32 s15;
	p2 =	sgt.s32 @!p1 s15, $0x368;
	s16 =	sshra.s32 @!p1 s15, $0x1F  }
0x20: {  	p3 =	sgt.s32 @!p1 s14, $0x3F80;
	s18 =	sshra.s32 @!p1 s14, $0x1F;
	p2 =	por !p2, p1  }
0x21: {  	s15 =	sand.u32 @!p1 s16, s15;
	p3 =	por !p3, p1;
	s16 =	smov.u32 s14  }
0x22: {  	s14 =	sand.u32 @!p1 s18, s14;
	s17 =	simm.s32 @p2 $0x368;
	s16 =	simm.s32 @p3 $0x3F80  }
0x23: {  	s15 =	ssub.s32 @!p1 s17, s15;
	s14 =	ssub.s32 @!p1 s16, s14  }
0x24: {  	s18 =	smov.u32 s12;
	s16 =	sadd.s32 @!p1 $0xFFFFFC98, s15;
	s17 =	sadd.s32 @!p1 $0xFFFFC080, s14  }
0x25: {  	s15 =	ssub.s32 @!p1 $0x3E8, s15;
	p2 =	sgt.s32 @!p1 s16, $0x7F;
	p3 =	sgt.s32 @!p1 s17, $0x7F  }
0x26: {  	s14 =	ssub.s32 @!p1 $0x4000, s14;
	p2 =	por !p2, p1;
	p3 =	por !p3, p1  }
0x27: {  	s16 =	sadd.s32 $0x80, s11;
	s15 =	simm.s32 @!p2 $0x0;
	s14 =	simm.s32 @!p3 $0x0  }
0x28: {  	p2 =	sgt.s32 s16, $0x3E7;
	s14 =	smul.u32 @!p1 s14, s15;
	s15 =	sadd.s32 $0x1000, s12  }
0x29: {  	s18 =	smov.u32 @p2 s15  }
0x2a: {  	s16 =	simm.s32 @p2 $0x0;
	p2 =	sgt.s32 s18, $0x3FFF  }
0x2b: {  	s18 =	smov.u32 @p2 s2;
	p2 =	sne.s32 s13, s7  }
.Ltmp1:
0x2c: {  	p0 =	por !p0, !p0;
	s17 =	simm.s32 @!p1 $0x2;
	(pc) =	sbr.rel @!p2 .LBB1_6-.Ltmp1, $4  }
0x2d: {  	s15 =	smov.u32 s9;
	s9 =	smov.u32 s11;
	s14 =	sand.u32 @!p1 $0x3FFFFFFF, s14  }
0x2e: {  	s11 =	smov.u32 s16;
	_ =	swait.ge @!p1 [sflag:s17], s14;
	s19 =	ssub.s32 @!p1 $0x0, s14  }
0x2f: {  	s14 =	smov.u32 s10;
	s13 =	sadd.s32 $0x1, s13;
	[sflag:s17] =	ssyncset.done @!p1 $0x0  }
0x30: {  	s10 =	smov.u32 s12;
	s12 =	smov.u32 s18;
	[sflag:s17] =	ssyncadd.s32 @!p1 s19  }
.LBB1_1:
0x31: {  	p1 =	sge.u32 s13, s6  }
0x32: {  	s31 =	sadd.s32 $0xFFFFFFFF, s13;
	s16 =	sshll.u32 @!p1 s12, $0xA  }
0x33: {  	s17 =	sshll.u32 @!p1 s11, $0x3;
	s18 =	sshll.u32 @!p1 s12, $0x7;
	s16 =	sand.u32 @!p1 $0xFFE000, s16  }
0x34: {  	s19 =	sand.u32 @!p1 $0x78, s11;
	s16 =	sadd.s32 @!p1 s16, s17;
	s17 =	sand.u32 @!p1 $0x380, s18  }
0x35: {  	s18 =	sxor.u32 @!p1 $0xFFFFFFFF, s13;
	s16 =	sand.u32 @!p1 $0xFFFC00, s16;
	s17 =	sor.u32 @!p1 s17, s19  }
0x36: {  	s18 =	sshll.u32 @!p1 s18, $0xE;
	s16 =	sor.u32 @!p1 s16, s17;
	s17 =	sand.u32 @!p1 $0x7, s11  }
0x37: {  	s19 =	simm.s32 @!p1 $0x2000;
	s16 =	sshrl.u32 @!p1 s16, $0x3;
	s17 =	sshll.u32 @!p1 s17, $0x12  }
0x38: {  	s18 =	sand.u32 @!p1 $0x4000, s18;
	s16 =	sadd.s32 @!p1 s5, s16;
	s17 =	sor.u32 @!p1 $0x400, s17  }
0x39: {  	[tilespmem:s18], [sflag:$0x1] =	stream.strided.gather @!p1 [hbm4b:s16+s17], $0x4000, s19, s17, $0x38;
	[tilespmem:$0x10100] =	vst v63  }
0x3a: {  	p1 =	sge.u32 s31, s6  }
.Ltmp2:
0x3b: {  	_ = 	snop;
	(pc) =	sbr.rel @p1 .LBB1_5-.Ltmp2, $1  }
0x3c: {  	_ =	sdelay $0x3  }
0x3d: {  	s16 =	simm.s32 $0x1  }
0x3e: {  	_ =	swait.ge [sflag:s4], $0x4000;
	s16 =	simm.s32 @!p0 $0x0  }
0x3f: {  	[sflag:s4] =	ssyncset.done $0x0;
	s17 =	sshll.u32 s16, $0xE  }
0x40: {  	[sflag:s4] =	ssyncadd.s32 $0xFFFFC000;
	s17 =	sor.u32 $0x40, s17  }
0x41: {  	s16 =	smul.u32 $0x10200, s16;
	v0 =	vld [tilespmem:s17+$0x30]  }
0x42: {  	v1 =	vld [tilespmem:s17+$0xFFFFFFD0]  }
0x43: {  	s16 =	sshrl.u32 s16, $0x2;
	v5 =	vld [tilespmem:s17+$0xFFFFFFE0]  }
0x44: {  	v6 =	vld [tilespmem:s17+$0xFFFFFFF0];
	s19 =	sor.u32 $0x8000, s16  }
0x45: {  	s31 =	sand.u32 $0x1, s13;
	v4 =	vld [tilespmem:s17+$0x0];
	s18 =	sadd.s32 $0x0, s19  }
0x46: {  	v3 =	vld [tilespmem:s17+$0x10];
	s16 =	smul.u32 $0x10200, s31;
	[tilespmem:s18+$0x3870 ss:$0x81] =	vst.msk $0xffff, v0  }
0x47: {  	v2 =	vld [tilespmem:s17+$0x20];
	[tilespmem:s18+$0x810 ss:$0x81] =	vst.msk $0xffff, v1  }
0x48: {  	s16 =	sshrl.u32 s16, $0x2;
	v1 =	vld [tilespmem:s17+$0xFFFFFFC0];
	[tilespmem:s18+$0x1020 ss:$0x81] =	vst.msk $0xffff, v5;
	s17 =	sadd.s32 $0x80, s17  }
0x49: {  	s20 =	simm.s32 $0x4;
	s21 =	simm.s32 $0x8;
	s16 =	sor.u32 $0x8000, s16;
	[tilespmem:s18+$0x1830 ss:$0x81] =	vst.msk $0xffff, v6;
	v0 =	vld [tilespmem:s17+$0x30]  }
.LBB1_3:
0x4a: {  	p1 =	sne.s32 s21, $0x1FC;
	v5 =	vld [tilespmem:s17+$0xFFFFFFD0];
	[tilespmem:s18+$0x2040 ss:$0x81] =	vst.msk $0xffff, v4  }
0x4b: {  	v6 =	vld [tilespmem:s17+$0xFFFFFFE0];
	[tilespmem:s18+$0x2850 ss:$0x81] =	vst.msk $0xffff, v3  }
0x4c: {  	s22 =	sshra.s32 s20, $0x2;
	s20 =	smov.u32 s21;
	v7 =	vld [tilespmem:s17+$0xFFFFFFF0];
	[tilespmem:s18+$0x3060 ss:$0x81] =	vst.msk $0xffff, v2  }
.Ltmp3:
0x4d: {  	v4 =	vld [tilespmem:s17+$0x0];
	[tilespmem:s18+$0x0 ss:$0x81] =	vst.msk $0xffff, v1;
	s18 =	sadd.s32 s22, s19;
	(pc) =	sbr.rel @p1 .LBB1_3-.Ltmp3, $4  }
0x4e: {  	v3 =	vld [tilespmem:s17+$0x10];
	[tilespmem:s18+$0x3870 ss:$0x81] =	vst.msk $0xffff, v0  }
0x4f: {  	[tilespmem:s18+$0x810 ss:$0x81] =	vst.msk $0xffff, v5;
	v2 =	vld [tilespmem:s17+$0x20]  }
0x50: {  	v1 =	vld [tilespmem:s17+$0xFFFFFFC0];
	[tilespmem:s18+$0x1020 ss:$0x81] =	vst.msk $0xffff, v6;
	s17 =	sadd.s32 $0x80, s17  }
0x51: {  	s21 =	sadd.s32 $0x4, s21;
	v0 =	vld [tilespmem:s17+$0x30];
	[tilespmem:s18+$0x1830 ss:$0x81] =	vst.msk $0xffff, v7  }
.Ltmp4:
0x52: {  	_ = 	snop;
	(pc) =	sbr.rel .LBB1_4-.Ltmp4, $1  }
0x53: {  	_ =	sdelay $0x3  }
.LBB1_6:
0x54: {  	_ =	sfence.sel $0x180000  }
0x55: {  	s2 =	simm.s32 $0x1;
	[bflag:$0x0] =	sbarrier.arrive $0xFFFF  }
0x56: {  	s31 =	simm.s32 $0x2;
	[sflag:s2] =	ssyncpa.u1 $0x1  }
0x57: {  	[sflag:s31] =	ssyncpa.u1 $0x1  }
0x58: {  	p0 =	sne.s32 s0, $0x0;
	_ =	strace $0x9000004A  }
0x59: {  	s0 =	sadd.s32 @!p0 $0x100000, s1;
	[bflag:$0x2] =	sbarrier.arrive $0xFFFF  }
0x5a: {  	[sflag:s0] =	ssyncadd.tile.s32 @!p0 $0x1;
	_ =	shalt  }
.Lfunc_end1:
_tile_overlayer_lowered:
.L_overlay_start_2:
0x5b: {  	(tag) =	ssettag $0x2  }
0x5c: {  	s0 =	rddreg [dreg:$0x0];
	s2 =	stileid.u32  }
0x5d: {  	s1 =	rddreg [dreg:$0x1];
	p0 =	sne.s32 s2, $0x0  }
0x5e: {  	s3 =	rddreg [dreg:$0x2];
	[bflag:$0x3] =	sbarrier.arrive $0xFFFF;
	s2 =	simm.s32 @!p0 $0x1C01  }
0x5f: {  	[timem:s3], [sflag:s2] =	dma.local @!p0 [hbm:s0], s1  }
0x60: {  	s0 =	simm.s32 @!p0 $0x1  }
0x61: {  	_ =	swait.ge @!p0 [sflag:s0], s1  }
0x62: {  	s1 =	ssub.s32 @!p0 $0x0, s1;
	[sflag:s0] =	ssyncset.done @!p0 $0x0  }
0x63: {  	[sflag:s0] =	ssyncadd.s32 @!p0 s1  }
0x64: {  	[bflag:$0x3] =	sbarrier.arrive $0xFFFF  }
0x65: {  	_ =	shalt  }

</sc_bundles>
